<compile_context>
chip_gen: v7x
topology: tpu7x:2x2x1
jax: 0.10.2.dev20260603
libtpu: 0.0.44.dev20260713+nightly
codegen_flags: <defaults>
</compile_context>

<pallas_src>
import functools

import jax
import jax.numpy as jnp
from jax import lax
from jax.experimental import pallas as pl
from jax.experimental.pallas import tpu as pltpu
from jax.experimental.pallas import tpu_sc as plsc

_NC = 2
_NS = 16
_CH = 80
_NG = 128



def _sc_degree(n, e):
    ept = e // (_NC * _NS)
    mesh = plsc.VectorSubcoreMesh(core_axis_name="c", subcore_axis_name="s")

    @functools.partial(
        pl.kernel,
        out_type=jax.ShapeDtypeStruct((_NC * _NS, n), jnp.float32),
        mesh=mesh,
        scratch_types=[
            pltpu.VMEM((ept,), jnp.int32),
            pltpu.VMEM((n,), jnp.float32),
        ],
        compiler_params=pltpu.CompilerParams(needs_layout_passes=False),
    )
    def deg_kernel(dst_hbm, out_hbm, dst_v, deg_v):
        c = lax.axis_index("c")
        s = lax.axis_index("s")
        wid = c * _NS + s
        pltpu.sync_copy(dst_hbm.at[pl.ds(wid * ept, ept)], dst_v)

        def zero_body(i, carry):
            for j in range(4):
                deg_v[pl.ds(i * 64 + j * 16, 16)] = jnp.zeros(
                    (16,), jnp.float32)
            return carry

        lax.fori_loop(0, n // 64, zero_body, 0)
        for j in range(n // 16 - (n // 64) * 4):
            deg_v[pl.ds((n // 64) * 64 + j * 16, 16)] = jnp.zeros(
                (16,), jnp.float32)

        ones = jnp.ones((16,), jnp.float32)

        def body(i, carry):
            for j in range(4):
                idx = dst_v[pl.ds(i * 64 + j * 16, 16)]
                plsc.addupdate_scatter(deg_v, [idx], ones)
            return carry

        lax.fori_loop(0, ept // 64, body, 0)
        for j in range(ept // 16 - (ept // 64) * 4):
            idx = dst_v[pl.ds((ept // 64) * 64 + j * 16, 16)]
            plsc.addupdate_scatter(deg_v, [idx], ones)
        pltpu.sync_copy(deg_v, out_hbm.at[wid])

    return deg_kernel


def _sc_prop(n, d, e, branch_split):
    ept = e // _NS if branch_split else e // (_NC * _NS)
    sb = 2000
    nsb = ept // sb
    ncs = sb // _CH
    npt = (n // (8 * _NS)) * 8
    rem = n - npt * _NS
    mesh = plsc.VectorSubcoreMesh(core_axis_name="c", subcore_axis_name="s")

    @functools.partial(
        pl.kernel,
        out_type=jax.ShapeDtypeStruct((_NC, n, d), jnp.float32),
        mesh=mesh,
        scratch_types=[
            pltpu.VMEM((sb,), jnp.int32),
            pltpu.VMEM((sb // _CH, _CH), jnp.int32),
            pltpu.VMEM((_CH, d), jnp.float32),
            pltpu.VMEM((_CH, d), jnp.float32),
            pltpu.VMEM((_CH, d), jnp.float32),
            pltpu.VMEM_SHARED((n, d), jnp.float32),
            pltpu.SemaphoreType.DMA,
            pltpu.SemaphoreType.DMA,
            pltpu.SemaphoreType.DMA,
            pltpu.SemaphoreType.DMA,
        ],
    )
    def prop_kernel(src_hbm, dst2_hbm, h_hbm, zero_hbm, out_hbm,
                    src_v, dst_v, buf0, buf1, buf2, acc,
                    sem0, sem1, sem2, semz):
        c = lax.axis_index("c")
        s = lax.axis_index("s")

        pltpu.async_copy(zero_hbm.at[pl.ds(s * npt, npt)],
                         acc.at[pl.ds(s * npt, npt)], semz)
        if rem:
            @pl.when(s == 0)
            def _():
                pltpu.async_copy(zero_hbm.at[pl.ds(npt * _NS, rem)],
                                 acc.at[pl.ds(npt * _NS, rem)], semz)

        if branch_split:
            base = s * ept
            sb_base = s * nsb
        else:
            base = (c * _NS + s) * ept
            sb_base = (c * _NS + s) * nsb
        off = c * n

        def zero_wait():
            pltpu.make_async_copy(zero_hbm.at[pl.ds(s * npt, npt)],
                                  acc.at[pl.ds(s * npt, npt)], semz).wait()
            if rem:
                @pl.when(s == 0)
                def _():
                    pltpu.make_async_copy(
                        zero_hbm.at[pl.ds(npt * _NS, rem)],
                        acc.at[pl.ds(npt * _NS, rem)], semz).wait()

        bufs = (buf0, buf1, buf2)
        sems = (sem0, sem1, sem2)
        nslot = len(bufs)

        def issue(k, p):
            pltpu.async_copy(h_hbm.at[src_v.at[pl.ds(k * _CH, _CH)]],
                             bufs[p], sems[p])

        def wait(p):
            pltpu.make_async_copy(h_hbm.at[pl.ds(0, _CH)], bufs[p],
                                  sems[p]).wait()

        def drain(k, p):
            wait(p)
            pltpu.sync_copy(bufs[p], acc.at[dst_v.at[k]], add=True)

        def sb_body(b, carry):
            pltpu.sync_copy(src_hbm.at[pl.ds(base + b * sb, sb)], src_v)
            pltpu.sync_copy(dst2_hbm.at[sb_base + b], dst_v)
            if branch_split:
                def offs_body(i, c2):
                    src_v[pl.ds(i * 16, 16)] = src_v[pl.ds(i * 16, 16)] + off
                    return c2

                lax.fori_loop(0, sb // 16, offs_body, 0)

            for p in range(nslot):
                issue(p, p)

            @pl.when(b == 0)
            def _():
                zero_wait()
                plsc.subcore_barrier()

            def body(k, c2):
                kk = nslot * k
                for p in range(nslot):
                    drain(kk + p, p)

                    @pl.when(kk + p + nslot < ncs)
                    def _():
                        issue(kk + p + nslot, p)

                return c2

            lax.fori_loop(0, ncs // nslot, body, 0)
            for t in range(ncs - (ncs // nslot) * nslot):
                drain((ncs // nslot) * nslot + t, t)
            return carry

        lax.fori_loop(0, nsb, sb_body, 0)

        plsc.subcore_barrier()
        pltpu.sync_copy(acc.at[pl.ds(s * npt, npt)],
                        out_hbm.at[c, pl.ds(s * npt, npt)])
        if rem:
            @pl.when(s == 0)
            def _():
                pltpu.sync_copy(acc.at[pl.ds(npt * _NS, rem)],
                                out_hbm.at[c, pl.ds(npt * _NS, rem)])

    return prop_kernel



_ARB = pltpu.CompilerParams(dimension_semantics=("arbitrary",))
_ARB2 = pltpu.CompilerParams(dimension_semantics=("arbitrary", "arbitrary"))


def _inv_col(degp):
    ones = jnp.ones((_NC * _NS, 1), jnp.float32)
    deg = lax.dot_general(degp, ones, (((0,), (0,)), ((), ())),
                          preferred_element_type=jnp.float32)
    return lax.rsqrt(deg + 1.0)


def _tc_prep(n, d, nb, r):

    def kern(degp_ref, x_ref, hs_ref):
        inv = _inv_col(degp_ref[...])
        hs_ref[...] = x_ref[...] * inv

    return pl.pallas_call(
        kern,
        grid=(nb,),
        in_specs=[
            pl.BlockSpec((_NC * _NS, r), lambda i: (0, i)),
            pl.BlockSpec((r, d), lambda i: (i, 0)),
        ],
        out_specs=pl.BlockSpec((r, d), lambda i: (i, 0)),
        out_shape=jax.ShapeDtypeStruct((n, d), jnp.float32),
        compiler_params=_ARB,
    )


def _tc_layer1(n, d, nb, r):

    def kern(aggp_ref, x_ref, degp_ref, w_ref, b_ref, z_ref, hz_ref):
        p = aggp_ref[...]
        inv = _inv_col(degp_ref[...])
        x = x_ref[...]
        agg = (p[0] + p[1]) * inv + x * inv * inv
        for br in range(2):
            z = jnp.maximum(
                jnp.dot(agg, w_ref[br], preferred_element_type=jnp.float32)
                + b_ref[br], 0.0)
            z_ref[br] = z
            hz_ref[br] = z * inv

    return pl.pallas_call(
        kern,
        grid=(nb,),
        in_specs=[
            pl.BlockSpec((2, r, d), lambda i: (0, i, 0)),
            pl.BlockSpec((r, d), lambda i: (i, 0)),
            pl.BlockSpec((_NC * _NS, r), lambda i: (0, i)),
            pl.BlockSpec((2, d, d), lambda i: (0, 0, 0)),
            pl.BlockSpec((2, 1, d), lambda i: (0, 0, 0)),
        ],
        out_specs=[
            pl.BlockSpec((2, r, d), lambda i: (0, i, 0)),
            pl.BlockSpec((2, r, d), lambda i: (0, i, 0)),
        ],
        out_shape=[
            jax.ShapeDtypeStruct((2, n, d), jnp.float32),
            jax.ShapeDtypeStruct((2, n, d), jnp.float32),
        ],
        compiler_params=_ARB,
    )


def _tc_final(n, d, nb, r):

    def kern(agg2_ref, z1_ref, degp_ref, batch_ref, w2_ref, b2_ref,
             m1w1_ref, m1b1_ref, m1w2_ref, m1b2_ref,
             m2w1_ref, m2b1_ref, m2w2_ref, m2b2_ref,
             h1_ref, h2_ref, g1_ref, g2_ref, gacc0, gacc1, cnt):
        i = pl.program_id(0)
        nblocks = pl.num_programs(0)

        @pl.when(i == 0)
        def _():
            gacc0[...] = jnp.zeros_like(gacc0)
            gacc1[...] = jnp.zeros_like(gacc1)
            cnt[...] = jnp.zeros_like(cnt)

        inv = _inv_col(degp_ref[...])

        b = batch_ref[...]
        gids = lax.broadcasted_iota(jnp.int32, (_NG, r), 0)
        rows = lax.broadcasted_iota(jnp.int32, (1, r), 1) + i * r
        onehot = jnp.where((gids == b) & (rows < n), 1.0, 0.0)
        cnt[...] += jnp.broadcast_to(
            jnp.sum(onehot, axis=1, keepdims=True), (_NG, d))

        for br, (h_ref, gacc) in enumerate(((h1_ref, gacc0),
                                            (h2_ref, gacc1))):
            agg = agg2_ref[br] * inv + z1_ref[br] * inv * inv
            z2 = jnp.maximum(
                jnp.dot(agg, w2_ref[br], preferred_element_type=jnp.float32)
                + b2_ref[br], 0.0)
            t = jnp.maximum(
                jnp.dot(z2, m1w1_ref[...],
                        preferred_element_type=jnp.float32)
                + m1b1_ref[...], 0.0)
            h_ref[...] = (jnp.dot(t, m1w2_ref[...],
                                  preferred_element_type=jnp.float32)
                          + m1b2_ref[...])
            gacc[...] += jnp.dot(onehot, z2,
                                 preferred_element_type=jnp.float32)

        @pl.when(i == nblocks - 1)
        def _():
            c = jnp.maximum(cnt[...], 1.0)
            for g_ref, acc in ((g1_ref, gacc0), (g2_ref, gacc1)):
                gg = acc[...] / c
                gg = jnp.maximum(
                    jnp.dot(gg, m2w1_ref[...],
                            preferred_element_type=jnp.float32)
                    + m2b1_ref[...], 0.0)
                g_ref[...] = (jnp.dot(gg, m2w2_ref[...],
                                      preferred_element_type=jnp.float32)
                              + m2b2_ref[...])

    return pl.pallas_call(
        kern,
        grid=(nb,),
        in_specs=[
            pl.BlockSpec((2, r, d), lambda i: (0, i, 0)),
            pl.BlockSpec((2, r, d), lambda i: (0, i, 0)),
            pl.BlockSpec((_NC * _NS, r), lambda i: (0, i)),
            pl.BlockSpec((1, r), lambda i: (0, i)),
            pl.BlockSpec((2, d, d), lambda i: (0, 0, 0)),
            pl.BlockSpec((2, 1, d), lambda i: (0, 0, 0)),
            pl.BlockSpec((d, d), lambda i: (0, 0)),
            pl.BlockSpec((1, d), lambda i: (0, 0)),
            pl.BlockSpec((d, d), lambda i: (0, 0)),
            pl.BlockSpec((1, d), lambda i: (0, 0)),
            pl.BlockSpec((d, d), lambda i: (0, 0)),
            pl.BlockSpec((1, d), lambda i: (0, 0)),
            pl.BlockSpec((d, d), lambda i: (0, 0)),
            pl.BlockSpec((1, d), lambda i: (0, 0)),
        ],
        out_specs=[
            pl.BlockSpec((r, d), lambda i: (i, 0)),
            pl.BlockSpec((r, d), lambda i: (i, 0)),
            pl.BlockSpec((_NG, d), lambda i: (0, 0)),
            pl.BlockSpec((_NG, d), lambda i: (0, 0)),
        ],
        out_shape=[
            jax.ShapeDtypeStruct((n, d), jnp.float32),
            jax.ShapeDtypeStruct((n, d), jnp.float32),
            jax.ShapeDtypeStruct((_NG, d), jnp.float32),
            jax.ShapeDtypeStruct((_NG, d), jnp.float32),
        ],
        scratch_shapes=[
            pltpu.VMEM((_NG, d), jnp.float32),
            pltpu.VMEM((_NG, d), jnp.float32),
            pltpu.VMEM((_NG, d), jnp.float32),
        ],
        compiler_params=_ARB,
    )



def kernel(x, edge_index, batch,
           gcn1_W1, gcn1_b1, gcn1_W2, gcn1_b2,
           gcn2_W1, gcn2_b1, gcn2_W2, gcn2_b2,
           mlp1_W1, mlp1_b1, mlp1_W2, mlp1_b2,
           mlp2_W1, mlp2_b1, mlp2_W2, mlp2_b2):
    n, d = x.shape
    e = edge_index.shape[1]
    r = 1024
    nb = pl.cdiv(n, r)
    rf = 2048
    nbf = pl.cdiv(n, rf)

    src = edge_index[0].astype(jnp.int32)
    dst = edge_index[1].astype(jnp.int32)
    dst3 = dst.reshape(-1, 2000 // _CH, _CH)

    degp = _sc_degree(n, e)(dst)
    hs = _tc_prep(n, d, nb, r)(degp, x)

    zero = jnp.zeros((n, d), jnp.float32)
    aggp = _sc_prop(n, d, e, False)(src, dst3, hs, zero)

    w1s = jnp.stack([gcn1_W1, gcn2_W1])
    b1s = jnp.stack([gcn1_b1, gcn2_b1])[:, None, :]
    z, hz = _tc_layer1(n, d, nb, r)(aggp, x, degp, w1s, b1s)

    agg2 = _sc_prop(n, d, e, True)(src, dst3, hz.reshape(2 * n, d), zero)

    w2s = jnp.stack([gcn1_W2, gcn2_W2])
    b2s = jnp.stack([gcn1_b2, gcn2_b2])[:, None, :]
    h1, h2, g1, g2 = _tc_final(n, d, nbf, rf)(
        agg2, z, degp, batch.astype(jnp.int32)[None], w2s, b2s,
        mlp1_W1, mlp1_b1[None], mlp1_W2, mlp1_b2[None],
        mlp2_W1, mlp2_b1[None], mlp2_W2, mlp2_b2[None])

    return h1, h2, g1, g2

# --- scband reference (transcript-rebuilt; emitter-appended) ---
"""Pipeline reference for scband-encoder-10677288697935 (READ-ONLY COPY).

The authoritative reference and input builder live on the scoring server;
editing this copy changes nothing except your own understanding.
"""

import jax, jax.numpy as jnp
import numpy as np

N = 10000
E = 320000
D = 128
G = 128


def setup_inputs(seed: int = 0) -> dict:
    key = jax.random.key(seed)
    ks = jax.random.split(key, 16)
    x = jax.random.normal(ks[0], (N, D), dtype=jnp.float32)
    edge_index = jax.random.randint(ks[1], (2, E), 0, N)
    batch = jnp.sort(jax.random.randint(ks[2], (N,), 0, G))
    inp = {"x": x, "edge_index": edge_index, "batch": batch}
    wnames = ["gcn1_W1", "gcn1_W2", "gcn2_W1", "gcn2_W2", "mlp1_W1", "mlp1_W2", "mlp2_W1", "mlp2_W2"]
    for i, n in enumerate(wnames):
        inp[n] = jax.random.normal(ks[3 + i], (D, D), dtype=jnp.float32) * np.float32(1.0 / np.sqrt(D))
        inp[n.replace("W", "b")] = jnp.zeros((D,), dtype=jnp.float32)
    return inp


def _gcn_layer(h, src, dst, W, b):
    deg = jnp.zeros((h.shape[0],), h.dtype).at[dst].add(1.0) + 1.0
    inv = jax.lax.rsqrt(deg)
    msg = h[src] * (inv[src] * inv[dst])[:, None]
    agg = jax.ops.segment_sum(msg, dst, num_segments=h.shape[0])
    agg = agg + h * (inv * inv)[:, None]
    return jax.nn.relu(agg @ W + b)


def _gcn(h, edge_index, batch, W1, b1, W2, b2):
    src, dst = edge_index[0], edge_index[1]
    z = _gcn_layer(h, src, dst, W1, b1)
    z = _gcn_layer(z, src, dst, W2, b2)
    cnt = jax.ops.segment_sum(jnp.ones((h.shape[0],), h.dtype), batch, num_segments=G)
    g = jax.ops.segment_sum(z, batch, num_segments=G) / jnp.maximum(cnt, 1.0)[:, None]
    return z, g


def _mlp(h, W1, b1, W2, b2):
    return jax.nn.relu(h @ W1 + b1) @ W2 + b2


def reference(x, edge_index, batch, gcn1_W1, gcn1_b1, gcn1_W2, gcn1_b2, gcn2_W1, gcn2_b1, gcn2_W2, gcn2_b2, mlp1_W1, mlp1_b1, mlp1_W2, mlp1_b2, mlp2_W1, mlp2_b1, mlp2_W2, mlp2_b2):
    # aug1 / aug2: identity augmentations (deterministic stand-ins)
    x1, ei1 = x, edge_index
    x2, ei2 = x, edge_index
    z1, g1 = _gcn(x1, ei1, batch, gcn1_W1, gcn1_b1, gcn1_W2, gcn1_b2)
    z2, g2 = _gcn(x2, ei2, batch, gcn2_W1, gcn2_b1, gcn2_W2, gcn2_b2)
    h1 = _mlp(z1, mlp1_W1, mlp1_b1, mlp1_W2, mlp1_b2)
    h2 = _mlp(z2, mlp1_W1, mlp1_b1, mlp1_W2, mlp1_b2)
    g1 = _mlp(g1, mlp2_W1, mlp2_b1, mlp2_W2, mlp2_b2)
    g2 = _mlp(g2, mlp2_W1, mlp2_b1, mlp2_W2, mlp2_b2)
    return (h1, h2, g1, g2)

if __name__ == "__main__":
    import jax
    _d = setup_inputs()
    print(jax.jit(kernel)(*tuple(_d.values())))

</pallas_src>

<mosaic_0001>
#map = affine_map<(d0, d1) -> (0)>
#map1 = affine_map<(d0, d1) -> (0, 0)>
module attributes {stable_mosaic.version = 14 : i64} {
  func.func @deg_kernel(%arg0: i32, %arg1: i32, %arg2: memref<320000xi32, #tpu.memory_space<hbm>>, %arg3: memref<32x10000xf32, #tpu.memory_space<hbm>>, %arg4: memref<10000xi32, #tpu.memory_space<vmem>>, %arg5: memref<10000xf32, #tpu.memory_space<vmem>>) attributes {dimension_semantics = [#tpu.dimension_semantics<core_parallel>, #tpu.dimension_semantics<subcore_parallel>], iteration_bounds = array<i64: 2, 16>, scalar_prefetch = 0 : i64, scratch_operands = 2 : i64, tpu.core_type = #tpu.core_type<sc_vector_subcore>, window_params = [{transform_indices = #map}, {transform_indices = #map1}]} {
    %mul3A = arith.constant 16 : i32
    %mul3A_0 = arith.muli %arg0, %mul3A : i32
    %add3A = arith.addi %mul3A_0, %arg1 : i32
    %mul3A_1 = arith.constant 10000 : i32
    %mul3A_2 = arith.muli %add3A, %mul3A_1 : i32
    "tpu.region"() ({
      %run_scoped3A = tpu.sem_alloc : memref<!tpu.dma_semaphore, #tpu.memory_space<semaphore_mem>>
      %dma_start3A = tpu.memref_slice %arg2[%mul3A_2] : memref<320000xi32, #tpu.memory_space<hbm>> -> memref<10000xi32, #tpu.memory_space<hbm>>
      %dma_start3A_19 = tpu.memref_slice %arg2[%mul3A_2] : memref<320000xi32, #tpu.memory_space<hbm>> -> memref<10000xi32, #tpu.memory_space<hbm>>
      tpu.enqueue_dma source(%dma_start3A_19 : memref<10000xi32, #tpu.memory_space<hbm>>) target(%arg4 : memref<10000xi32, #tpu.memory_space<vmem>>) target_semaphore(%run_scoped3A : memref<!tpu.dma_semaphore, #tpu.memory_space<semaphore_mem>>)
      %dma_wait3A = tpu.memref_slice %arg2[%mul3A_2] : memref<320000xi32, #tpu.memory_space<hbm>> -> memref<10000xi32, #tpu.memory_space<hbm>>
      %dma_wait3A_20 = tpu.memref_slice %arg2[%mul3A_2] : memref<320000xi32, #tpu.memory_space<hbm>> -> memref<10000xi32, #tpu.memory_space<hbm>>
      tpu.wait_dma2 semaphore(%run_scoped3A : memref<!tpu.dma_semaphore, #tpu.memory_space<semaphore_mem>>) src(%dma_wait3A_20 : memref<10000xi32, #tpu.memory_space<hbm>>) dst(%arg4 : memref<10000xi32, #tpu.memory_space<vmem>>)
      tpu.yield
    }) : () -> ()
    %scan3A = arith.constant 0 : i32
    %scan3A_3 = arith.constant 0 : i32
    %scan3A_4 = arith.constant 156 : i32
    %scan3A_5 = arith.addi %scan3A_3, %scan3A_4 : i32
    %scan3A_6 = arith.constant 1 : i32
    scf.for %scan3A_19 = %scan3A_3 to %scan3A_5 step %scan3A_6  : i32 {
      %broadcast_in_dim3A_20 = arith.constant 0.000000e+00 : f32
      %broadcast_in_dim3A_21 = vector.broadcast %broadcast_in_dim3A_20 : f32 to vector<16xf32>
      %mul3A_22 = arith.constant 64 : i32
      %mul3A_23 = arith.muli %scan3A_19, %mul3A_22 : i32
      %add3A_24 = arith.constant 0 : i32
      %add3A_25 = arith.addi %mul3A_23, %add3A_24 : i32
      %swap3A_26 = arith.index_cast %add3A_25 : i32 to index
      %swap3A_27 = tpu.vector_load %arg5[%swap3A_26] {strides = array<i32>} : memref<10000xf32, #tpu.memory_space<vmem>>, vector<16xf32>,
      tpu.vector_store %arg5[%swap3A_26], %broadcast_in_dim3A_21 {strides = array<i32>} : memref<10000xf32, #tpu.memory_space<vmem>>, vector<16xf32>,
      %broadcast_in_dim3A_28 = arith.constant 0.000000e+00 : f32
      %broadcast_in_dim3A_29 = vector.broadcast %broadcast_in_dim3A_28 : f32 to vector<16xf32>
      %mul3A_30 = arith.constant 64 : i32
      %mul3A_31 = arith.muli %scan3A_19, %mul3A_30 : i32
      %add3A_32 = arith.constant 16 : i32
      %add3A_33 = arith.addi %mul3A_31, %add3A_32 : i32
      %swap3A_34 = arith.index_cast %add3A_33 : i32 to index
      %swap3A_35 = tpu.vector_load %arg5[%swap3A_34] {strides = array<i32>} : memref<10000xf32, #tpu.memory_space<vmem>>, vector<16xf32>,
      tpu.vector_store %arg5[%swap3A_34], %broadcast_in_dim3A_29 {strides = array<i32>} : memref<10000xf32, #tpu.memory_space<vmem>>, vector<16xf32>,
      %broadcast_in_dim3A_36 = arith.constant 0.000000e+00 : f32
      %broadcast_in_dim3A_37 = vector.broadcast %broadcast_in_dim3A_36 : f32 to vector<16xf32>
      %mul3A_38 = arith.constant 64 : i32
      %mul3A_39 = arith.muli %scan3A_19, %mul3A_38 : i32
      %add3A_40 = arith.constant 32 : i32
      %add3A_41 = arith.addi %mul3A_39, %add3A_40 : i32
      %swap3A_42 = arith.index_cast %add3A_41 : i32 to index
      %swap3A_43 = tpu.vector_load %arg5[%swap3A_42] {strides = array<i32>} : memref<10000xf32, #tpu.memory_space<vmem>>, vector<16xf32>,
      tpu.vector_store %arg5[%swap3A_42], %broadcast_in_dim3A_37 {strides = array<i32>} : memref<10000xf32, #tpu.memory_space<vmem>>, vector<16xf32>,
      %broadcast_in_dim3A_44 = arith.constant 0.000000e+00 : f32
      %broadcast_in_dim3A_45 = vector.broadcast %broadcast_in_dim3A_44 : f32 to vector<16xf32>
      %mul3A_46 = arith.constant 64 : i32
      %mul3A_47 = arith.muli %scan3A_19, %mul3A_46 : i32
      %add3A_48 = arith.constant 48 : i32
      %add3A_49 = arith.addi %mul3A_47, %add3A_48 : i32
      %swap3A_50 = arith.index_cast %add3A_49 : i32 to index
      %swap3A_51 = tpu.vector_load %arg5[%swap3A_50] {strides = array<i32>} : memref<10000xf32, #tpu.memory_space<vmem>>, vector<16xf32>,
      tpu.vector_store %arg5[%swap3A_50], %broadcast_in_dim3A_45 {strides = array<i32>} : memref<10000xf32, #tpu.memory_space<vmem>>, vector<16xf32>,
    }
    %scan3A_7 = arith.constant 156 : i32
    %broadcast_in_dim3A = arith.constant 0.000000e+00 : f32
    %broadcast_in_dim3A_8 = vector.broadcast %broadcast_in_dim3A : f32 to vector<16xf32>
    %swap3A = arith.constant 9984 : index
    %swap3A_9 = tpu.vector_load %arg5[%swap3A] {strides = array<i32>} : memref<10000xf32, #tpu.memory_space<vmem>>, vector<16xf32>,
    tpu.vector_store %arg5[%swap3A], %broadcast_in_dim3A_8 {strides = array<i32>} : memref<10000xf32, #tpu.memory_space<vmem>>, vector<16xf32>,
    %broadcast_in_dim3A_10 = arith.constant 1.000000e+00 : f32
    %broadcast_in_dim3A_11 = vector.broadcast %broadcast_in_dim3A_10 : f32 to vector<16xf32>
    %scan3A_12 = arith.constant 0 : i32
    %scan3A_13 = arith.constant 0 : i32
    %scan3A_14 = arith.constant 156 : i32
    %scan3A_15 = arith.addi %scan3A_13, %scan3A_14 : i32
    %scan3A_16 = arith.constant 1 : i32
    scf.for %scan3A_19 = %scan3A_13 to %scan3A_15 step %scan3A_16  : i32 {
      %mul3A_20 = arith.constant 64 : i32
      %mul3A_21 = arith.muli %scan3A_19, %mul3A_20 : i32
      %add3A_22 = arith.constant 0 : i32
      %add3A_23 = arith.addi %mul3A_21, %add3A_22 : i32
      %get3A_24 = arith.index_cast %add3A_23 : i32 to index
      %get3A_25 = tpu.vector_load %arg4[%get3A_24] {strides = array<i32>} : memref<10000xi32, #tpu.memory_space<vmem>>, vector<16xi32>,
      tpu.vector_store_idx %arg5[%get3A_25], %broadcast_in_dim3A_11 {add = true} : memref<10000xf32, #tpu.memory_space<vmem>>[vector<16xi32>], vector<16xf32>,
      %mul3A_26 = arith.constant 64 : i32
      %mul3A_27 = arith.muli %scan3A_19, %mul3A_26 : i32
      %add3A_28 = arith.constant 16 : i32
      %add3A_29 = arith.addi %mul3A_27, %add3A_28 : i32
      %get3A_30 = arith.index_cast %add3A_29 : i32 to index
      %get3A_31 = tpu.vector_load %arg4[%get3A_30] {strides = array<i32>} : memref<10000xi32, #tpu.memory_space<vmem>>, vector<16xi32>,
      tpu.vector_store_idx %arg5[%get3A_31], %broadcast_in_dim3A_11 {add = true} : memref<10000xf32, #tpu.memory_space<vmem>>[vector<16xi32>], vector<16xf32>,
      %mul3A_32 = arith.constant 64 : i32
      %mul3A_33 = arith.muli %scan3A_19, %mul3A_32 : i32
      %add3A_34 = arith.constant 32 : i32
      %add3A_35 = arith.addi %mul3A_33, %add3A_34 : i32
      %get3A_36 = arith.index_cast %add3A_35 : i32 to index
      %get3A_37 = tpu.vector_load %arg4[%get3A_36] {strides = array<i32>} : memref<10000xi32, #tpu.memory_space<vmem>>, vector<16xi32>,
      tpu.vector_store_idx %arg5[%get3A_37], %broadcast_in_dim3A_11 {add = true} : memref<10000xf32, #tpu.memory_space<vmem>>[vector<16xi32>], vector<16xf32>,
      %mul3A_38 = arith.constant 64 : i32
      %mul3A_39 = arith.muli %scan3A_19, %mul3A_38 : i32
      %add3A_40 = arith.constant 48 : i32
      %add3A_41 = arith.addi %mul3A_39, %add3A_40 : i32
      %get3A_42 = arith.index_cast %add3A_41 : i32 to index
      %get3A_43 = tpu.vector_load %arg4[%get3A_42] {strides = array<i32>} : memref<10000xi32, #tpu.memory_space<vmem>>, vector<16xi32>,
      tpu.vector_store_idx %arg5[%get3A_43], %broadcast_in_dim3A_11 {add = true} : memref<10000xf32, #tpu.memory_space<vmem>>[vector<16xi32>], vector<16xf32>,
    }
    %scan3A_17 = arith.constant 156 : i32
    %get3A = arith.constant 9984 : index
    %get3A_18 = tpu.vector_load %arg4[%get3A] {strides = array<i32>} : memref<10000xi32, #tpu.memory_space<vmem>>, vector<16xi32>,
    tpu.vector_store_idx %arg5[%get3A_18], %broadcast_in_dim3A_11 {add = true} : memref<10000xf32, #tpu.memory_space<vmem>>[vector<16xi32>], vector<16xf32>,
    "tpu.region"() ({
      %run_scoped3A = tpu.sem_alloc : memref<!tpu.dma_semaphore, #tpu.memory_space<semaphore_mem>>
      %dma_start3A = arith.constant 0 : i32
      %dma_start3A_19 = tpu.memref_slice %arg3[%add3A, %dma_start3A] : memref<32x10000xf32, #tpu.memory_space<hbm>> -> memref<1x10000xf32, #tpu.memory_space<hbm>>
      %dma_start3A_20 = tpu.memref_squeeze %dma_start3A_19 : memref<1x10000xf32, #tpu.memory_space<hbm>> -> memref<10000xf32, #tpu.memory_space<hbm>>
      %dma_start3A_21 = arith.constant 0 : i32
      %dma_start3A_22 = tpu.memref_slice %arg3[%add3A, %dma_start3A_21] : memref<32x10000xf32, #tpu.memory_space<hbm>> -> memref<1x10000xf32, #tpu.memory_space<hbm>>
      %dma_start3A_23 = tpu.memref_squeeze %dma_start3A_22 : memref<1x10000xf32, #tpu.memory_space<hbm>> -> memref<10000xf32, #tpu.memory_space<hbm>>
      tpu.enqueue_dma source(%arg5 : memref<10000xf32, #tpu.memory_space<vmem>>) target(%dma_start3A_23 : memref<10000xf32, #tpu.memory_space<hbm>>) target_semaphore(%run_scoped3A : memref<!tpu.dma_semaphore, #tpu.memory_space<semaphore_mem>>)
      %dma_wait3A = arith.constant 0 : i32
      %dma_wait3A_24 = tpu.memref_slice %arg3[%add3A, %dma_wait3A] : memref<32x10000xf32, #tpu.memory_space<hbm>> -> memref<1x10000xf32, #tpu.memory_space<hbm>>
      %dma_wait3A_25 = tpu.memref_squeeze %dma_wait3A_24 : memref<1x10000xf32, #tpu.memory_space<hbm>> -> memref<10000xf32, #tpu.memory_space<hbm>>
      %dma_wait3A_26 = arith.constant 0 : i32
      %dma_wait3A_27 = tpu.memref_slice %arg3[%add3A, %dma_wait3A_26] : memref<32x10000xf32, #tpu.memory_space<hbm>> -> memref<1x10000xf32, #tpu.memory_space<hbm>>
      %dma_wait3A_28 = tpu.memref_squeeze %dma_wait3A_27 : memref<1x10000xf32, #tpu.memory_space<hbm>> -> memref<10000xf32, #tpu.memory_space<hbm>>
      tpu.wait_dma2 semaphore(%run_scoped3A : memref<!tpu.dma_semaphore, #tpu.memory_space<semaphore_mem>>) src(%arg5 : memref<10000xf32, #tpu.memory_space<vmem>>) dst(%dma_wait3A_28 : memref<10000xf32, #tpu.memory_space<hbm>>)
      tpu.yield
    }) : () -> ()
    return
  }
}

#map = affine_map<(d0, d1) -> (0)>
#map1 = affine_map<(d0, d1) -> (0, 0, 0)>
#map2 = affine_map<(d0, d1) -> (0, 0)>
module attributes {stable_mosaic.version = 14 : i64} {
  func.func @prop_kernel(%arg0: i32, %arg1: i32, %arg2: memref<320000xi32, #tpu.memory_space<hbm>>, %arg3: memref<160x25x80xi32, #tpu.memory_space<hbm>>, %arg4: memref<10000x128xf32, #tpu.memory_space<hbm>>, %arg5: memref<10000x128xf32, #tpu.memory_space<hbm>>, %arg6: memref<2x10000x128xf32, #tpu.memory_space<hbm>>, %arg7: memref<2000xi32, #tpu.memory_space<vmem>>, %arg8: memref<25x80xi32, #tpu.memory_space<vmem>>, %arg9: memref<80x128xf32, #tpu.memory_space<vmem>>, %arg10: memref<80x128xf32, #tpu.memory_space<vmem>>, %arg11: memref<80x128xf32, #tpu.memory_space<vmem>>, %arg12: memref<10000x128xf32, #tpu.memory_space<vmem_shared>>, %arg13: memref<!tpu.dma_semaphore, #tpu.memory_space<semaphore_mem>>, %arg14: memref<!tpu.dma_semaphore, #tpu.memory_space<semaphore_mem>>, %arg15: memref<!tpu.dma_semaphore, #tpu.memory_space<semaphore_mem>>, %arg16: memref<!tpu.dma_semaphore, #tpu.memory_space<semaphore_mem>>) attributes {dimension_semantics = [#tpu.dimension_semantics<core_parallel>, #tpu.dimension_semantics<subcore_parallel>], iteration_bounds = array<i64: 2, 16>, scalar_prefetch = 0 : i64, scratch_operands = 10 : i64, tpu.core_type = #tpu.core_type<sc_vector_subcore>, window_params = [{transform_indices = #map}, {transform_indices = #map1}, {transform_indices = #map2}, {transform_indices = #map2}, {transform_indices = #map1}]} {
    %mul3A = arith.constant 624 : i32
    %mul3A_0 = arith.muli %arg1, %mul3A : i32
    %mul3A_1 = arith.constant 624 : i32
    %mul3A_2 = arith.muli %arg1, %mul3A_1 : i32
    %dma_start3A = arith.constant 0 : i32
    %dma_start3A_3 = tpu.memref_slice %arg12[%mul3A_2, %dma_start3A] : memref<10000x128xf32, #tpu.memory_space<vmem_shared>> -> memref<624x128xf32, #tpu.memory_space<vmem_shared>>
    %dma_start3A_4 = arith.constant 0 : i32
    %dma_start3A_5 = tpu.memref_slice %arg5[%mul3A_0, %dma_start3A_4] : memref<10000x128xf32, #tpu.memory_space<hbm>> -> memref<624x128xf32, #tpu.memory_space<hbm>>
    tpu.enqueue_dma source(%dma_start3A_5 : memref<624x128xf32, #tpu.memory_space<hbm>>) target(%dma_start3A_3 : memref<624x128xf32, #tpu.memory_space<vmem_shared>>) target_semaphore(%arg16 : memref<!tpu.dma_semaphore, #tpu.memory_space<semaphore_mem>>)
    %eq3A = arith.constant 0 : i32
    %eq3A_6 = arith.cmpi eq, %arg1, %eq3A : i32
    %convert_element_type3A = arith.extui %eq3A_6 : i1 to i32
    %cond3A = arith.constant 0 : i32
    %cond3A_7 = arith.cmpi ne, %convert_element_type3A, %cond3A : i32
    scf.if %cond3A_7 {
      %dma_start3A_33 = arith.constant 9984 : i32
      %dma_start3A_34 = arith.constant 0 : i32
      %dma_start3A_35 = tpu.memref_slice %arg12[%dma_start3A_33, %dma_start3A_34] : memref<10000x128xf32, #tpu.memory_space<vmem_shared>> -> memref<16x128xf32, #tpu.memory_space<vmem_shared>>
      %dma_start3A_36 = arith.constant 9984 : i32
      %dma_start3A_37 = arith.constant 0 : i32
      %dma_start3A_38 = tpu.memref_slice %arg5[%dma_start3A_36, %dma_start3A_37] : memref<10000x128xf32, #tpu.memory_space<hbm>> -> memref<16x128xf32, #tpu.memory_space<hbm>>
      tpu.enqueue_dma source(%dma_start3A_38 : memref<16x128xf32, #tpu.memory_space<hbm>>) target(%dma_start3A_35 : memref<16x128xf32, #tpu.memory_space<vmem_shared>>) target_semaphore(%arg16 : memref<!tpu.dma_semaphore, #tpu.memory_space<semaphore_mem>>)
    } else {
    }
    %mul3A_8 = arith.constant 16 : i32
    %mul3A_9 = arith.muli %arg0, %mul3A_8 : i32
    %add3A = arith.addi %mul3A_9, %arg1 : i32
    %mul3A_10 = arith.constant 10000 : i32
    %mul3A_11 = arith.muli %add3A, %mul3A_10 : i32
    %mul3A_12 = arith.constant 16 : i32
    %mul3A_13 = arith.muli %arg0, %mul3A_12 : i32
    %add3A_14 = arith.addi %mul3A_13, %arg1 : i32
    %mul3A_15 = arith.constant 5 : i32
    %mul3A_16 = arith.muli %add3A_14, %mul3A_15 : i32
    %mul3A_17 = arith.constant 10000 : i32
    %mul3A_18 = arith.muli %arg0, %mul3A_17 : i32
    %scan3A = arith.constant 0 : i32
    %scan3A_19 = arith.constant 0 : i32
    %scan3A_20 = arith.constant 5 : i32
    %scan3A_21 = arith.addi %scan3A_19, %scan3A_20 : i32
    %scan3A_22 = arith.constant 1 : i32
    scf.for %scan3A_33 = %scan3A_19 to %scan3A_21 step %scan3A_22  : i32 {
      %mul3A_34 = arith.constant 2000 : i32
      %mul3A_35 = arith.muli %scan3A_33, %mul3A_34 : i32
      %add3A_36 = arith.addi %mul3A_11, %mul3A_35 : i32
      "tpu.region"() ({
        %run_scoped3A_69 = tpu.sem_alloc : memref<!tpu.dma_semaphore, #tpu.memory_space<semaphore_mem>>
        %dma_start3A_70 = tpu.memref_slice %arg2[%add3A_36] : memref<320000xi32, #tpu.memory_space<hbm>> -> memref<2000xi32, #tpu.memory_space<hbm>>
        %dma_start3A_71 = tpu.memref_slice %arg2[%add3A_36] : memref<320000xi32, #tpu.memory_space<hbm>> -> memref<2000xi32, #tpu.memory_space<hbm>>
        tpu.enqueue_dma source(%dma_start3A_71 : memref<2000xi32, #tpu.memory_space<hbm>>) target(%arg7 : memref<2000xi32, #tpu.memory_space<vmem>>) target_semaphore(%run_scoped3A_69 : memref<!tpu.dma_semaphore, #tpu.memory_space<semaphore_mem>>)
        %dma_wait3A_72 = tpu.memref_slice %arg2[%add3A_36] : memref<320000xi32, #tpu.memory_space<hbm>> -> memref<2000xi32, #tpu.memory_space<hbm>>
        %dma_wait3A_73 = tpu.memref_slice %arg2[%add3A_36] : memref<320000xi32, #tpu.memory_space<hbm>> -> memref<2000xi32, #tpu.memory_space<hbm>>
        tpu.wait_dma2 semaphore(%run_scoped3A_69 : memref<!tpu.dma_semaphore, #tpu.memory_space<semaphore_mem>>) src(%dma_wait3A_73 : memref<2000xi32, #tpu.memory_space<hbm>>) dst(%arg7 : memref<2000xi32, #tpu.memory_space<vmem>>)
        tpu.yield
      }) : () -> ()
      %add3A_37 = arith.addi %mul3A_16, %scan3A_33 : i32
      "tpu.region"() ({
        %run_scoped3A_69 = tpu.sem_alloc : memref<!tpu.dma_semaphore, #tpu.memory_space<semaphore_mem>>
        %dma_start3A_70 = arith.constant 0 : i32
        %dma_start3A_71 = arith.constant 0 : i32
        %dma_start3A_72 = tpu.memref_slice %arg3[%add3A_37, %dma_start3A_70, %dma_start3A_71] : memref<160x25x80xi32, #tpu.memory_space<hbm>> -> memref<1x25x80xi32, #tpu.memory_space<hbm>>
        %dma_start3A_73 = tpu.memref_squeeze %dma_start3A_72 : memref<1x25x80xi32, #tpu.memory_space<hbm>> -> memref<25x80xi32, #tpu.memory_space<hbm>>
        %dma_start3A_74 = arith.constant 0 : i32
        %dma_start3A_75 = arith.constant 0 : i32
        %dma_start3A_76 = tpu.memref_slice %arg3[%add3A_37, %dma_start3A_74, %dma_start3A_75] : memref<160x25x80xi32, #tpu.memory_space<hbm>> -> memref<1x25x80xi32, #tpu.memory_space<hbm>>
        %dma_start3A_77 = tpu.memref_squeeze %dma_start3A_76 : memref<1x25x80xi32, #tpu.memory_space<hbm>> -> memref<25x80xi32, #tpu.memory_space<hbm>>
        tpu.enqueue_dma source(%dma_start3A_77 : memref<25x80xi32, #tpu.memory_space<hbm>>) target(%arg8 : memref<25x80xi32, #tpu.memory_space<vmem>>) target_semaphore(%run_scoped3A_69 : memref<!tpu.dma_semaphore, #tpu.memory_space<semaphore_mem>>)
        %dma_wait3A_78 = arith.constant 0 : i32
        %dma_wait3A_79 = arith.constant 0 : i32
        %dma_wait3A_80 = tpu.memref_slice %arg3[%add3A_37, %dma_wait3A_78, %dma_wait3A_79] : memref<160x25x80xi32, #tpu.memory_space<hbm>> -> memref<1x25x80xi32, #tpu.memory_space<hbm>>
        %dma_wait3A_81 = tpu.memref_squeeze %dma_wait3A_80 : memref<1x25x80xi32, #tpu.memory_space<hbm>> -> memref<25x80xi32, #tpu.memory_space<hbm>>
        %dma_wait3A_82 = arith.constant 0 : i32
        %dma_wait3A_83 = arith.constant 0 : i32
        %dma_wait3A_84 = tpu.memref_slice %arg3[%add3A_37, %dma_wait3A_82, %dma_wait3A_83] : memref<160x25x80xi32, #tpu.memory_space<hbm>> -> memref<1x25x80xi32, #tpu.memory_space<hbm>>
        %dma_wait3A_85 = tpu.memref_squeeze %dma_wait3A_84 : memref<1x25x80xi32, #tpu.memory_space<hbm>> -> memref<25x80xi32, #tpu.memory_space<hbm>>
        tpu.wait_dma2 semaphore(%run_scoped3A_69 : memref<!tpu.dma_semaphore, #tpu.memory_space<semaphore_mem>>) src(%dma_wait3A_85 : memref<25x80xi32, #tpu.memory_space<hbm>>) dst(%arg8 : memref<25x80xi32, #tpu.memory_space<vmem>>)
        tpu.yield
      }) : () -> ()
      %dma_start3A_38 = arith.constant 0 : i32
      %dma_start3A_39 = tpu.memref_slice %arg7[%dma_start3A_38] : memref<2000xi32, #tpu.memory_space<vmem>> -> memref<80xi32, #tpu.memory_space<vmem>>
      %dma_start3A_40 = arith.constant 0 : i32
      %dma_start3A_41 = arith.constant 0 : i32
      %dma_start3A_42 = tpu.memref_slice %arg4[%dma_start3A_40, %dma_start3A_41] : memref<10000x128xf32, #tpu.memory_space<hbm>> -> memref<10000x128xf32, #tpu.memory_space<hbm>>
      tpu.enqueue_indirect_dma source(%dma_start3A_42 : memref<10000x128xf32, #tpu.memory_space<hbm>>) target(%arg9 : memref<80x128xf32, #tpu.memory_space<vmem>>) offsets(%dma_start3A_39 : memref<80xi32, #tpu.memory_space<vmem>>) semaphore(%arg13 : memref<!tpu.dma_semaphore, #tpu.memory_space<semaphore_mem>>)
      %dma_start3A_43 = arith.constant 80 : i32
      %dma_start3A_44 = tpu.memref_slice %arg7[%dma_start3A_43] : memref<2000xi32, #tpu.memory_space<vmem>> -> memref<80xi32, #tpu.memory_space<vmem>>
      %dma_start3A_45 = arith.constant 0 : i32
      %dma_start3A_46 = arith.constant 0 : i32
      %dma_start3A_47 = tpu.memref_slice %arg4[%dma_start3A_45, %dma_start3A_46] : memref<10000x128xf32, #tpu.memory_space<hbm>> -> memref<10000x128xf32, #tpu.memory_space<hbm>>
      tpu.enqueue_indirect_dma source(%dma_start3A_47 : memref<10000x128xf32, #tpu.memory_space<hbm>>) target(%arg10 : memref<80x128xf32, #tpu.memory_space<vmem>>) offsets(%dma_start3A_44 : memref<80xi32, #tpu.memory_space<vmem>>) semaphore(%arg14 : memref<!tpu.dma_semaphore, #tpu.memory_space<semaphore_mem>>)
      %dma_start3A_48 = arith.constant 160 : i32
      %dma_start3A_49 = tpu.memref_slice %arg7[%dma_start3A_48] : memref<2000xi32, #tpu.memory_space<vmem>> -> memref<80xi32, #tpu.memory_space<vmem>>
      %dma_start3A_50 = arith.constant 0 : i32
      %dma_start3A_51 = arith.constant 0 : i32
      %dma_start3A_52 = tpu.memref_slice %arg4[%dma_start3A_50, %dma_start3A_51] : memref<10000x128xf32, #tpu.memory_space<hbm>> -> memref<10000x128xf32, #tpu.memory_space<hbm>>
      tpu.enqueue_indirect_dma source(%dma_start3A_52 : memref<10000x128xf32, #tpu.memory_space<hbm>>) target(%arg11 : memref<80x128xf32, #tpu.memory_space<vmem>>) offsets(%dma_start3A_49 : memref<80xi32, #tpu.memory_space<vmem>>) semaphore(%arg15 : memref<!tpu.dma_semaphore, #tpu.memory_space<semaphore_mem>>)
      %eq3A_53 = arith.constant 0 : i32
      %eq3A_54 = arith.cmpi eq, %scan3A_33, %eq3A_53 : i32
      %convert_element_type3A_55 = arith.extui %eq3A_54 : i1 to i32
      %cond3A_56 = arith.constant 0 : i32
      %cond3A_57 = arith.cmpi ne, %convert_element_type3A_55, %cond3A_56 : i32
      scf.if %cond3A_57 {
        %mul3A_69 = arith.constant 624 : i32
        %mul3A_70 = arith.muli %arg1, %mul3A_69 : i32
        %mul3A_71 = arith.constant 624 : i32
        %mul3A_72 = arith.muli %arg1, %mul3A_71 : i32
        %dma_wait3A_73 = arith.constant 0 : i32
        %dma_wait3A_74 = tpu.memref_slice %arg12[%mul3A_72, %dma_wait3A_73] : memref<10000x128xf32, #tpu.memory_space<vmem_shared>> -> memref<624x128xf32, #tpu.memory_space<vmem_shared>>
        %dma_wait3A_75 = arith.constant 0 : i32
        %dma_wait3A_76 = tpu.memref_slice %arg5[%mul3A_70, %dma_wait3A_75] : memref<10000x128xf32, #tpu.memory_space<hbm>> -> memref<624x128xf32, #tpu.memory_space<hbm>>
        tpu.wait_dma2 semaphore(%arg16 : memref<!tpu.dma_semaphore, #tpu.memory_space<semaphore_mem>>) src(%dma_wait3A_76 : memref<624x128xf32, #tpu.memory_space<hbm>>) dst(%dma_wait3A_74 : memref<624x128xf32, #tpu.memory_space<vmem_shared>>)
        %eq3A_77 = arith.constant 0 : i32
        %eq3A_78 = arith.cmpi eq, %arg1, %eq3A_77 : i32
        %convert_element_type3A_79 = arith.extui %eq3A_78 : i1 to i32
        %cond3A_80 = arith.constant 0 : i32
        %cond3A_81 = arith.cmpi ne, %convert_element_type3A_79, %cond3A_80 : i32
        scf.if %cond3A_81 {
          %dma_wait3A_83 = arith.constant 9984 : i32
          %dma_wait3A_84 = arith.constant 0 : i32
          %dma_wait3A_85 = tpu.memref_slice %arg12[%dma_wait3A_83, %dma_wait3A_84] : memref<10000x128xf32, #tpu.memory_space<vmem_shared>> -> memref<16x128xf32, #tpu.memory_space<vmem_shared>>
          %dma_wait3A_86 = arith.constant 9984 : i32
          %dma_wait3A_87 = arith.constant 0 : i32
          %dma_wait3A_88 = tpu.memref_slice %arg5[%dma_wait3A_86, %dma_wait3A_87] : memref<10000x128xf32, #tpu.memory_space<hbm>> -> memref<16x128xf32, #tpu.memory_space<hbm>>
          tpu.wait_dma2 semaphore(%arg16 : memref<!tpu.dma_semaphore, #tpu.memory_space<semaphore_mem>>) src(%dma_wait3A_88 : memref<16x128xf32, #tpu.memory_space<hbm>>) dst(%dma_wait3A_85 : memref<16x128xf32, #tpu.memory_space<vmem_shared>>)
        } else {
        }
        %barrier3A_82 = arith.constant 0 : index
        tpu.barrier barrier_id(%barrier3A_82)
      } else {
      }
      %scan3A_58 = arith.constant 0 : i32
      %scan3A_59 = arith.constant 0 : i32
      %scan3A_60 = arith.constant 8 : i32
      %scan3A_61 = arith.addi %scan3A_59, %scan3A_60 : i32
      %scan3A_62 = arith.constant 1 : i32
      scf.for %scan3A_69 = %scan3A_59 to %scan3A_61 step %scan3A_62  : i32 {
        %mul3A_70 = arith.constant 3 : i32
        %mul3A_71 = arith.muli %mul3A_70, %scan3A_69 : i32
        %add3A_72 = arith.constant 0 : i32
        %add3A_73 = arith.addi %mul3A_71, %add3A_72 : i32
        %dma_wait3A_74 = arith.constant 0 : i32
        %dma_wait3A_75 = arith.constant 0 : i32
        %dma_wait3A_76 = tpu.memref_slice %arg4[%dma_wait3A_74, %dma_wait3A_75] : memref<10000x128xf32, #tpu.memory_space<hbm>> -> memref<80x128xf32, #tpu.memory_space<hbm>>
        %dma_wait3A_77 = arith.constant 0 : i32
        %dma_wait3A_78 = arith.constant 0 : i32
        %dma_wait3A_79 = tpu.memref_slice %arg4[%dma_wait3A_77, %dma_wait3A_78] : memref<10000x128xf32, #tpu.memory_space<hbm>> -> memref<80x128xf32, #tpu.memory_space<hbm>>
        tpu.wait_dma2 semaphore(%arg13 : memref<!tpu.dma_semaphore, #tpu.memory_space<semaphore_mem>>) src(%dma_wait3A_79 : memref<80x128xf32, #tpu.memory_space<hbm>>) dst(%arg9 : memref<80x128xf32, #tpu.memory_space<vmem>>)
        "tpu.region"() ({
          %run_scoped3A_122 = tpu.sem_alloc : memref<!tpu.dma_semaphore, #tpu.memory_space<semaphore_mem>>
          %dma_start3A_123 = arith.constant 0 : i32
          %dma_start3A_124 = tpu.memref_slice %arg8[%add3A_73, %dma_start3A_123] : memref<25x80xi32, #tpu.memory_space<vmem>> -> memref<1x80xi32, #tpu.memory_space<vmem>>
          %dma_start3A_125 = tpu.memref_squeeze %dma_start3A_124 : memref<1x80xi32, #tpu.memory_space<vmem>> -> memref<80xi32, #tpu.memory_space<vmem>>
          %dma_start3A_126 = arith.constant 0 : i32
          %dma_start3A_127 = arith.constant 0 : i32
          %dma_start3A_128 = tpu.memref_slice %arg12[%dma_start3A_126, %dma_start3A_127] : memref<10000x128xf32, #tpu.memory_space<vmem_shared>> -> memref<10000x128xf32, #tpu.memory_space<vmem_shared>>
          tpu.enqueue_indirect_dma source(%arg9 : memref<80x128xf32, #tpu.memory_space<vmem>>) target(%dma_start3A_128 : memref<10000x128xf32, #tpu.memory_space<vmem_shared>>) offsets(%dma_start3A_125 : memref<80xi32, #tpu.memory_space<vmem>>) semaphore(%run_scoped3A_122 : memref<!tpu.dma_semaphore, #tpu.memory_space<semaphore_mem>>) {add = true}
          %dma_wait3A_129 = arith.constant 0 : i32
          %dma_wait3A_130 = tpu.memref_slice %arg8[%add3A_73, %dma_wait3A_129] : memref<25x80xi32, #tpu.memory_space<vmem>> -> memref<1x80xi32, #tpu.memory_space<vmem>>
          %dma_wait3A_131 = tpu.memref_squeeze %dma_wait3A_130 : memref<1x80xi32, #tpu.memory_space<vmem>> -> memref<80xi32, #tpu.memory_space<vmem>>
          %dma_wait3A_132 = arith.constant 0 : i32
          %dma_wait3A_133 = arith.constant 0 : i32
          %dma_wait3A_134 = tpu.memref_slice %arg12[%dma_wait3A_132, %dma_wait3A_133] : memref<10000x128xf32, #tpu.memory_space<vmem_shared>> -> memref<10000x128xf32, #tpu.memory_space<vmem_shared>>
          tpu.wait_indirect_dma semaphore(%run_scoped3A_122 : memref<!tpu.dma_semaphore, #tpu.memory_space<semaphore_mem>>) src(%arg9 : memref<80x128xf32, #tpu.memory_space<vmem>>) dst(%dma_wait3A_134 : memref<10000x128xf32, #tpu.memory_space<vmem_shared>>)
          tpu.yield
        }) : () -> ()
        %add3A_80 = arith.constant 0 : i32
        %add3A_81 = arith.addi %mul3A_71, %add3A_80 : i32
        %add3A_82 = arith.constant 3 : i32
        %add3A_83 = arith.addi %add3A_81, %add3A_82 : i32
        %lt3A = arith.constant 25 : i32
        %lt3A_84 = arith.cmpi slt, %add3A_83, %lt3A : i32
        %convert_element_type3A_85 = arith.extui %lt3A_84 : i1 to i32
        %cond3A_86 = arith.constant 0 : i32
        %cond3A_87 = arith.cmpi ne, %convert_element_type3A_85, %cond3A_86 : i32
        scf.if %cond3A_87 {
          %add3A_122 = arith.constant 0 : i32
          %add3A_123 = arith.addi %mul3A_71, %add3A_122 : i32
          %add3A_124 = arith.constant 3 : i32
          %add3A_125 = arith.addi %add3A_123, %add3A_124 : i32
          %mul3A_126 = arith.constant 80 : i32
          %mul3A_127 = arith.muli %add3A_125, %mul3A_126 : i32
          %dma_start3A_128 = tpu.memref_slice %arg7[%mul3A_127] : memref<2000xi32, #tpu.memory_space<vmem>> -> memref<80xi32, #tpu.memory_space<vmem>>
          %dma_start3A_129 = arith.constant 0 : i32
          %dma_start3A_130 = arith.constant 0 : i32
          %dma_start3A_131 = tpu.memref_slice %arg4[%dma_start3A_129, %dma_start3A_130] : memref<10000x128xf32, #tpu.memory_space<hbm>> -> memref<10000x128xf32, #tpu.memory_space<hbm>>
          tpu.enqueue_indirect_dma source(%dma_start3A_131 : memref<10000x128xf32, #tpu.memory_space<hbm>>) target(%arg9 : memref<80x128xf32, #tpu.memory_space<vmem>>) offsets(%dma_start3A_128 : memref<80xi32, #tpu.memory_space<vmem>>) semaphore(%arg13 : memref<!tpu.dma_semaphore, #tpu.memory_space<semaphore_mem>>)
        } else {
        }
        %add3A_88 = arith.constant 1 : i32
        %add3A_89 = arith.addi %mul3A_71, %add3A_88 : i32
        %dma_wait3A_90 = arith.constant 0 : i32
        %dma_wait3A_91 = arith.constant 0 : i32
        %dma_wait3A_92 = tpu.memref_slice %arg4[%dma_wait3A_90, %dma_wait3A_91] : memref<10000x128xf32, #tpu.memory_space<hbm>> -> memref<80x128xf32, #tpu.memory_space<hbm>>
        %dma_wait3A_93 = arith.constant 0 : i32
        %dma_wait3A_94 = arith.constant 0 : i32
        %dma_wait3A_95 = tpu.memref_slice %arg4[%dma_wait3A_93, %dma_wait3A_94] : memref<10000x128xf32, #tpu.memory_space<hbm>> -> memref<80x128xf32, #tpu.memory_space<hbm>>
        tpu.wait_dma2 semaphore(%arg14 : memref<!tpu.dma_semaphore, #tpu.memory_space<semaphore_mem>>) src(%dma_wait3A_95 : memref<80x128xf32, #tpu.memory_space<hbm>>) dst(%arg10 : memref<80x128xf32, #tpu.memory_space<vmem>>)
        "tpu.region"() ({
          %run_scoped3A_122 = tpu.sem_alloc : memref<!tpu.dma_semaphore, #tpu.memory_space<semaphore_mem>>
          %dma_start3A_123 = arith.constant 0 : i32
          %dma_start3A_124 = tpu.memref_slice %arg8[%add3A_89, %dma_start3A_123] : memref<25x80xi32, #tpu.memory_space<vmem>> -> memref<1x80xi32, #tpu.memory_space<vmem>>
          %dma_start3A_125 = tpu.memref_squeeze %dma_start3A_124 : memref<1x80xi32, #tpu.memory_space<vmem>> -> memref<80xi32, #tpu.memory_space<vmem>>
          %dma_start3A_126 = arith.constant 0 : i32
          %dma_start3A_127 = arith.constant 0 : i32
          %dma_start3A_128 = tpu.memref_slice %arg12[%dma_start3A_126, %dma_start3A_127] : memref<10000x128xf32, #tpu.memory_space<vmem_shared>> -> memref<10000x128xf32, #tpu.memory_space<vmem_shared>>
          tpu.enqueue_indirect_dma source(%arg10 : memref<80x128xf32, #tpu.memory_space<vmem>>) target(%dma_start3A_128 : memref<10000x128xf32, #tpu.memory_space<vmem_shared>>) offsets(%dma_start3A_125 : memref<80xi32, #tpu.memory_space<vmem>>) semaphore(%run_scoped3A_122 : memref<!tpu.dma_semaphore, #tpu.memory_space<semaphore_mem>>) {add = true}
          %dma_wait3A_129 = arith.constant 0 : i32
          %dma_wait3A_130 = tpu.memref_slice %arg8[%add3A_89, %dma_wait3A_129] : memref<25x80xi32, #tpu.memory_space<vmem>> -> memref<1x80xi32, #tpu.memory_space<vmem>>
          %dma_wait3A_131 = tpu.memref_squeeze %dma_wait3A_130 : memref<1x80xi32, #tpu.memory_space<vmem>> -> memref<80xi32, #tpu.memory_space<vmem>>
          %dma_wait3A_132 = arith.constant 0 : i32
          %dma_wait3A_133 = arith.constant 0 : i32
          %dma_wait3A_134 = tpu.memref_slice %arg12[%dma_wait3A_132, %dma_wait3A_133] : memref<10000x128xf32, #tpu.memory_space<vmem_shared>> -> memref<10000x128xf32, #tpu.memory_space<vmem_shared>>
          tpu.wait_indirect_dma semaphore(%run_scoped3A_122 : memref<!tpu.dma_semaphore, #tpu.memory_space<semaphore_mem>>) src(%arg10 : memref<80x128xf32, #tpu.memory_space<vmem>>) dst(%dma_wait3A_134 : memref<10000x128xf32, #tpu.memory_space<vmem_shared>>)
          tpu.yield
        }) : () -> ()
        %add3A_96 = arith.constant 1 : i32
        %add3A_97 = arith.addi %mul3A_71, %add3A_96 : i32
        %add3A_98 = arith.constant 3 : i32
        %add3A_99 = arith.addi %add3A_97, %add3A_98 : i32
        %lt3A_100 = arith.constant 25 : i32
        %lt3A_101 = arith.cmpi slt, %add3A_99, %lt3A_100 : i32
        %convert_element_type3A_102 = arith.extui %lt3A_101 : i1 to i32
        %cond3A_103 = arith.constant 0 : i32
        %cond3A_104 = arith.cmpi ne, %convert_element_type3A_102, %cond3A_103 : i32
        scf.if %cond3A_104 {
          %add3A_122 = arith.constant 1 : i32
          %add3A_123 = arith.addi %mul3A_71, %add3A_122 : i32
          %add3A_124 = arith.constant 3 : i32
          %add3A_125 = arith.addi %add3A_123, %add3A_124 : i32
          %mul3A_126 = arith.constant 80 : i32
          %mul3A_127 = arith.muli %add3A_125, %mul3A_126 : i32
          %dma_start3A_128 = tpu.memref_slice %arg7[%mul3A_127] : memref<2000xi32, #tpu.memory_space<vmem>> -> memref<80xi32, #tpu.memory_space<vmem>>
          %dma_start3A_129 = arith.constant 0 : i32
          %dma_start3A_130 = arith.constant 0 : i32
          %dma_start3A_131 = tpu.memref_slice %arg4[%dma_start3A_129, %dma_start3A_130] : memref<10000x128xf32, #tpu.memory_space<hbm>> -> memref<10000x128xf32, #tpu.memory_space<hbm>>
          tpu.enqueue_indirect_dma source(%dma_start3A_131 : memref<10000x128xf32, #tpu.memory_space<hbm>>) target(%arg10 : memref<80x128xf32, #tpu.memory_space<vmem>>) offsets(%dma_start3A_128 : memref<80xi32, #tpu.memory_space<vmem>>) semaphore(%arg14 : memref<!tpu.dma_semaphore, #tpu.memory_space<semaphore_mem>>)
        } else {
        }
        %add3A_105 = arith.constant 2 : i32
        %add3A_106 = arith.addi %mul3A_71, %add3A_105 : i32
        %dma_wait3A_107 = arith.constant 0 : i32
        %dma_wait3A_108 = arith.constant 0 : i32
        %dma_wait3A_109 = tpu.memref_slice %arg4[%dma_wait3A_107, %dma_wait3A_108] : memref<10000x128xf32, #tpu.memory_space<hbm>> -> memref<80x128xf32, #tpu.memory_space<hbm>>
        %dma_wait3A_110 = arith.constant 0 : i32
        %dma_wait3A_111 = arith.constant 0 : i32
        %dma_wait3A_112 = tpu.memref_slice %arg4[%dma_wait3A_110, %dma_wait3A_111] : memref<10000x128xf32, #tpu.memory_space<hbm>> -> memref<80x128xf32, #tpu.memory_space<hbm>>
        tpu.wait_dma2 semaphore(%arg15 : memref<!tpu.dma_semaphore, #tpu.memory_space<semaphore_mem>>) src(%dma_wait3A_112 : memref<80x128xf32, #tpu.memory_space<hbm>>) dst(%arg11 : memref<80x128xf32, #tpu.memory_space<vmem>>)
        "tpu.region"() ({
          %run_scoped3A_122 = tpu.sem_alloc : memref<!tpu.dma_semaphore, #tpu.memory_space<semaphore_mem>>
          %dma_start3A_123 = arith.constant 0 : i32
          %dma_start3A_124 = tpu.memref_slice %arg8[%add3A_106, %dma_start3A_123] : memref<25x80xi32, #tpu.memory_space<vmem>> -> memref<1x80xi32, #tpu.memory_space<vmem>>
          %dma_start3A_125 = tpu.memref_squeeze %dma_start3A_124 : memref<1x80xi32, #tpu.memory_space<vmem>> -> memref<80xi32, #tpu.memory_space<vmem>>
          %dma_start3A_126 = arith.constant 0 : i32
          %dma_start3A_127 = arith.constant 0 : i32
          %dma_start3A_128 = tpu.memref_slice %arg12[%dma_start3A_126, %dma_start3A_127] : memref<10000x128xf32, #tpu.memory_space<vmem_shared>> -> memref<10000x128xf32, #tpu.memory_space<vmem_shared>>
          tpu.enqueue_indirect_dma source(%arg11 : memref<80x128xf32, #tpu.memory_space<vmem>>) target(%dma_start3A_128 : memref<10000x128xf32, #tpu.memory_space<vmem_shared>>) offsets(%dma_start3A_125 : memref<80xi32, #tpu.memory_space<vmem>>) semaphore(%run_scoped3A_122 : memref<!tpu.dma_semaphore, #tpu.memory_space<semaphore_mem>>) {add = true}
          %dma_wait3A_129 = arith.constant 0 : i32
          %dma_wait3A_130 = tpu.memref_slice %arg8[%add3A_106, %dma_wait3A_129] : memref<25x80xi32, #tpu.memory_space<vmem>> -> memref<1x80xi32, #tpu.memory_space<vmem>>
          %dma_wait3A_131 = tpu.memref_squeeze %dma_wait3A_130 : memref<1x80xi32, #tpu.memory_space<vmem>> -> memref<80xi32, #tpu.memory_space<vmem>>
          %dma_wait3A_132 = arith.constant 0 : i32
          %dma_wait3A_133 = arith.constant 0 : i32
          %dma_wait3A_134 = tpu.memref_slice %arg12[%dma_wait3A_132, %dma_wait3A_133] : memref<10000x128xf32, #tpu.memory_space<vmem_shared>> -> memref<10000x128xf32, #tpu.memory_space<vmem_shared>>
          tpu.wait_indirect_dma semaphore(%run_scoped3A_122 : memref<!tpu.dma_semaphore, #tpu.memory_space<semaphore_mem>>) src(%arg11 : memref<80x128xf32, #tpu.memory_space<vmem>>) dst(%dma_wait3A_134 : memref<10000x128xf32, #tpu.memory_space<vmem_shared>>)
          tpu.yield
        }) : () -> ()
        %add3A_113 = arith.constant 2 : i32
        %add3A_114 = arith.addi %mul3A_71, %add3A_113 : i32
        %add3A_115 = arith.constant 3 : i32
        %add3A_116 = arith.addi %add3A_114, %add3A_115 : i32
        %lt3A_117 = arith.constant 25 : i32
        %lt3A_118 = arith.cmpi slt, %add3A_116, %lt3A_117 : i32
        %convert_element_type3A_119 = arith.extui %lt3A_118 : i1 to i32
        %cond3A_120 = arith.constant 0 : i32
        %cond3A_121 = arith.cmpi ne, %convert_element_type3A_119, %cond3A_120 : i32
        scf.if %cond3A_121 {
          %add3A_122 = arith.constant 2 : i32
          %add3A_123 = arith.addi %mul3A_71, %add3A_122 : i32
          %add3A_124 = arith.constant 3 : i32
          %add3A_125 = arith.addi %add3A_123, %add3A_124 : i32
          %mul3A_126 = arith.constant 80 : i32
          %mul3A_127 = arith.muli %add3A_125, %mul3A_126 : i32
          %dma_start3A_128 = tpu.memref_slice %arg7[%mul3A_127] : memref<2000xi32, #tpu.memory_space<vmem>> -> memref<80xi32, #tpu.memory_space<vmem>>
          %dma_start3A_129 = arith.constant 0 : i32
          %dma_start3A_130 = arith.constant 0 : i32
          %dma_start3A_131 = tpu.memref_slice %arg4[%dma_start3A_129, %dma_start3A_130] : memref<10000x128xf32, #tpu.memory_space<hbm>> -> memref<10000x128xf32, #tpu.memory_space<hbm>>
          tpu.enqueue_indirect_dma source(%dma_start3A_131 : memref<10000x128xf32, #tpu.memory_space<hbm>>) target(%arg11 : memref<80x128xf32, #tpu.memory_space<vmem>>) offsets(%dma_start3A_128 : memref<80xi32, #tpu.memory_space<vmem>>) semaphore(%arg15 : memref<!tpu.dma_semaphore, #tpu.memory_space<semaphore_mem>>)
        } else {
        }
      }
      %scan3A_63 = arith.constant 8 : i32
      %dma_wait3A = arith.constant 0 : i32
      %dma_wait3A_64 = arith.constant 0 : i32
      %dma_wait3A_65 = tpu.memref_slice %arg4[%dma_wait3A, %dma_wait3A_64] : memref<10000x128xf32, #tpu.memory_space<hbm>> -> memref<80x128xf32, #tpu.memory_space<hbm>>
      %dma_wait3A_66 = arith.constant 0 : i32
      %dma_wait3A_67 = arith.constant 0 : i32
      %dma_wait3A_68 = tpu.memref_slice %arg4[%dma_wait3A_66, %dma_wait3A_67] : memref<10000x128xf32, #tpu.memory_space<hbm>> -> memref<80x128xf32, #tpu.memory_space<hbm>>
      tpu.wait_dma2 semaphore(%arg13 : memref<!tpu.dma_semaphore, #tpu.memory_space<semaphore_mem>>) src(%dma_wait3A_68 : memref<80x128xf32, #tpu.memory_space<hbm>>) dst(%arg9 : memref<80x128xf32, #tpu.memory_space<vmem>>)
      %run_scoped3A = arith.constant 24 : i32
      "tpu.region"() ({
        %run_scoped3A_69 = tpu.sem_alloc : memref<!tpu.dma_semaphore, #tpu.memory_space<semaphore_mem>>
        %dma_start3A_70 = arith.constant 0 : i32
        %dma_start3A_71 = tpu.memref_slice %arg8[%run_scoped3A, %dma_start3A_70] : memref<25x80xi32, #tpu.memory_space<vmem>> -> memref<1x80xi32, #tpu.memory_space<vmem>>
        %dma_start3A_72 = tpu.memref_squeeze %dma_start3A_71 : memref<1x80xi32, #tpu.memory_space<vmem>> -> memref<80xi32, #tpu.memory_space<vmem>>
        %dma_start3A_73 = arith.constant 0 : i32
        %dma_start3A_74 = arith.constant 0 : i32
        %dma_start3A_75 = tpu.memref_slice %arg12[%dma_start3A_73, %dma_start3A_74] : memref<10000x128xf32, #tpu.memory_space<vmem_shared>> -> memref<10000x128xf32, #tpu.memory_space<vmem_shared>>
        tpu.enqueue_indirect_dma source(%arg9 : memref<80x128xf32, #tpu.memory_space<vmem>>) target(%dma_start3A_75 : memref<10000x128xf32, #tpu.memory_space<vmem_shared>>) offsets(%dma_start3A_72 : memref<80xi32, #tpu.memory_space<vmem>>) semaphore(%run_scoped3A_69 : memref<!tpu.dma_semaphore, #tpu.memory_space<semaphore_mem>>) {add = true}
        %dma_wait3A_76 = arith.constant 0 : i32
        %dma_wait3A_77 = tpu.memref_slice %arg8[%run_scoped3A, %dma_wait3A_76] : memref<25x80xi32, #tpu.memory_space<vmem>> -> memref<1x80xi32, #tpu.memory_space<vmem>>
        %dma_wait3A_78 = tpu.memref_squeeze %dma_wait3A_77 : memref<1x80xi32, #tpu.memory_space<vmem>> -> memref<80xi32, #tpu.memory_space<vmem>>
        %dma_wait3A_79 = arith.constant 0 : i32
        %dma_wait3A_80 = arith.constant 0 : i32
        %dma_wait3A_81 = tpu.memref_slice %arg12[%dma_wait3A_79, %dma_wait3A_80] : memref<10000x128xf32, #tpu.memory_space<vmem_shared>> -> memref<10000x128xf32, #tpu.memory_space<vmem_shared>>
        tpu.wait_indirect_dma semaphore(%run_scoped3A_69 : memref<!tpu.dma_semaphore, #tpu.memory_space<semaphore_mem>>) src(%arg9 : memref<80x128xf32, #tpu.memory_space<vmem>>) dst(%dma_wait3A_81 : memref<10000x128xf32, #tpu.memory_space<vmem_shared>>)
        tpu.yield
      }) : () -> ()
    }
    %scan3A_23 = arith.constant 5 : i32
    %barrier3A = arith.constant 0 : index
    tpu.barrier barrier_id(%barrier3A)
    %mul3A_24 = arith.constant 624 : i32
    %mul3A_25 = arith.muli %arg1, %mul3A_24 : i32
    %mul3A_26 = arith.constant 624 : i32
    %mul3A_27 = arith.muli %arg1, %mul3A_26 : i32
    "tpu.region"() ({
      %run_scoped3A = tpu.sem_alloc : memref<!tpu.dma_semaphore, #tpu.memory_space<semaphore_mem>>
      %dma_start3A_33 = arith.constant 0 : i32
      %dma_start3A_34 = tpu.memref_slice %arg6[%arg0, %mul3A_27, %dma_start3A_33] : memref<2x10000x128xf32, #tpu.memory_space<hbm>> -> memref<1x624x128xf32, #tpu.memory_space<hbm>>
      %dma_start3A_35 = tpu.memref_squeeze %dma_start3A_34 : memref<1x624x128xf32, #tpu.memory_space<hbm>> -> memref<624x128xf32, #tpu.memory_space<hbm>>
      %dma_start3A_36 = arith.constant 0 : i32
      %dma_start3A_37 = tpu.memref_slice %arg12[%mul3A_25, %dma_start3A_36] : memref<10000x128xf32, #tpu.memory_space<vmem_shared>> -> memref<624x128xf32, #tpu.memory_space<vmem_shared>>
      tpu.enqueue_dma source(%dma_start3A_37 : memref<624x128xf32, #tpu.memory_space<vmem_shared>>) target(%dma_start3A_35 : memref<624x128xf32, #tpu.memory_space<hbm>>) target_semaphore(%run_scoped3A : memref<!tpu.dma_semaphore, #tpu.memory_space<semaphore_mem>>)
      %dma_wait3A = arith.constant 0 : i32
      %dma_wait3A_38 = tpu.memref_slice %arg6[%arg0, %mul3A_27, %dma_wait3A] : memref<2x10000x128xf32, #tpu.memory_space<hbm>> -> memref<1x624x128xf32, #tpu.memory_space<hbm>>
      %dma_wait3A_39 = tpu.memref_squeeze %dma_wait3A_38 : memref<1x624x128xf32, #tpu.memory_space<hbm>> -> memref<624x128xf32, #tpu.memory_space<hbm>>
      %dma_wait3A_40 = arith.constant 0 : i32
      %dma_wait3A_41 = tpu.memref_slice %arg12[%mul3A_25, %dma_wait3A_40] : memref<10000x128xf32, #tpu.memory_space<vmem_shared>> -> memref<624x128xf32, #tpu.memory_space<vmem_shared>>
      tpu.wait_dma2 semaphore(%run_scoped3A : memref<!tpu.dma_semaphore, #tpu.memory_space<semaphore_mem>>) src(%dma_wait3A_41 : memref<624x128xf32, #tpu.memory_space<vmem_shared>>) dst(%dma_wait3A_39 : memref<624x128xf32, #tpu.memory_space<hbm>>)
      tpu.yield
    }) : () -> ()
    %eq3A_28 = arith.constant 0 : i32
    %eq3A_29 = arith.cmpi eq, %arg1, %eq3A_28 : i32
    %convert_element_type3A_30 = arith.extui %eq3A_29 : i1 to i32
    %cond3A_31 = arith.constant 0 : i32
    %cond3A_32 = arith.cmpi ne, %convert_element_type3A_30, %cond3A_31 : i32
    scf.if %cond3A_32 {
      "tpu.region"() ({
        %run_scoped3A = tpu.sem_alloc : memref<!tpu.dma_semaphore, #tpu.memory_space<semaphore_mem>>
        %dma_start3A_33 = arith.constant 9984 : i32
        %dma_start3A_34 = arith.constant 0 : i32
        %dma_start3A_35 = tpu.memref_slice %arg6[%arg0, %dma_start3A_33, %dma_start3A_34] : memref<2x10000x128xf32, #tpu.memory_space<hbm>> -> memref<1x16x128xf32, #tpu.memory_space<hbm>>
        %dma_start3A_36 = tpu.memref_squeeze %dma_start3A_35 : memref<1x16x128xf32, #tpu.memory_space<hbm>> -> memref<16x128xf32, #tpu.memory_space<hbm>>
        %dma_start3A_37 = arith.constant 9984 : i32
        %dma_start3A_38 = arith.constant 0 : i32
        %dma_start3A_39 = tpu.memref_slice %arg12[%dma_start3A_37, %dma_start3A_38] : memref<10000x128xf32, #tpu.memory_space<vmem_shared>> -> memref<16x128xf32, #tpu.memory_space<vmem_shared>>
        tpu.enqueue_dma source(%dma_start3A_39 : memref<16x128xf32, #tpu.memory_space<vmem_shared>>) target(%dma_start3A_36 : memref<16x128xf32, #tpu.memory_space<hbm>>) target_semaphore(%run_scoped3A : memref<!tpu.dma_semaphore, #tpu.memory_space<semaphore_mem>>)
        %dma_wait3A = arith.constant 9984 : i32
        %dma_wait3A_40 = arith.constant 0 : i32
        %dma_wait3A_41 = tpu.memref_slice %arg6[%arg0, %dma_wait3A, %dma_wait3A_40] : memref<2x10000x128xf32, #tpu.memory_space<hbm>> -> memref<1x16x128xf32, #tpu.memory_space<hbm>>
        %dma_wait3A_42 = tpu.memref_squeeze %dma_wait3A_41 : memref<1x16x128xf32, #tpu.memory_space<hbm>> -> memref<16x128xf32, #tpu.memory_space<hbm>>
        %dma_wait3A_43 = arith.constant 9984 : i32
        %dma_wait3A_44 = arith.constant 0 : i32
        %dma_wait3A_45 = tpu.memref_slice %arg12[%dma_wait3A_43, %dma_wait3A_44] : memref<10000x128xf32, #tpu.memory_space<vmem_shared>> -> memref<16x128xf32, #tpu.memory_space<vmem_shared>>
        tpu.wait_dma2 semaphore(%run_scoped3A : memref<!tpu.dma_semaphore, #tpu.memory_space<semaphore_mem>>) src(%dma_wait3A_45 : memref<16x128xf32, #tpu.memory_space<vmem_shared>>) dst(%dma_wait3A_42 : memref<16x128xf32, #tpu.memory_space<hbm>>)
        tpu.yield
      }) : () -> ()
    } else {
    }
    return
  }
}

#map = affine_map<(d0, d1) -> (0)>
#map1 = affine_map<(d0, d1) -> (0, 0, 0)>
#map2 = affine_map<(d0, d1) -> (0, 0)>
module attributes {stable_mosaic.version = 14 : i64} {
  func.func @prop_kernel(%arg0: i32, %arg1: i32, %arg2: memref<320000xi32, #tpu.memory_space<hbm>>, %arg3: memref<160x25x80xi32, #tpu.memory_space<hbm>>, %arg4: memref<20000x128xf32, #tpu.memory_space<hbm>>, %arg5: memref<10000x128xf32, #tpu.memory_space<hbm>>, %arg6: memref<2x10000x128xf32, #tpu.memory_space<hbm>>, %arg7: memref<2000xi32, #tpu.memory_space<vmem>>, %arg8: memref<25x80xi32, #tpu.memory_space<vmem>>, %arg9: memref<80x128xf32, #tpu.memory_space<vmem>>, %arg10: memref<80x128xf32, #tpu.memory_space<vmem>>, %arg11: memref<80x128xf32, #tpu.memory_space<vmem>>, %arg12: memref<10000x128xf32, #tpu.memory_space<vmem_shared>>, %arg13: memref<!tpu.dma_semaphore, #tpu.memory_space<semaphore_mem>>, %arg14: memref<!tpu.dma_semaphore, #tpu.memory_space<semaphore_mem>>, %arg15: memref<!tpu.dma_semaphore, #tpu.memory_space<semaphore_mem>>, %arg16: memref<!tpu.dma_semaphore, #tpu.memory_space<semaphore_mem>>) attributes {dimension_semantics = [#tpu.dimension_semantics<core_parallel>, #tpu.dimension_semantics<subcore_parallel>], iteration_bounds = array<i64: 2, 16>, scalar_prefetch = 0 : i64, scratch_operands = 10 : i64, tpu.core_type = #tpu.core_type<sc_vector_subcore>, window_params = [{transform_indices = #map}, {transform_indices = #map1}, {transform_indices = #map2}, {transform_indices = #map2}, {transform_indices = #map1}]} {
    %mul3A = arith.constant 624 : i32
    %mul3A_0 = arith.muli %arg1, %mul3A : i32
    %mul3A_1 = arith.constant 624 : i32
    %mul3A_2 = arith.muli %arg1, %mul3A_1 : i32
    %dma_start3A = arith.constant 0 : i32
    %dma_start3A_3 = tpu.memref_slice %arg12[%mul3A_2, %dma_start3A] : memref<10000x128xf32, #tpu.memory_space<vmem_shared>> -> memref<624x128xf32, #tpu.memory_space<vmem_shared>>
    %dma_start3A_4 = arith.constant 0 : i32
    %dma_start3A_5 = tpu.memref_slice %arg5[%mul3A_0, %dma_start3A_4] : memref<10000x128xf32, #tpu.memory_space<hbm>> -> memref<624x128xf32, #tpu.memory_space<hbm>>
    tpu.enqueue_dma source(%dma_start3A_5 : memref<624x128xf32, #tpu.memory_space<hbm>>) target(%dma_start3A_3 : memref<624x128xf32, #tpu.memory_space<vmem_shared>>) target_semaphore(%arg16 : memref<!tpu.dma_semaphore, #tpu.memory_space<semaphore_mem>>)
    %eq3A = arith.constant 0 : i32
    %eq3A_6 = arith.cmpi eq, %arg1, %eq3A : i32
    %convert_element_type3A = arith.extui %eq3A_6 : i1 to i32
    %cond3A = arith.constant 0 : i32
    %cond3A_7 = arith.cmpi ne, %convert_element_type3A, %cond3A : i32
    scf.if %cond3A_7 {
      %dma_start3A_28 = arith.constant 9984 : i32
      %dma_start3A_29 = arith.constant 0 : i32
      %dma_start3A_30 = tpu.memref_slice %arg12[%dma_start3A_28, %dma_start3A_29] : memref<10000x128xf32, #tpu.memory_space<vmem_shared>> -> memref<16x128xf32, #tpu.memory_space<vmem_shared>>
      %dma_start3A_31 = arith.constant 9984 : i32
      %dma_start3A_32 = arith.constant 0 : i32
      %dma_start3A_33 = tpu.memref_slice %arg5[%dma_start3A_31, %dma_start3A_32] : memref<10000x128xf32, #tpu.memory_space<hbm>> -> memref<16x128xf32, #tpu.memory_space<hbm>>
      tpu.enqueue_dma source(%dma_start3A_33 : memref<16x128xf32, #tpu.memory_space<hbm>>) target(%dma_start3A_30 : memref<16x128xf32, #tpu.memory_space<vmem_shared>>) target_semaphore(%arg16 : memref<!tpu.dma_semaphore, #tpu.memory_space<semaphore_mem>>)
    } else {
    }
    %mul3A_8 = arith.constant 20000 : i32
    %mul3A_9 = arith.muli %arg1, %mul3A_8 : i32
    %mul3A_10 = arith.constant 10 : i32
    %mul3A_11 = arith.muli %arg1, %mul3A_10 : i32
    %mul3A_12 = arith.constant 10000 : i32
    %mul3A_13 = arith.muli %arg0, %mul3A_12 : i32
    %scan3A = arith.constant 0 : i32
    %scan3A_14 = arith.constant 0 : i32
    %scan3A_15 = arith.constant 10 : i32
    %scan3A_16 = arith.addi %scan3A_14, %scan3A_15 : i32
    %scan3A_17 = arith.constant 1 : i32
    scf.for %scan3A_28 = %scan3A_14 to %scan3A_16 step %scan3A_17  : i32 {
      %mul3A_29 = arith.constant 2000 : i32
      %mul3A_30 = arith.muli %scan3A_28, %mul3A_29 : i32
      %add3A = arith.addi %mul3A_9, %mul3A_30 : i32
      "tpu.region"() ({
        %run_scoped3A_69 = tpu.sem_alloc : memref<!tpu.dma_semaphore, #tpu.memory_space<semaphore_mem>>
        %dma_start3A_70 = tpu.memref_slice %arg2[%add3A] : memref<320000xi32, #tpu.memory_space<hbm>> -> memref<2000xi32, #tpu.memory_space<hbm>>
        %dma_start3A_71 = tpu.memref_slice %arg2[%add3A] : memref<320000xi32, #tpu.memory_space<hbm>> -> memref<2000xi32, #tpu.memory_space<hbm>>
        tpu.enqueue_dma source(%dma_start3A_71 : memref<2000xi32, #tpu.memory_space<hbm>>) target(%arg7 : memref<2000xi32, #tpu.memory_space<vmem>>) target_semaphore(%run_scoped3A_69 : memref<!tpu.dma_semaphore, #tpu.memory_space<semaphore_mem>>)
        %dma_wait3A_72 = tpu.memref_slice %arg2[%add3A] : memref<320000xi32, #tpu.memory_space<hbm>> -> memref<2000xi32, #tpu.memory_space<hbm>>
        %dma_wait3A_73 = tpu.memref_slice %arg2[%add3A] : memref<320000xi32, #tpu.memory_space<hbm>> -> memref<2000xi32, #tpu.memory_space<hbm>>
        tpu.wait_dma2 semaphore(%run_scoped3A_69 : memref<!tpu.dma_semaphore, #tpu.memory_space<semaphore_mem>>) src(%dma_wait3A_73 : memref<2000xi32, #tpu.memory_space<hbm>>) dst(%arg7 : memref<2000xi32, #tpu.memory_space<vmem>>)
        tpu.yield
      }) : () -> ()
      %add3A_31 = arith.addi %mul3A_11, %scan3A_28 : i32
      "tpu.region"() ({
        %run_scoped3A_69 = tpu.sem_alloc : memref<!tpu.dma_semaphore, #tpu.memory_space<semaphore_mem>>
        %dma_start3A_70 = arith.constant 0 : i32
        %dma_start3A_71 = arith.constant 0 : i32
        %dma_start3A_72 = tpu.memref_slice %arg3[%add3A_31, %dma_start3A_70, %dma_start3A_71] : memref<160x25x80xi32, #tpu.memory_space<hbm>> -> memref<1x25x80xi32, #tpu.memory_space<hbm>>
        %dma_start3A_73 = tpu.memref_squeeze %dma_start3A_72 : memref<1x25x80xi32, #tpu.memory_space<hbm>> -> memref<25x80xi32, #tpu.memory_space<hbm>>
        %dma_start3A_74 = arith.constant 0 : i32
        %dma_start3A_75 = arith.constant 0 : i32
        %dma_start3A_76 = tpu.memref_slice %arg3[%add3A_31, %dma_start3A_74, %dma_start3A_75] : memref<160x25x80xi32, #tpu.memory_space<hbm>> -> memref<1x25x80xi32, #tpu.memory_space<hbm>>
        %dma_start3A_77 = tpu.memref_squeeze %dma_start3A_76 : memref<1x25x80xi32, #tpu.memory_space<hbm>> -> memref<25x80xi32, #tpu.memory_space<hbm>>
        tpu.enqueue_dma source(%dma_start3A_77 : memref<25x80xi32, #tpu.memory_space<hbm>>) target(%arg8 : memref<25x80xi32, #tpu.memory_space<vmem>>) target_semaphore(%run_scoped3A_69 : memref<!tpu.dma_semaphore, #tpu.memory_space<semaphore_mem>>)
        %dma_wait3A_78 = arith.constant 0 : i32
        %dma_wait3A_79 = arith.constant 0 : i32
        %dma_wait3A_80 = tpu.memref_slice %arg3[%add3A_31, %dma_wait3A_78, %dma_wait3A_79] : memref<160x25x80xi32, #tpu.memory_space<hbm>> -> memref<1x25x80xi32, #tpu.memory_space<hbm>>
        %dma_wait3A_81 = tpu.memref_squeeze %dma_wait3A_80 : memref<1x25x80xi32, #tpu.memory_space<hbm>> -> memref<25x80xi32, #tpu.memory_space<hbm>>
        %dma_wait3A_82 = arith.constant 0 : i32
        %dma_wait3A_83 = arith.constant 0 : i32
        %dma_wait3A_84 = tpu.memref_slice %arg3[%add3A_31, %dma_wait3A_82, %dma_wait3A_83] : memref<160x25x80xi32, #tpu.memory_space<hbm>> -> memref<1x25x80xi32, #tpu.memory_space<hbm>>
        %dma_wait3A_85 = tpu.memref_squeeze %dma_wait3A_84 : memref<1x25x80xi32, #tpu.memory_space<hbm>> -> memref<25x80xi32, #tpu.memory_space<hbm>>
        tpu.wait_dma2 semaphore(%run_scoped3A_69 : memref<!tpu.dma_semaphore, #tpu.memory_space<semaphore_mem>>) src(%dma_wait3A_85 : memref<25x80xi32, #tpu.memory_space<hbm>>) dst(%arg8 : memref<25x80xi32, #tpu.memory_space<vmem>>)
        tpu.yield
      }) : () -> ()
      %scan3A_32 = arith.constant 0 : i32
      %scan3A_33 = arith.constant 0 : i32
      %scan3A_34 = arith.constant 125 : i32
      %scan3A_35 = arith.addi %scan3A_33, %scan3A_34 : i32
      %scan3A_36 = arith.constant 1 : i32
      scf.for %scan3A_69 = %scan3A_33 to %scan3A_35 step %scan3A_36  : i32 {
        %mul3A_70 = arith.constant 16 : i32
        %mul3A_71 = arith.muli %scan3A_69, %mul3A_70 : i32
        %get3A = arith.index_cast %mul3A_71 : i32 to index
        %get3A_72 = tpu.vector_load %arg7[%get3A] {strides = array<i32>} : memref<2000xi32, #tpu.memory_space<vmem>>, vector<16xi32>,
        %get3A_73 = vector.shape_cast %get3A_72 : vector<16xi32> to vector<16xi32>
        %add3A_74 = vector.broadcast %mul3A_13 : i32 to vector<16xi32>
        %add3A_75 = arith.addi %get3A_73, %add3A_74 : vector<16xi32>
        %mul3A_76 = arith.constant 16 : i32
        %mul3A_77 = arith.muli %scan3A_69, %mul3A_76 : i32
        %swap3A = arith.index_cast %mul3A_77 : i32 to index
        %swap3A_78 = tpu.vector_load %arg7[%swap3A] {strides = array<i32>} : memref<2000xi32, #tpu.memory_space<vmem>>, vector<16xi32>,
        %swap3A_79 = vector.shape_cast %swap3A_78 : vector<16xi32> to vector<16xi32>
        %swap3A_80 = vector.shape_cast %add3A_75 : vector<16xi32> to vector<16xi32>
        tpu.vector_store %arg7[%swap3A], %swap3A_80 {strides = array<i32>} : memref<2000xi32, #tpu.memory_space<vmem>>, vector<16xi32>,
      }
      %scan3A_37 = arith.constant 125 : i32
      %dma_start3A_38 = arith.constant 0 : i32
      %dma_start3A_39 = tpu.memref_slice %arg7[%dma_start3A_38] : memref<2000xi32, #tpu.memory_space<vmem>> -> memref<80xi32, #tpu.memory_space<vmem>>
      %dma_start3A_40 = arith.constant 0 : i32
      %dma_start3A_41 = arith.constant 0 : i32
      %dma_start3A_42 = tpu.memref_slice %arg4[%dma_start3A_40, %dma_start3A_41] : memref<20000x128xf32, #tpu.memory_space<hbm>> -> memref<20000x128xf32, #tpu.memory_space<hbm>>
      tpu.enqueue_indirect_dma source(%dma_start3A_42 : memref<20000x128xf32, #tpu.memory_space<hbm>>) target(%arg9 : memref<80x128xf32, #tpu.memory_space<vmem>>) offsets(%dma_start3A_39 : memref<80xi32, #tpu.memory_space<vmem>>) semaphore(%arg13 : memref<!tpu.dma_semaphore, #tpu.memory_space<semaphore_mem>>)
      %dma_start3A_43 = arith.constant 80 : i32
      %dma_start3A_44 = tpu.memref_slice %arg7[%dma_start3A_43] : memref<2000xi32, #tpu.memory_space<vmem>> -> memref<80xi32, #tpu.memory_space<vmem>>
      %dma_start3A_45 = arith.constant 0 : i32
      %dma_start3A_46 = arith.constant 0 : i32
      %dma_start3A_47 = tpu.memref_slice %arg4[%dma_start3A_45, %dma_start3A_46] : memref<20000x128xf32, #tpu.memory_space<hbm>> -> memref<20000x128xf32, #tpu.memory_space<hbm>>
      tpu.enqueue_indirect_dma source(%dma_start3A_47 : memref<20000x128xf32, #tpu.memory_space<hbm>>) target(%arg10 : memref<80x128xf32, #tpu.memory_space<vmem>>) offsets(%dma_start3A_44 : memref<80xi32, #tpu.memory_space<vmem>>) semaphore(%arg14 : memref<!tpu.dma_semaphore, #tpu.memory_space<semaphore_mem>>)
      %dma_start3A_48 = arith.constant 160 : i32
      %dma_start3A_49 = tpu.memref_slice %arg7[%dma_start3A_48] : memref<2000xi32, #tpu.memory_space<vmem>> -> memref<80xi32, #tpu.memory_space<vmem>>
      %dma_start3A_50 = arith.constant 0 : i32
      %dma_start3A_51 = arith.constant 0 : i32
      %dma_start3A_52 = tpu.memref_slice %arg4[%dma_start3A_50, %dma_start3A_51] : memref<20000x128xf32, #tpu.memory_space<hbm>> -> memref<20000x128xf32, #tpu.memory_space<hbm>>
      tpu.enqueue_indirect_dma source(%dma_start3A_52 : memref<20000x128xf32, #tpu.memory_space<hbm>>) target(%arg11 : memref<80x128xf32, #tpu.memory_space<vmem>>) offsets(%dma_start3A_49 : memref<80xi32, #tpu.memory_space<vmem>>) semaphore(%arg15 : memref<!tpu.dma_semaphore, #tpu.memory_space<semaphore_mem>>)
      %eq3A_53 = arith.constant 0 : i32
      %eq3A_54 = arith.cmpi eq, %scan3A_28, %eq3A_53 : i32
      %convert_element_type3A_55 = arith.extui %eq3A_54 : i1 to i32
      %cond3A_56 = arith.constant 0 : i32
      %cond3A_57 = arith.cmpi ne, %convert_element_type3A_55, %cond3A_56 : i32
      scf.if %cond3A_57 {
        %mul3A_69 = arith.constant 624 : i32
        %mul3A_70 = arith.muli %arg1, %mul3A_69 : i32
        %mul3A_71 = arith.constant 624 : i32
        %mul3A_72 = arith.muli %arg1, %mul3A_71 : i32
        %dma_wait3A_73 = arith.constant 0 : i32
        %dma_wait3A_74 = tpu.memref_slice %arg12[%mul3A_72, %dma_wait3A_73] : memref<10000x128xf32, #tpu.memory_space<vmem_shared>> -> memref<624x128xf32, #tpu.memory_space<vmem_shared>>
        %dma_wait3A_75 = arith.constant 0 : i32
        %dma_wait3A_76 = tpu.memref_slice %arg5[%mul3A_70, %dma_wait3A_75] : memref<10000x128xf32, #tpu.memory_space<hbm>> -> memref<624x128xf32, #tpu.memory_space<hbm>>
        tpu.wait_dma2 semaphore(%arg16 : memref<!tpu.dma_semaphore, #tpu.memory_space<semaphore_mem>>) src(%dma_wait3A_76 : memref<624x128xf32, #tpu.memory_space<hbm>>) dst(%dma_wait3A_74 : memref<624x128xf32, #tpu.memory_space<vmem_shared>>)
        %eq3A_77 = arith.constant 0 : i32
        %eq3A_78 = arith.cmpi eq, %arg1, %eq3A_77 : i32
        %convert_element_type3A_79 = arith.extui %eq3A_78 : i1 to i32
        %cond3A_80 = arith.constant 0 : i32
        %cond3A_81 = arith.cmpi ne, %convert_element_type3A_79, %cond3A_80 : i32
        scf.if %cond3A_81 {
          %dma_wait3A_83 = arith.constant 9984 : i32
          %dma_wait3A_84 = arith.constant 0 : i32
          %dma_wait3A_85 = tpu.memref_slice %arg12[%dma_wait3A_83, %dma_wait3A_84] : memref<10000x128xf32, #tpu.memory_space<vmem_shared>> -> memref<16x128xf32, #tpu.memory_space<vmem_shared>>
          %dma_wait3A_86 = arith.constant 9984 : i32
          %dma_wait3A_87 = arith.constant 0 : i32
          %dma_wait3A_88 = tpu.memref_slice %arg5[%dma_wait3A_86, %dma_wait3A_87] : memref<10000x128xf32, #tpu.memory_space<hbm>> -> memref<16x128xf32, #tpu.memory_space<hbm>>
          tpu.wait_dma2 semaphore(%arg16 : memref<!tpu.dma_semaphore, #tpu.memory_space<semaphore_mem>>) src(%dma_wait3A_88 : memref<16x128xf32, #tpu.memory_space<hbm>>) dst(%dma_wait3A_85 : memref<16x128xf32, #tpu.memory_space<vmem_shared>>)
        } else {
        }
        %barrier3A_82 = arith.constant 0 : index
        tpu.barrier barrier_id(%barrier3A_82)
      } else {
      }
      %scan3A_58 = arith.constant 0 : i32
      %scan3A_59 = arith.constant 0 : i32
      %scan3A_60 = arith.constant 8 : i32
      %scan3A_61 = arith.addi %scan3A_59, %scan3A_60 : i32
      %scan3A_62 = arith.constant 1 : i32
      scf.for %scan3A_69 = %scan3A_59 to %scan3A_61 step %scan3A_62  : i32 {
        %mul3A_70 = arith.constant 3 : i32
        %mul3A_71 = arith.muli %mul3A_70, %scan3A_69 : i32
        %add3A_72 = arith.constant 0 : i32
        %add3A_73 = arith.addi %mul3A_71, %add3A_72 : i32
        %dma_wait3A_74 = arith.constant 0 : i32
        %dma_wait3A_75 = arith.constant 0 : i32
        %dma_wait3A_76 = tpu.memref_slice %arg4[%dma_wait3A_74, %dma_wait3A_75] : memref<20000x128xf32, #tpu.memory_space<hbm>> -> memref<80x128xf32, #tpu.memory_space<hbm>>
        %dma_wait3A_77 = arith.constant 0 : i32
        %dma_wait3A_78 = arith.constant 0 : i32
        %dma_wait3A_79 = tpu.memref_slice %arg4[%dma_wait3A_77, %dma_wait3A_78] : memref<20000x128xf32, #tpu.memory_space<hbm>> -> memref<80x128xf32, #tpu.memory_space<hbm>>
        tpu.wait_dma2 semaphore(%arg13 : memref<!tpu.dma_semaphore, #tpu.memory_space<semaphore_mem>>) src(%dma_wait3A_79 : memref<80x128xf32, #tpu.memory_space<hbm>>) dst(%arg9 : memref<80x128xf32, #tpu.memory_space<vmem>>)
        "tpu.region"() ({
          %run_scoped3A_122 = tpu.sem_alloc : memref<!tpu.dma_semaphore, #tpu.memory_space<semaphore_mem>>
          %dma_start3A_123 = arith.constant 0 : i32
          %dma_start3A_124 = tpu.memref_slice %arg8[%add3A_73, %dma_start3A_123] : memref<25x80xi32, #tpu.memory_space<vmem>> -> memref<1x80xi32, #tpu.memory_space<vmem>>
          %dma_start3A_125 = tpu.memref_squeeze %dma_start3A_124 : memref<1x80xi32, #tpu.memory_space<vmem>> -> memref<80xi32, #tpu.memory_space<vmem>>
          %dma_start3A_126 = arith.constant 0 : i32
          %dma_start3A_127 = arith.constant 0 : i32
          %dma_start3A_128 = tpu.memref_slice %arg12[%dma_start3A_126, %dma_start3A_127] : memref<10000x128xf32, #tpu.memory_space<vmem_shared>> -> memref<10000x128xf32, #tpu.memory_space<vmem_shared>>
          tpu.enqueue_indirect_dma source(%arg9 : memref<80x128xf32, #tpu.memory_space<vmem>>) target(%dma_start3A_128 : memref<10000x128xf32, #tpu.memory_space<vmem_shared>>) offsets(%dma_start3A_125 : memref<80xi32, #tpu.memory_space<vmem>>) semaphore(%run_scoped3A_122 : memref<!tpu.dma_semaphore, #tpu.memory_space<semaphore_mem>>) {add = true}
          %dma_wait3A_129 = arith.constant 0 : i32
          %dma_wait3A_130 = tpu.memref_slice %arg8[%add3A_73, %dma_wait3A_129] : memref<25x80xi32, #tpu.memory_space<vmem>> -> memref<1x80xi32, #tpu.memory_space<vmem>>
          %dma_wait3A_131 = tpu.memref_squeeze %dma_wait3A_130 : memref<1x80xi32, #tpu.memory_space<vmem>> -> memref<80xi32, #tpu.memory_space<vmem>>
          %dma_wait3A_132 = arith.constant 0 : i32
          %dma_wait3A_133 = arith.constant 0 : i32
          %dma_wait3A_134 = tpu.memref_slice %arg12[%dma_wait3A_132, %dma_wait3A_133] : memref<10000x128xf32, #tpu.memory_space<vmem_shared>> -> memref<10000x128xf32, #tpu.memory_space<vmem_shared>>
          tpu.wait_indirect_dma semaphore(%run_scoped3A_122 : memref<!tpu.dma_semaphore, #tpu.memory_space<semaphore_mem>>) src(%arg9 : memref<80x128xf32, #tpu.memory_space<vmem>>) dst(%dma_wait3A_134 : memref<10000x128xf32, #tpu.memory_space<vmem_shared>>)
          tpu.yield
        }) : () -> ()
        %add3A_80 = arith.constant 0 : i32
        %add3A_81 = arith.addi %mul3A_71, %add3A_80 : i32
        %add3A_82 = arith.constant 3 : i32
        %add3A_83 = arith.addi %add3A_81, %add3A_82 : i32
        %lt3A = arith.constant 25 : i32
        %lt3A_84 = arith.cmpi slt, %add3A_83, %lt3A : i32
        %convert_element_type3A_85 = arith.extui %lt3A_84 : i1 to i32
        %cond3A_86 = arith.constant 0 : i32
        %cond3A_87 = arith.cmpi ne, %convert_element_type3A_85, %cond3A_86 : i32
        scf.if %cond3A_87 {
          %add3A_122 = arith.constant 0 : i32
          %add3A_123 = arith.addi %mul3A_71, %add3A_122 : i32
          %add3A_124 = arith.constant 3 : i32
          %add3A_125 = arith.addi %add3A_123, %add3A_124 : i32
          %mul3A_126 = arith.constant 80 : i32
          %mul3A_127 = arith.muli %add3A_125, %mul3A_126 : i32
          %dma_start3A_128 = tpu.memref_slice %arg7[%mul3A_127] : memref<2000xi32, #tpu.memory_space<vmem>> -> memref<80xi32, #tpu.memory_space<vmem>>
          %dma_start3A_129 = arith.constant 0 : i32
          %dma_start3A_130 = arith.constant 0 : i32
          %dma_start3A_131 = tpu.memref_slice %arg4[%dma_start3A_129, %dma_start3A_130] : memref<20000x128xf32, #tpu.memory_space<hbm>> -> memref<20000x128xf32, #tpu.memory_space<hbm>>
          tpu.enqueue_indirect_dma source(%dma_start3A_131 : memref<20000x128xf32, #tpu.memory_space<hbm>>) target(%arg9 : memref<80x128xf32, #tpu.memory_space<vmem>>) offsets(%dma_start3A_128 : memref<80xi32, #tpu.memory_space<vmem>>) semaphore(%arg13 : memref<!tpu.dma_semaphore, #tpu.memory_space<semaphore_mem>>)
        } else {
        }
        %add3A_88 = arith.constant 1 : i32
        %add3A_89 = arith.addi %mul3A_71, %add3A_88 : i32
        %dma_wait3A_90 = arith.constant 0 : i32
        %dma_wait3A_91 = arith.constant 0 : i32
        %dma_wait3A_92 = tpu.memref_slice %arg4[%dma_wait3A_90, %dma_wait3A_91] : memref<20000x128xf32, #tpu.memory_space<hbm>> -> memref<80x128xf32, #tpu.memory_space<hbm>>
        %dma_wait3A_93 = arith.constant 0 : i32
        %dma_wait3A_94 = arith.constant 0 : i32
        %dma_wait3A_95 = tpu.memref_slice %arg4[%dma_wait3A_93, %dma_wait3A_94] : memref<20000x128xf32, #tpu.memory_space<hbm>> -> memref<80x128xf32, #tpu.memory_space<hbm>>
        tpu.wait_dma2 semaphore(%arg14 : memref<!tpu.dma_semaphore, #tpu.memory_space<semaphore_mem>>) src(%dma_wait3A_95 : memref<80x128xf32, #tpu.memory_space<hbm>>) dst(%arg10 : memref<80x128xf32, #tpu.memory_space<vmem>>)
        "tpu.region"() ({
          %run_scoped3A_122 = tpu.sem_alloc : memref<!tpu.dma_semaphore, #tpu.memory_space<semaphore_mem>>
          %dma_start3A_123 = arith.constant 0 : i32
          %dma_start3A_124 = tpu.memref_slice %arg8[%add3A_89, %dma_start3A_123] : memref<25x80xi32, #tpu.memory_space<vmem>> -> memref<1x80xi32, #tpu.memory_space<vmem>>
          %dma_start3A_125 = tpu.memref_squeeze %dma_start3A_124 : memref<1x80xi32, #tpu.memory_space<vmem>> -> memref<80xi32, #tpu.memory_space<vmem>>
          %dma_start3A_126 = arith.constant 0 : i32
          %dma_start3A_127 = arith.constant 0 : i32
          %dma_start3A_128 = tpu.memref_slice %arg12[%dma_start3A_126, %dma_start3A_127] : memref<10000x128xf32, #tpu.memory_space<vmem_shared>> -> memref<10000x128xf32, #tpu.memory_space<vmem_shared>>
          tpu.enqueue_indirect_dma source(%arg10 : memref<80x128xf32, #tpu.memory_space<vmem>>) target(%dma_start3A_128 : memref<10000x128xf32, #tpu.memory_space<vmem_shared>>) offsets(%dma_start3A_125 : memref<80xi32, #tpu.memory_space<vmem>>) semaphore(%run_scoped3A_122 : memref<!tpu.dma_semaphore, #tpu.memory_space<semaphore_mem>>) {add = true}
          %dma_wait3A_129 = arith.constant 0 : i32
          %dma_wait3A_130 = tpu.memref_slice %arg8[%add3A_89, %dma_wait3A_129] : memref<25x80xi32, #tpu.memory_space<vmem>> -> memref<1x80xi32, #tpu.memory_space<vmem>>
          %dma_wait3A_131 = tpu.memref_squeeze %dma_wait3A_130 : memref<1x80xi32, #tpu.memory_space<vmem>> -> memref<80xi32, #tpu.memory_space<vmem>>
          %dma_wait3A_132 = arith.constant 0 : i32
          %dma_wait3A_133 = arith.constant 0 : i32
          %dma_wait3A_134 = tpu.memref_slice %arg12[%dma_wait3A_132, %dma_wait3A_133] : memref<10000x128xf32, #tpu.memory_space<vmem_shared>> -> memref<10000x128xf32, #tpu.memory_space<vmem_shared>>
          tpu.wait_indirect_dma semaphore(%run_scoped3A_122 : memref<!tpu.dma_semaphore, #tpu.memory_space<semaphore_mem>>) src(%arg10 : memref<80x128xf32, #tpu.memory_space<vmem>>) dst(%dma_wait3A_134 : memref<10000x128xf32, #tpu.memory_space<vmem_shared>>)
          tpu.yield
        }) : () -> ()
        %add3A_96 = arith.constant 1 : i32
        %add3A_97 = arith.addi %mul3A_71, %add3A_96 : i32
        %add3A_98 = arith.constant 3 : i32
        %add3A_99 = arith.addi %add3A_97, %add3A_98 : i32
        %lt3A_100 = arith.constant 25 : i32
        %lt3A_101 = arith.cmpi slt, %add3A_99, %lt3A_100 : i32
        %convert_element_type3A_102 = arith.extui %lt3A_101 : i1 to i32
        %cond3A_103 = arith.constant 0 : i32
        %cond3A_104 = arith.cmpi ne, %convert_element_type3A_102, %cond3A_103 : i32
        scf.if %cond3A_104 {
          %add3A_122 = arith.constant 1 : i32
          %add3A_123 = arith.addi %mul3A_71, %add3A_122 : i32
          %add3A_124 = arith.constant 3 : i32
          %add3A_125 = arith.addi %add3A_123, %add3A_124 : i32
          %mul3A_126 = arith.constant 80 : i32
          %mul3A_127 = arith.muli %add3A_125, %mul3A_126 : i32
          %dma_start3A_128 = tpu.memref_slice %arg7[%mul3A_127] : memref<2000xi32, #tpu.memory_space<vmem>> -> memref<80xi32, #tpu.memory_space<vmem>>
          %dma_start3A_129 = arith.constant 0 : i32
          %dma_start3A_130 = arith.constant 0 : i32
          %dma_start3A_131 = tpu.memref_slice %arg4[%dma_start3A_129, %dma_start3A_130] : memref<20000x128xf32, #tpu.memory_space<hbm>> -> memref<20000x128xf32, #tpu.memory_space<hbm>>
          tpu.enqueue_indirect_dma source(%dma_start3A_131 : memref<20000x128xf32, #tpu.memory_space<hbm>>) target(%arg10 : memref<80x128xf32, #tpu.memory_space<vmem>>) offsets(%dma_start3A_128 : memref<80xi32, #tpu.memory_space<vmem>>) semaphore(%arg14 : memref<!tpu.dma_semaphore, #tpu.memory_space<semaphore_mem>>)
        } else {
        }
        %add3A_105 = arith.constant 2 : i32
        %add3A_106 = arith.addi %mul3A_71, %add3A_105 : i32
        %dma_wait3A_107 = arith.constant 0 : i32
        %dma_wait3A_108 = arith.constant 0 : i32
        %dma_wait3A_109 = tpu.memref_slice %arg4[%dma_wait3A_107, %dma_wait3A_108] : memref<20000x128xf32, #tpu.memory_space<hbm>> -> memref<80x128xf32, #tpu.memory_space<hbm>>
        %dma_wait3A_110 = arith.constant 0 : i32
        %dma_wait3A_111 = arith.constant 0 : i32
        %dma_wait3A_112 = tpu.memref_slice %arg4[%dma_wait3A_110, %dma_wait3A_111] : memref<20000x128xf32, #tpu.memory_space<hbm>> -> memref<80x128xf32, #tpu.memory_space<hbm>>
        tpu.wait_dma2 semaphore(%arg15 : memref<!tpu.dma_semaphore, #tpu.memory_space<semaphore_mem>>) src(%dma_wait3A_112 : memref<80x128xf32, #tpu.memory_space<hbm>>) dst(%arg11 : memref<80x128xf32, #tpu.memory_space<vmem>>)
        "tpu.region"() ({
          %run_scoped3A_122 = tpu.sem_alloc : memref<!tpu.dma_semaphore, #tpu.memory_space<semaphore_mem>>
          %dma_start3A_123 = arith.constant 0 : i32
          %dma_start3A_124 = tpu.memref_slice %arg8[%add3A_106, %dma_start3A_123] : memref<25x80xi32, #tpu.memory_space<vmem>> -> memref<1x80xi32, #tpu.memory_space<vmem>>
          %dma_start3A_125 = tpu.memref_squeeze %dma_start3A_124 : memref<1x80xi32, #tpu.memory_space<vmem>> -> memref<80xi32, #tpu.memory_space<vmem>>
          %dma_start3A_126 = arith.constant 0 : i32
          %dma_start3A_127 = arith.constant 0 : i32
          %dma_start3A_128 = tpu.memref_slice %arg12[%dma_start3A_126, %dma_start3A_127] : memref<10000x128xf32, #tpu.memory_space<vmem_shared>> -> memref<10000x128xf32, #tpu.memory_space<vmem_shared>>
          tpu.enqueue_indirect_dma source(%arg11 : memref<80x128xf32, #tpu.memory_space<vmem>>) target(%dma_start3A_128 : memref<10000x128xf32, #tpu.memory_space<vmem_shared>>) offsets(%dma_start3A_125 : memref<80xi32, #tpu.memory_space<vmem>>) semaphore(%run_scoped3A_122 : memref<!tpu.dma_semaphore, #tpu.memory_space<semaphore_mem>>) {add = true}
          %dma_wait3A_129 = arith.constant 0 : i32
          %dma_wait3A_130 = tpu.memref_slice %arg8[%add3A_106, %dma_wait3A_129] : memref<25x80xi32, #tpu.memory_space<vmem>> -> memref<1x80xi32, #tpu.memory_space<vmem>>
          %dma_wait3A_131 = tpu.memref_squeeze %dma_wait3A_130 : memref<1x80xi32, #tpu.memory_space<vmem>> -> memref<80xi32, #tpu.memory_space<vmem>>
          %dma_wait3A_132 = arith.constant 0 : i32
          %dma_wait3A_133 = arith.constant 0 : i32
          %dma_wait3A_134 = tpu.memref_slice %arg12[%dma_wait3A_132, %dma_wait3A_133] : memref<10000x128xf32, #tpu.memory_space<vmem_shared>> -> memref<10000x128xf32, #tpu.memory_space<vmem_shared>>
          tpu.wait_indirect_dma semaphore(%run_scoped3A_122 : memref<!tpu.dma_semaphore, #tpu.memory_space<semaphore_mem>>) src(%arg11 : memref<80x128xf32, #tpu.memory_space<vmem>>) dst(%dma_wait3A_134 : memref<10000x128xf32, #tpu.memory_space<vmem_shared>>)
          tpu.yield
        }) : () -> ()
        %add3A_113 = arith.constant 2 : i32
        %add3A_114 = arith.addi %mul3A_71, %add3A_113 : i32
        %add3A_115 = arith.constant 3 : i32
        %add3A_116 = arith.addi %add3A_114, %add3A_115 : i32
        %lt3A_117 = arith.constant 25 : i32
        %lt3A_118 = arith.cmpi slt, %add3A_116, %lt3A_117 : i32
        %convert_element_type3A_119 = arith.extui %lt3A_118 : i1 to i32
        %cond3A_120 = arith.constant 0 : i32
        %cond3A_121 = arith.cmpi ne, %convert_element_type3A_119, %cond3A_120 : i32
        scf.if %cond3A_121 {
          %add3A_122 = arith.constant 2 : i32
          %add3A_123 = arith.addi %mul3A_71, %add3A_122 : i32
          %add3A_124 = arith.constant 3 : i32
          %add3A_125 = arith.addi %add3A_123, %add3A_124 : i32
          %mul3A_126 = arith.constant 80 : i32
          %mul3A_127 = arith.muli %add3A_125, %mul3A_126 : i32
          %dma_start3A_128 = tpu.memref_slice %arg7[%mul3A_127] : memref<2000xi32, #tpu.memory_space<vmem>> -> memref<80xi32, #tpu.memory_space<vmem>>
          %dma_start3A_129 = arith.constant 0 : i32
          %dma_start3A_130 = arith.constant 0 : i32
          %dma_start3A_131 = tpu.memref_slice %arg4[%dma_start3A_129, %dma_start3A_130] : memref<20000x128xf32, #tpu.memory_space<hbm>> -> memref<20000x128xf32, #tpu.memory_space<hbm>>
          tpu.enqueue_indirect_dma source(%dma_start3A_131 : memref<20000x128xf32, #tpu.memory_space<hbm>>) target(%arg11 : memref<80x128xf32, #tpu.memory_space<vmem>>) offsets(%dma_start3A_128 : memref<80xi32, #tpu.memory_space<vmem>>) semaphore(%arg15 : memref<!tpu.dma_semaphore, #tpu.memory_space<semaphore_mem>>)
        } else {
        }
      }
      %scan3A_63 = arith.constant 8 : i32
      %dma_wait3A = arith.constant 0 : i32
      %dma_wait3A_64 = arith.constant 0 : i32
      %dma_wait3A_65 = tpu.memref_slice %arg4[%dma_wait3A, %dma_wait3A_64] : memref<20000x128xf32, #tpu.memory_space<hbm>> -> memref<80x128xf32, #tpu.memory_space<hbm>>
      %dma_wait3A_66 = arith.constant 0 : i32
      %dma_wait3A_67 = arith.constant 0 : i32
      %dma_wait3A_68 = tpu.memref_slice %arg4[%dma_wait3A_66, %dma_wait3A_67] : memref<20000x128xf32, #tpu.memory_space<hbm>> -> memref<80x128xf32, #tpu.memory_space<hbm>>
      tpu.wait_dma2 semaphore(%arg13 : memref<!tpu.dma_semaphore, #tpu.memory_space<semaphore_mem>>) src(%dma_wait3A_68 : memref<80x128xf32, #tpu.memory_space<hbm>>) dst(%arg9 : memref<80x128xf32, #tpu.memory_space<vmem>>)
      %run_scoped3A = arith.constant 24 : i32
      "tpu.region"() ({
        %run_scoped3A_69 = tpu.sem_alloc : memref<!tpu.dma_semaphore, #tpu.memory_space<semaphore_mem>>
        %dma_start3A_70 = arith.constant 0 : i32
        %dma_start3A_71 = tpu.memref_slice %arg8[%run_scoped3A, %dma_start3A_70] : memref<25x80xi32, #tpu.memory_space<vmem>> -> memref<1x80xi32, #tpu.memory_space<vmem>>
        %dma_start3A_72 = tpu.memref_squeeze %dma_start3A_71 : memref<1x80xi32, #tpu.memory_space<vmem>> -> memref<80xi32, #tpu.memory_space<vmem>>
        %dma_start3A_73 = arith.constant 0 : i32
        %dma_start3A_74 = arith.constant 0 : i32
        %dma_start3A_75 = tpu.memref_slice %arg12[%dma_start3A_73, %dma_start3A_74] : memref<10000x128xf32, #tpu.memory_space<vmem_shared>> -> memref<10000x128xf32, #tpu.memory_space<vmem_shared>>
        tpu.enqueue_indirect_dma source(%arg9 : memref<80x128xf32, #tpu.memory_space<vmem>>) target(%dma_start3A_75 : memref<10000x128xf32, #tpu.memory_space<vmem_shared>>) offsets(%dma_start3A_72 : memref<80xi32, #tpu.memory_space<vmem>>) semaphore(%run_scoped3A_69 : memref<!tpu.dma_semaphore, #tpu.memory_space<semaphore_mem>>) {add = true}
        %dma_wait3A_76 = arith.constant 0 : i32
        %dma_wait3A_77 = tpu.memref_slice %arg8[%run_scoped3A, %dma_wait3A_76] : memref<25x80xi32, #tpu.memory_space<vmem>> -> memref<1x80xi32, #tpu.memory_space<vmem>>
        %dma_wait3A_78 = tpu.memref_squeeze %dma_wait3A_77 : memref<1x80xi32, #tpu.memory_space<vmem>> -> memref<80xi32, #tpu.memory_space<vmem>>
        %dma_wait3A_79 = arith.constant 0 : i32
        %dma_wait3A_80 = arith.constant 0 : i32
        %dma_wait3A_81 = tpu.memref_slice %arg12[%dma_wait3A_79, %dma_wait3A_80] : memref<10000x128xf32, #tpu.memory_space<vmem_shared>> -> memref<10000x128xf32, #tpu.memory_space<vmem_shared>>
        tpu.wait_indirect_dma semaphore(%run_scoped3A_69 : memref<!tpu.dma_semaphore, #tpu.memory_space<semaphore_mem>>) src(%arg9 : memref<80x128xf32, #tpu.memory_space<vmem>>) dst(%dma_wait3A_81 : memref<10000x128xf32, #tpu.memory_space<vmem_shared>>)
        tpu.yield
      }) : () -> ()
    }
    %scan3A_18 = arith.constant 10 : i32
    %barrier3A = arith.constant 0 : index
    tpu.barrier barrier_id(%barrier3A)
    %mul3A_19 = arith.constant 624 : i32
    %mul3A_20 = arith.muli %arg1, %mul3A_19 : i32
    %mul3A_21 = arith.constant 624 : i32
    %mul3A_22 = arith.muli %arg1, %mul3A_21 : i32
    "tpu.region"() ({
      %run_scoped3A = tpu.sem_alloc : memref<!tpu.dma_semaphore, #tpu.memory_space<semaphore_mem>>
      %dma_start3A_28 = arith.constant 0 : i32
      %dma_start3A_29 = tpu.memref_slice %arg6[%arg0, %mul3A_22, %dma_start3A_28] : memref<2x10000x128xf32, #tpu.memory_space<hbm>> -> memref<1x624x128xf32, #tpu.memory_space<hbm>>
      %dma_start3A_30 = tpu.memref_squeeze %dma_start3A_29 : memref<1x624x128xf32, #tpu.memory_space<hbm>> -> memref<624x128xf32, #tpu.memory_space<hbm>>
      %dma_start3A_31 = arith.constant 0 : i32
      %dma_start3A_32 = tpu.memref_slice %arg12[%mul3A_20, %dma_start3A_31] : memref<10000x128xf32, #tpu.memory_space<vmem_shared>> -> memref<624x128xf32, #tpu.memory_space<vmem_shared>>
      tpu.enqueue_dma source(%dma_start3A_32 : memref<624x128xf32, #tpu.memory_space<vmem_shared>>) target(%dma_start3A_30 : memref<624x128xf32, #tpu.memory_space<hbm>>) target_semaphore(%run_scoped3A : memref<!tpu.dma_semaphore, #tpu.memory_space<semaphore_mem>>)
      %dma_wait3A = arith.constant 0 : i32
      %dma_wait3A_33 = tpu.memref_slice %arg6[%arg0, %mul3A_22, %dma_wait3A] : memref<2x10000x128xf32, #tpu.memory_space<hbm>> -> memref<1x624x128xf32, #tpu.memory_space<hbm>>
      %dma_wait3A_34 = tpu.memref_squeeze %dma_wait3A_33 : memref<1x624x128xf32, #tpu.memory_space<hbm>> -> memref<624x128xf32, #tpu.memory_space<hbm>>
      %dma_wait3A_35 = arith.constant 0 : i32
      %dma_wait3A_36 = tpu.memref_slice %arg12[%mul3A_20, %dma_wait3A_35] : memref<10000x128xf32, #tpu.memory_space<vmem_shared>> -> memref<624x128xf32, #tpu.memory_space<vmem_shared>>
      tpu.wait_dma2 semaphore(%run_scoped3A : memref<!tpu.dma_semaphore, #tpu.memory_space<semaphore_mem>>) src(%dma_wait3A_36 : memref<624x128xf32, #tpu.memory_space<vmem_shared>>) dst(%dma_wait3A_34 : memref<624x128xf32, #tpu.memory_space<hbm>>)
      tpu.yield
    }) : () -> ()
    %eq3A_23 = arith.constant 0 : i32
    %eq3A_24 = arith.cmpi eq, %arg1, %eq3A_23 : i32
    %convert_element_type3A_25 = arith.extui %eq3A_24 : i1 to i32
    %cond3A_26 = arith.constant 0 : i32
    %cond3A_27 = arith.cmpi ne, %convert_element_type3A_25, %cond3A_26 : i32
    scf.if %cond3A_27 {
      "tpu.region"() ({
        %run_scoped3A = tpu.sem_alloc : memref<!tpu.dma_semaphore, #tpu.memory_space<semaphore_mem>>
        %dma_start3A_28 = arith.constant 9984 : i32
        %dma_start3A_29 = arith.constant 0 : i32
        %dma_start3A_30 = tpu.memref_slice %arg6[%arg0, %dma_start3A_28, %dma_start3A_29] : memref<2x10000x128xf32, #tpu.memory_space<hbm>> -> memref<1x16x128xf32, #tpu.memory_space<hbm>>
        %dma_start3A_31 = tpu.memref_squeeze %dma_start3A_30 : memref<1x16x128xf32, #tpu.memory_space<hbm>> -> memref<16x128xf32, #tpu.memory_space<hbm>>
        %dma_start3A_32 = arith.constant 9984 : i32
        %dma_start3A_33 = arith.constant 0 : i32
        %dma_start3A_34 = tpu.memref_slice %arg12[%dma_start3A_32, %dma_start3A_33] : memref<10000x128xf32, #tpu.memory_space<vmem_shared>> -> memref<16x128xf32, #tpu.memory_space<vmem_shared>>
        tpu.enqueue_dma source(%dma_start3A_34 : memref<16x128xf32, #tpu.memory_space<vmem_shared>>) target(%dma_start3A_31 : memref<16x128xf32, #tpu.memory_space<hbm>>) target_semaphore(%run_scoped3A : memref<!tpu.dma_semaphore, #tpu.memory_space<semaphore_mem>>)
        %dma_wait3A = arith.constant 9984 : i32
        %dma_wait3A_35 = arith.constant 0 : i32
        %dma_wait3A_36 = tpu.memref_slice %arg6[%arg0, %dma_wait3A, %dma_wait3A_35] : memref<2x10000x128xf32, #tpu.memory_space<hbm>> -> memref<1x16x128xf32, #tpu.memory_space<hbm>>
        %dma_wait3A_37 = tpu.memref_squeeze %dma_wait3A_36 : memref<1x16x128xf32, #tpu.memory_space<hbm>> -> memref<16x128xf32, #tpu.memory_space<hbm>>
        %dma_wait3A_38 = arith.constant 9984 : i32
        %dma_wait3A_39 = arith.constant 0 : i32
        %dma_wait3A_40 = tpu.memref_slice %arg12[%dma_wait3A_38, %dma_wait3A_39] : memref<10000x128xf32, #tpu.memory_space<vmem_shared>> -> memref<16x128xf32, #tpu.memory_space<vmem_shared>>
        tpu.wait_dma2 semaphore(%run_scoped3A : memref<!tpu.dma_semaphore, #tpu.memory_space<semaphore_mem>>) src(%dma_wait3A_40 : memref<16x128xf32, #tpu.memory_space<vmem_shared>>) dst(%dma_wait3A_37 : memref<16x128xf32, #tpu.memory_space<hbm>>)
        tpu.yield
      }) : () -> ()
    } else {
    }
    return
  }
}

module attributes {stable_mosaic.version = 14 : i64} {
  func.func @kern(%arg0: i32, %arg1: memref<32x1024xf32, #tpu.memory_space<vmem>>, %arg2: memref<1024x128xf32, #tpu.memory_space<vmem>>, %arg3: memref<1024x128xf32, #tpu.memory_space<vmem>>) attributes {dimension_semantics = [#tpu.dimension_semantics<arbitrary>], iteration_bounds = array<i64: 10>, scalar_prefetch = 0 : i64, scratch_operands = 0 : i64, tpu.core_type = #tpu.core_type<tc>, window_params = [{transform_indices = @transform_0, window_bounds = array<i64: 32, 1024>}, {transform_indices = @transform_1, window_bounds = array<i64: 1024, 128>}, {transform_indices = @transform_2, window_bounds = array<i64: 1024, 128>}]} {
    %get3A = arith.constant 0 : index
    %get3A_0 = arith.constant 0 : index
    %get3A_1 = vector.load %arg1[%get3A, %get3A_0] : memref<32x1024xf32, #tpu.memory_space<vmem>>, vector<32x1024xf32>
    %broadcast_in_dim3A = arith.constant 1.000000e+00 : f32
    %broadcast_in_dim3A_2 = vector.broadcast %broadcast_in_dim3A : f32 to vector<32x1xf32>
    %dot_general3A = arith.constant dense<0.000000e+00> : vector<1024x1xf32>
    %dot_general3A_3 = tpu.matmul %get3A_1, %broadcast_in_dim3A_2, %dot_general3A {dimension_numbers = #tpu.dot_dimension_numbers<[0], [0], [1], [1], [0, 1, 1, 1], [], []>, transpose_lhs_hint = false} : vector<32x1024xf32>, vector<32x1xf32>, vector<1024x1xf32> -> vector<1024x1xf32>
    %add3A = arith.constant 1.000000e+00 : f32
    %add3A_4 = vector.broadcast %add3A : f32 to vector<1024x1xf32>
    %add3A_5 = arith.addf %dot_general3A_3, %add3A_4 : vector<1024x1xf32>
    %rsqrt3A = math.rsqrt %add3A_5 : vector<1024x1xf32>
    %get3A_6 = arith.constant 0 : index
    %get3A_7 = arith.constant 0 : index
    %get3A_8 = vector.load %arg2[%get3A_6, %get3A_7] : memref<1024x128xf32, #tpu.memory_space<vmem>>, vector<1024x128xf32>
    %mul3A = vector.broadcast %rsqrt3A : vector<1024x1xf32> to vector<1024x128xf32>
    %mul3A_9 = arith.mulf %get3A_8, %mul3A : vector<1024x128xf32>
    %swap3A = arith.constant 0 : index
    %swap3A_10 = arith.constant 0 : index
    %swap3A_11 = vector.load %arg3[%swap3A, %swap3A_10] : memref<1024x128xf32, #tpu.memory_space<vmem>>, vector<1024x128xf32>
    tpu.vector_store %arg3[%swap3A, %swap3A_10], %mul3A_9 {strides = array<i32>} : memref<1024x128xf32, #tpu.memory_space<vmem>>, vector<1024x128xf32>,
    return
  }
  func.func @transform_0(%arg0: i32) -> (i32, i32) {
    %c0_i32 = arith.constant 0 : i32
    %c0_i32_0 = arith.constant 0 : i32
    return %c0_i32, %arg0 : i32, i32
  }
  func.func @transform_1(%arg0: i32) -> (i32, i32) {
    %c0_i32 = arith.constant 0 : i32
    %c0_i32_0 = arith.constant 0 : i32
    return %arg0, %c0_i32 : i32, i32
  }
  func.func @transform_2(%arg0: i32) -> (i32, i32) {
    %c0_i32 = arith.constant 0 : i32
    %c0_i32_0 = arith.constant 0 : i32
    return %arg0, %c0_i32 : i32, i32
  }
}

module attributes {stable_mosaic.version = 14 : i64} {
  func.func @kern(%arg0: i32, %arg1: memref<2x1024x128xf32, #tpu.memory_space<vmem>>, %arg2: memref<1024x128xf32, #tpu.memory_space<vmem>>, %arg3: memref<32x1024xf32, #tpu.memory_space<vmem>>, %arg4: memref<2x128x128xf32, #tpu.memory_space<vmem>>, %arg5: memref<2x1x128xf32, #tpu.memory_space<vmem>>, %arg6: memref<2x1024x128xf32, #tpu.memory_space<vmem>>, %arg7: memref<2x1024x128xf32, #tpu.memory_space<vmem>>) attributes {dimension_semantics = [#tpu.dimension_semantics<arbitrary>], iteration_bounds = array<i64: 10>, scalar_prefetch = 0 : i64, scratch_operands = 0 : i64, tpu.core_type = #tpu.core_type<tc>, window_params = [{transform_indices = @transform_0, window_bounds = array<i64: 2, 1024, 128>}, {transform_indices = @transform_1, window_bounds = array<i64: 1024, 128>}, {transform_indices = @transform_2, window_bounds = array<i64: 32, 1024>}, {pipeline_mode = #tpu.pipeline_mode<synchronous>, transform_indices = @transform_3, window_bounds = array<i64: 2, 128, 128>}, {pipeline_mode = #tpu.pipeline_mode<synchronous>, transform_indices = @transform_4, window_bounds = array<i64: 2, 1, 128>}, {transform_indices = @transform_5, window_bounds = array<i64: 2, 1024, 128>}, {transform_indices = @transform_6, window_bounds = array<i64: 2, 1024, 128>}]} {
    %get3A = arith.constant 0 : index
    %get3A_0 = arith.constant 0 : index
    %get3A_1 = arith.constant 0 : index
    %get3A_2 = vector.load %arg1[%get3A, %get3A_0, %get3A_1] : memref<2x1024x128xf32, #tpu.memory_space<vmem>>, vector<2x1024x128xf32>
    %get3A_3 = arith.constant 0 : index
    %get3A_4 = arith.constant 0 : index
    %get3A_5 = vector.load %arg3[%get3A_3, %get3A_4] : memref<32x1024xf32, #tpu.memory_space<vmem>>, vector<32x1024xf32>
    %broadcast_in_dim3A = arith.constant 1.000000e+00 : f32
    %broadcast_in_dim3A_6 = vector.broadcast %broadcast_in_dim3A : f32 to vector<32x1xf32>
    %dot_general3A = arith.constant dense<0.000000e+00> : vector<1024x1xf32>
    %dot_general3A_7 = tpu.matmul %get3A_5, %broadcast_in_dim3A_6, %dot_general3A {dimension_numbers = #tpu.dot_dimension_numbers<[0], [0], [1], [1], [0, 1, 1, 1], [], []>, transpose_lhs_hint = false} : vector<32x1024xf32>, vector<32x1xf32>, vector<1024x1xf32> -> vector<1024x1xf32>
    %add3A = arith.constant 1.000000e+00 : f32
    %add3A_8 = vector.broadcast %add3A : f32 to vector<1024x1xf32>
    %add3A_9 = arith.addf %dot_general3A_7, %add3A_8 : vector<1024x1xf32>
    %rsqrt3A = math.rsqrt %add3A_9 : vector<1024x1xf32>
    %get3A_10 = arith.constant 0 : index
    %get3A_11 = arith.constant 0 : index
    %get3A_12 = vector.load %arg2[%get3A_10, %get3A_11] : memref<1024x128xf32, #tpu.memory_space<vmem>>, vector<1024x128xf32>
    %slice3A = vector.extract_strided_slice %get3A_2 {offsets = [0, 0, 0], sizes = [1, 1024, 128], strides = [1, 1, 1]} : vector<2x1024x128xf32> to vector<1x1024x128xf32>
    %squeeze3A = vector.shape_cast %slice3A : vector<1x1024x128xf32> to vector<1024x128xf32>
    %slice3A_13 = vector.extract_strided_slice %get3A_2 {offsets = [1, 0, 0], sizes = [1, 1024, 128], strides = [1, 1, 1]} : vector<2x1024x128xf32> to vector<1x1024x128xf32>
    %squeeze3A_14 = vector.shape_cast %slice3A_13 : vector<1x1024x128xf32> to vector<1024x128xf32>
    %add3A_15 = arith.addf %squeeze3A, %squeeze3A_14 : vector<1024x128xf32>
    %mul3A = vector.broadcast %rsqrt3A : vector<1024x1xf32> to vector<1024x128xf32>
    %mul3A_16 = arith.mulf %add3A_15, %mul3A : vector<1024x128xf32>
    %mul3A_17 = vector.broadcast %rsqrt3A : vector<1024x1xf32> to vector<1024x128xf32>
    %mul3A_18 = arith.mulf %get3A_12, %mul3A_17 : vector<1024x128xf32>
    %mul3A_19 = vector.broadcast %rsqrt3A : vector<1024x1xf32> to vector<1024x128xf32>
    %mul3A_20 = arith.mulf %mul3A_18, %mul3A_19 : vector<1024x128xf32>
    %add3A_21 = arith.addf %mul3A_16, %mul3A_20 : vector<1024x128xf32>
    %get3A_22 = arith.constant 0 : index
    %get3A_23 = arith.constant 0 : index
    %get3A_24 = arith.constant 0 : index
    %get3A_25 = vector.load %arg4[%get3A_22, %get3A_23, %get3A_24] : memref<2x128x128xf32, #tpu.memory_space<vmem>>, vector<1x128x128xf32>
    %get3A_26 = vector.shape_cast %get3A_25 : vector<1x128x128xf32> to vector<128x128xf32>
    %dot_general3A_27 = arith.constant dense<0.000000e+00> : vector<1024x128xf32>
    %dot_general3A_28 = tpu.matmul %add3A_21, %get3A_26, %dot_general3A_27 {dimension_numbers = #tpu.dot_dimension_numbers<[1], [0], [0], [1], [0, 0, 1, 1], [], []>, transpose_lhs_hint = false} : vector<1024x128xf32>, vector<128x128xf32>, vector<1024x128xf32> -> vector<1024x128xf32>
    %get3A_29 = arith.constant 0 : index
    %get3A_30 = arith.constant 0 : index
    %get3A_31 = arith.constant 0 : index
    %get3A_32 = vector.load %arg5[%get3A_29, %get3A_30, %get3A_31] : memref<2x1x128xf32, #tpu.memory_space<vmem>>, vector<1x1x128xf32>
    %get3A_33 = vector.shape_cast %get3A_32 : vector<1x1x128xf32> to vector<1x128xf32>
    %add3A_34 = vector.broadcast %get3A_33 : vector<1x128xf32> to vector<1024x128xf32>
    %add3A_35 = arith.addf %dot_general3A_28, %add3A_34 : vector<1024x128xf32>
    %max3A = arith.constant 0.000000e+00 : f32
    %max3A_36 = vector.broadcast %max3A : f32 to vector<1024x128xf32>
    %max3A_37 = arith.maximumf %add3A_35, %max3A_36 : vector<1024x128xf32>
    %swap3A = arith.constant 0 : index
    %swap3A_38 = arith.constant 0 : index
    %swap3A_39 = arith.constant 0 : index
    %swap3A_40 = vector.load %arg6[%swap3A, %swap3A_38, %swap3A_39] : memref<2x1024x128xf32, #tpu.memory_space<vmem>>, vector<1x1024x128xf32>
    %swap3A_41 = vector.shape_cast %swap3A_40 : vector<1x1024x128xf32> to vector<1024x128xf32>
    %swap3A_42 = vector.shape_cast %max3A_37 : vector<1024x128xf32> to vector<1x1024x128xf32>
    tpu.vector_store %arg6[%swap3A, %swap3A_38, %swap3A_39], %swap3A_42 {strides = array<i32>} : memref<2x1024x128xf32, #tpu.memory_space<vmem>>, vector<1x1024x128xf32>,
    %mul3A_43 = vector.broadcast %rsqrt3A : vector<1024x1xf32> to vector<1024x128xf32>
    %mul3A_44 = arith.mulf %max3A_37, %mul3A_43 : vector<1024x128xf32>
    %swap3A_45 = arith.constant 0 : index
    %swap3A_46 = arith.constant 0 : index
    %swap3A_47 = arith.constant 0 : index
    %swap3A_48 = vector.load %arg7[%swap3A_45, %swap3A_46, %swap3A_47] : memref<2x1024x128xf32, #tpu.memory_space<vmem>>, vector<1x1024x128xf32>
    %swap3A_49 = vector.shape_cast %swap3A_48 : vector<1x1024x128xf32> to vector<1024x128xf32>
    %swap3A_50 = vector.shape_cast %mul3A_44 : vector<1024x128xf32> to vector<1x1024x128xf32>
    tpu.vector_store %arg7[%swap3A_45, %swap3A_46, %swap3A_47], %swap3A_50 {strides = array<i32>} : memref<2x1024x128xf32, #tpu.memory_space<vmem>>, vector<1x1024x128xf32>,
    %get3A_51 = arith.constant 1 : index
    %get3A_52 = arith.constant 0 : index
    %get3A_53 = arith.constant 0 : index
    %get3A_54 = vector.load %arg4[%get3A_51, %get3A_52, %get3A_53] : memref<2x128x128xf32, #tpu.memory_space<vmem>>, vector<1x128x128xf32>
    %get3A_55 = vector.shape_cast %get3A_54 : vector<1x128x128xf32> to vector<128x128xf32>
    %dot_general3A_56 = arith.constant dense<0.000000e+00> : vector<1024x128xf32>
    %dot_general3A_57 = tpu.matmul %add3A_21, %get3A_55, %dot_general3A_56 {dimension_numbers = #tpu.dot_dimension_numbers<[1], [0], [0], [1], [0, 0, 1, 1], [], []>, transpose_lhs_hint = false} : vector<1024x128xf32>, vector<128x128xf32>, vector<1024x128xf32> -> vector<1024x128xf32>
    %get3A_58 = arith.constant 1 : index
    %get3A_59 = arith.constant 0 : index
    %get3A_60 = arith.constant 0 : index
    %get3A_61 = vector.load %arg5[%get3A_58, %get3A_59, %get3A_60] : memref<2x1x128xf32, #tpu.memory_space<vmem>>, vector<1x1x128xf32>
    %get3A_62 = vector.shape_cast %get3A_61 : vector<1x1x128xf32> to vector<1x128xf32>
    %add3A_63 = vector.broadcast %get3A_62 : vector<1x128xf32> to vector<1024x128xf32>
    %add3A_64 = arith.addf %dot_general3A_57, %add3A_63 : vector<1024x128xf32>
    %max3A_65 = arith.constant 0.000000e+00 : f32
    %max3A_66 = vector.broadcast %max3A_65 : f32 to vector<1024x128xf32>
    %max3A_67 = arith.maximumf %add3A_64, %max3A_66 : vector<1024x128xf32>
    %swap3A_68 = arith.constant 1 : index
    %swap3A_69 = arith.constant 0 : index
    %swap3A_70 = arith.constant 0 : index
    %swap3A_71 = vector.load %arg6[%swap3A_68, %swap3A_69, %swap3A_70] : memref<2x1024x128xf32, #tpu.memory_space<vmem>>, vector<1x1024x128xf32>
    %swap3A_72 = vector.shape_cast %swap3A_71 : vector<1x1024x128xf32> to vector<1024x128xf32>
    %swap3A_73 = vector.shape_cast %max3A_67 : vector<1024x128xf32> to vector<1x1024x128xf32>
    tpu.vector_store %arg6[%swap3A_68, %swap3A_69, %swap3A_70], %swap3A_73 {strides = array<i32>} : memref<2x1024x128xf32, #tpu.memory_space<vmem>>, vector<1x1024x128xf32>,
    %mul3A_74 = vector.broadcast %rsqrt3A : vector<1024x1xf32> to vector<1024x128xf32>
    %mul3A_75 = arith.mulf %max3A_67, %mul3A_74 : vector<1024x128xf32>
    %swap3A_76 = arith.constant 1 : index
    %swap3A_77 = arith.constant 0 : index
    %swap3A_78 = arith.constant 0 : index
    %swap3A_79 = vector.load %arg7[%swap3A_76, %swap3A_77, %swap3A_78] : memref<2x1024x128xf32, #tpu.memory_space<vmem>>, vector<1x1024x128xf32>
    %swap3A_80 = vector.shape_cast %swap3A_79 : vector<1x1024x128xf32> to vector<1024x128xf32>
    %swap3A_81 = vector.shape_cast %mul3A_75 : vector<1024x128xf32> to vector<1x1024x128xf32>
    tpu.vector_store %arg7[%swap3A_76, %swap3A_77, %swap3A_78], %swap3A_81 {strides = array<i32>} : memref<2x1024x128xf32, #tpu.memory_space<vmem>>, vector<1x1024x128xf32>,
    return
  }
  func.func @transform_0(%arg0: i32) -> (i32, i32, i32) {
    %c0_i32 = arith.constant 0 : i32
    %c0_i32_0 = arith.constant 0 : i32
    %c0_i32_1 = arith.constant 0 : i32
    return %c0_i32, %arg0, %c0_i32_0 : i32, i32, i32
  }
  func.func @transform_1(%arg0: i32) -> (i32, i32) {
    %c0_i32 = arith.constant 0 : i32
    %c0_i32_0 = arith.constant 0 : i32
    return %arg0, %c0_i32 : i32, i32
  }
  func.func @transform_2(%arg0: i32) -> (i32, i32) {
    %c0_i32 = arith.constant 0 : i32
    %c0_i32_0 = arith.constant 0 : i32
    return %c0_i32, %arg0 : i32, i32
  }
  func.func @transform_3(%arg0: i32) -> (i32, i32, i32) {
    %c0_i32 = arith.constant 0 : i32
    %c0_i32_0 = arith.constant 0 : i32
    %c0_i32_1 = arith.constant 0 : i32
    %c0_i32_2 = arith.constant 0 : i32
    return %c0_i32, %c0_i32_0, %c0_i32_1 : i32, i32, i32
  }
  func.func @transform_4(%arg0: i32) -> (i32, i32, i32) {
    %c0_i32 = arith.constant 0 : i32
    %c0_i32_0 = arith.constant 0 : i32
    %c0_i32_1 = arith.constant 0 : i32
    %c0_i32_2 = arith.constant 0 : i32
    return %c0_i32, %c0_i32_0, %c0_i32_1 : i32, i32, i32
  }
  func.func @transform_5(%arg0: i32) -> (i32, i32, i32) {
    %c0_i32 = arith.constant 0 : i32
    %c0_i32_0 = arith.constant 0 : i32
    %c0_i32_1 = arith.constant 0 : i32
    return %c0_i32, %arg0, %c0_i32_0 : i32, i32, i32
  }
  func.func @transform_6(%arg0: i32) -> (i32, i32, i32) {
    %c0_i32 = arith.constant 0 : i32
    %c0_i32_0 = arith.constant 0 : i32
    %c0_i32_1 = arith.constant 0 : i32
    return %c0_i32, %arg0, %c0_i32_0 : i32, i32, i32
  }
}

module attributes {stable_mosaic.version = 14 : i64} {
  func.func @kern(%arg0: i32, %arg1: memref<2x2048x128xf32, #tpu.memory_space<vmem>>, %arg2: memref<2x2048x128xf32, #tpu.memory_space<vmem>>, %arg3: memref<32x2048xf32, #tpu.memory_space<vmem>>, %arg4: memref<1x2048xi32, #tpu.memory_space<vmem>>, %arg5: memref<2x128x128xf32, #tpu.memory_space<vmem>>, %arg6: memref<2x1x128xf32, #tpu.memory_space<vmem>>, %arg7: memref<128x128xf32, #tpu.memory_space<vmem>>, %arg8: memref<1x128xf32, #tpu.memory_space<vmem>>, %arg9: memref<128x128xf32, #tpu.memory_space<vmem>>, %arg10: memref<1x128xf32, #tpu.memory_space<vmem>>, %arg11: memref<128x128xf32, #tpu.memory_space<vmem>>, %arg12: memref<1x128xf32, #tpu.memory_space<vmem>>, %arg13: memref<128x128xf32, #tpu.memory_space<vmem>>, %arg14: memref<1x128xf32, #tpu.memory_space<vmem>>, %arg15: memref<2048x128xf32, #tpu.memory_space<vmem>>, %arg16: memref<2048x128xf32, #tpu.memory_space<vmem>>, %arg17: memref<128x128xf32, #tpu.memory_space<vmem>>, %arg18: memref<128x128xf32, #tpu.memory_space<vmem>>, %arg19: memref<128x128xf32, #tpu.memory_space<vmem>>, %arg20: memref<128x128xf32, #tpu.memory_space<vmem>>, %arg21: memref<128x128xf32, #tpu.memory_space<vmem>>) attributes {dimension_semantics = [#tpu.dimension_semantics<arbitrary>], iteration_bounds = array<i64: 5>, scalar_prefetch = 0 : i64, scratch_operands = 3 : i64, tpu.core_type = #tpu.core_type<tc>, window_params = [{transform_indices = @transform_0, window_bounds = array<i64: 2, 2048, 128>}, {transform_indices = @transform_1, window_bounds = array<i64: 2, 2048, 128>}, {transform_indices = @transform_2, window_bounds = array<i64: 32, 2048>}, {transform_indices = @transform_3, window_bounds = array<i64: 1, 2048>}, {pipeline_mode = #tpu.pipeline_mode<synchronous>, transform_indices = @transform_4, window_bounds = array<i64: 2, 128, 128>}, {pipeline_mode = #tpu.pipeline_mode<synchronous>, transform_indices = @transform_5, window_bounds = array<i64: 2, 1, 128>}, {pipeline_mode = #tpu.pipeline_mode<synchronous>, transform_indices = @transform_6, window_bounds = array<i64: 128, 128>}, {pipeline_mode = #tpu.pipeline_mode<synchronous>, transform_indices = @transform_7, window_bounds = array<i64: 1, 128>}, {pipeline_mode = #tpu.pipeline_mode<synchronous>, transform_indices = @transform_8, window_bounds = array<i64: 128, 128>}, {pipeline_mode = #tpu.pipeline_mode<synchronous>, transform_indices = @transform_9, window_bounds = array<i64: 1, 128>}, {pipeline_mode = #tpu.pipeline_mode<synchronous>, transform_indices = @transform_10, window_bounds = array<i64: 128, 128>}, {pipeline_mode = #tpu.pipeline_mode<synchronous>, transform_indices = @transform_11, window_bounds = array<i64: 1, 128>}, {pipeline_mode = #tpu.pipeline_mode<synchronous>, transform_indices = @transform_12, window_bounds = array<i64: 128, 128>}, {pipeline_mode = #tpu.pipeline_mode<synchronous>, transform_indices = @transform_13, window_bounds = array<i64: 1, 128>}, {transform_indices = @transform_14, window_bounds = array<i64: 2048, 128>}, {transform_indices = @transform_15, window_bounds = array<i64: 2048, 128>}, {pipeline_mode = #tpu.pipeline_mode<synchronous>, transform_indices = @transform_16, window_bounds = array<i64: 128, 128>}, {pipeline_mode = #tpu.pipeline_mode<synchronous>, transform_indices = @transform_17, window_bounds = array<i64: 128, 128>}]} {
    %eq3A = arith.constant 0 : i32
    %eq3A_0 = arith.cmpi eq, %arg0, %eq3A : i32
    %convert_element_type3A = arith.extui %eq3A_0 : i1 to i32
    %cond3A = arith.constant 0 : i32
    %cond3A_1 = arith.cmpi ne, %convert_element_type3A, %cond3A : i32
    scf.if %cond3A_1 {
      %broadcast_in_dim3A_175 = arith.constant 0.000000e+00 : f32
      %broadcast_in_dim3A_176 = vector.broadcast %broadcast_in_dim3A_175 : f32 to vector<128x128xf32>
      %swap3A_177 = arith.constant 0 : index
      %swap3A_178 = arith.constant 0 : index
      %swap3A_179 = vector.load %arg19[%swap3A_177, %swap3A_178] : memref<128x128xf32, #tpu.memory_space<vmem>>, vector<128x128xf32>
      tpu.vector_store %arg19[%swap3A_177, %swap3A_178], %broadcast_in_dim3A_176 {strides = array<i32>} : memref<128x128xf32, #tpu.memory_space<vmem>>, vector<128x128xf32>,
      %broadcast_in_dim3A_180 = arith.constant 0.000000e+00 : f32
      %broadcast_in_dim3A_181 = vector.broadcast %broadcast_in_dim3A_180 : f32 to vector<128x128xf32>
      %swap3A_182 = arith.constant 0 : index
      %swap3A_183 = arith.constant 0 : index
      %swap3A_184 = vector.load %arg20[%swap3A_182, %swap3A_183] : memref<128x128xf32, #tpu.memory_space<vmem>>, vector<128x128xf32>
      tpu.vector_store %arg20[%swap3A_182, %swap3A_183], %broadcast_in_dim3A_181 {strides = array<i32>} : memref<128x128xf32, #tpu.memory_space<vmem>>, vector<128x128xf32>,
      %broadcast_in_dim3A_185 = arith.constant 0.000000e+00 : f32
      %broadcast_in_dim3A_186 = vector.broadcast %broadcast_in_dim3A_185 : f32 to vector<128x128xf32>
      %swap3A_187 = arith.constant 0 : index
      %swap3A_188 = arith.constant 0 : index
      %swap3A_189 = vector.load %arg21[%swap3A_187, %swap3A_188] : memref<128x128xf32, #tpu.memory_space<vmem>>, vector<128x128xf32>
      tpu.vector_store %arg21[%swap3A_187, %swap3A_188], %broadcast_in_dim3A_186 {strides = array<i32>} : memref<128x128xf32, #tpu.memory_space<vmem>>, vector<128x128xf32>,
    } else {
    }
    %get3A = arith.constant 0 : index
    %get3A_2 = arith.constant 0 : index
    %get3A_3 = vector.load %arg3[%get3A, %get3A_2] : memref<32x2048xf32, #tpu.memory_space<vmem>>, vector<32x2048xf32>
    %broadcast_in_dim3A = arith.constant 1.000000e+00 : f32
    %broadcast_in_dim3A_4 = vector.broadcast %broadcast_in_dim3A : f32 to vector<32x1xf32>
    %dot_general3A = arith.constant dense<0.000000e+00> : vector<2048x1xf32>
    %dot_general3A_5 = tpu.matmul %get3A_3, %broadcast_in_dim3A_4, %dot_general3A {dimension_numbers = #tpu.dot_dimension_numbers<[0], [0], [1], [1], [0, 1, 1, 1], [], []>, transpose_lhs_hint = false} : vector<32x2048xf32>, vector<32x1xf32>, vector<2048x1xf32> -> vector<2048x1xf32>
    %add3A = arith.constant 1.000000e+00 : f32
    %add3A_6 = vector.broadcast %add3A : f32 to vector<2048x1xf32>
    %add3A_7 = arith.addf %dot_general3A_5, %add3A_6 : vector<2048x1xf32>
    %rsqrt3A = math.rsqrt %add3A_7 : vector<2048x1xf32>
    %get3A_8 = arith.constant 0 : index
    %get3A_9 = arith.constant 0 : index
    %get3A_10 = vector.load %arg4[%get3A_8, %get3A_9] : memref<1x2048xi32, #tpu.memory_space<vmem>>, vector<1x2048xi32>
    %iota3A = tpu.iota {dimensions = array<i32: 0>} : vector<128x2048xi32>
    %iota3A_11 = tpu.iota {dimensions = array<i32: 1>} : vector<1x2048xi32>
    %mul3A = arith.constant 2048 : i32
    %mul3A_12 = arith.muli %arg0, %mul3A : i32
    %add3A_13 = vector.broadcast %mul3A_12 : i32 to vector<1x2048xi32>
    %add3A_14 = arith.addi %iota3A_11, %add3A_13 : vector<1x2048xi32>
    %eq3A_15 = vector.broadcast %get3A_10 : vector<1x2048xi32> to vector<128x2048xi32>
    %eq3A_16 = arith.cmpi eq, %iota3A, %eq3A_15 : vector<128x2048xi32>
    %lt3A = arith.constant 10000 : i32
    %lt3A_17 = vector.broadcast %lt3A : i32 to vector<1x2048xi32>
    %lt3A_18 = arith.cmpi slt, %add3A_14, %lt3A_17 : vector<1x2048xi32>
    %and3A = vector.broadcast %lt3A_18 : vector<1x2048xi1> to vector<128x2048xi1>
    %and3A_19 = arith.andi %eq3A_16, %and3A : vector<128x2048xi1>
    %jit3A = arith.constant 1.000000e+00 : f32
    %jit3A_20 = arith.constant 0.000000e+00 : f32
    %broadcast_in_dim3A_21 = vector.broadcast %jit3A : f32 to vector<128x2048xf32>
    %broadcast_in_dim3A_22 = vector.broadcast %jit3A_20 : f32 to vector<128x2048xf32>
    %select_n3A = arith.select %and3A_19, %broadcast_in_dim3A_21, %broadcast_in_dim3A_22 : vector<128x2048xi1>, vector<128x2048xf32>
    %get3A_23 = arith.constant 0 : index
    %get3A_24 = arith.constant 0 : index
    %get3A_25 = vector.load %arg21[%get3A_23, %get3A_24] : memref<128x128xf32, #tpu.memory_space<vmem>>, vector<128x128xf32>
    %reduce_sum3A = arith.constant dense<0.000000e+00> : vector<128xf32>
    %reduce_sum3A_26 = vector.multi_reduction <add>, %select_n3A, %reduce_sum3A [1] : vector<128x2048xf32> to vector<128xf32>
    %broadcast_in_dim3A_27 = vector.shape_cast %reduce_sum3A_26 : vector<128xf32> to vector<128x1xf32>
    %broadcast_in_dim3A_28 = vector.shape_cast %broadcast_in_dim3A_27 : vector<128x1xf32> to vector<128x1xf32>
    %broadcast_in_dim3A_29 = vector.broadcast %broadcast_in_dim3A_28 : vector<128x1xf32> to vector<128x128xf32>
    %add3A_30 = arith.addf %get3A_25, %broadcast_in_dim3A_29 : vector<128x128xf32>
    %swap3A = arith.constant 0 : index
    %swap3A_31 = arith.constant 0 : index
    %swap3A_32 = vector.load %arg21[%swap3A, %swap3A_31] : memref<128x128xf32, #tpu.memory_space<vmem>>, vector<128x128xf32>
    tpu.vector_store %arg21[%swap3A, %swap3A_31], %add3A_30 {strides = array<i32>} : memref<128x128xf32, #tpu.memory_space<vmem>>, vector<128x128xf32>,
    %get3A_33 = arith.constant 0 : index
    %get3A_34 = arith.constant 0 : index
    %get3A_35 = arith.constant 0 : index
    %get3A_36 = vector.load %arg1[%get3A_33, %get3A_34, %get3A_35] : memref<2x2048x128xf32, #tpu.memory_space<vmem>>, vector<1x2048x128xf32>
    %get3A_37 = vector.shape_cast %get3A_36 : vector<1x2048x128xf32> to vector<2048x128xf32>
    %mul3A_38 = vector.broadcast %rsqrt3A : vector<2048x1xf32> to vector<2048x128xf32>
    %mul3A_39 = arith.mulf %get3A_37, %mul3A_38 : vector<2048x128xf32>
    %get3A_40 = arith.constant 0 : index
    %get3A_41 = arith.constant 0 : index
    %get3A_42 = arith.constant 0 : index
    %get3A_43 = vector.load %arg2[%get3A_40, %get3A_41, %get3A_42] : memref<2x2048x128xf32, #tpu.memory_space<vmem>>, vector<1x2048x128xf32>
    %get3A_44 = vector.shape_cast %get3A_43 : vector<1x2048x128xf32> to vector<2048x128xf32>
    %mul3A_45 = vector.broadcast %rsqrt3A : vector<2048x1xf32> to vector<2048x128xf32>
    %mul3A_46 = arith.mulf %get3A_44, %mul3A_45 : vector<2048x128xf32>
    %mul3A_47 = vector.broadcast %rsqrt3A : vector<2048x1xf32> to vector<2048x128xf32>
    %mul3A_48 = arith.mulf %mul3A_46, %mul3A_47 : vector<2048x128xf32>
    %add3A_49 = arith.addf %mul3A_39, %mul3A_48 : vector<2048x128xf32>
    %get3A_50 = arith.constant 0 : index
    %get3A_51 = arith.constant 0 : index
    %get3A_52 = arith.constant 0 : index
    %get3A_53 = vector.load %arg5[%get3A_50, %get3A_51, %get3A_52] : memref<2x128x128xf32, #tpu.memory_space<vmem>>, vector<1x128x128xf32>
    %get3A_54 = vector.shape_cast %get3A_53 : vector<1x128x128xf32> to vector<128x128xf32>
    %dot_general3A_55 = arith.constant dense<0.000000e+00> : vector<2048x128xf32>
    %dot_general3A_56 = tpu.matmul %add3A_49, %get3A_54, %dot_general3A_55 {dimension_numbers = #tpu.dot_dimension_numbers<[1], [0], [0], [1], [0, 0, 1, 1], [], []>, transpose_lhs_hint = false} : vector<2048x128xf32>, vector<128x128xf32>, vector<2048x128xf32> -> vector<2048x128xf32>
    %get3A_57 = arith.constant 0 : index
    %get3A_58 = arith.constant 0 : index
    %get3A_59 = arith.constant 0 : index
    %get3A_60 = vector.load %arg6[%get3A_57, %get3A_58, %get3A_59] : memref<2x1x128xf32, #tpu.memory_space<vmem>>, vector<1x1x128xf32>
    %get3A_61 = vector.shape_cast %get3A_60 : vector<1x1x128xf32> to vector<1x128xf32>
    %add3A_62 = vector.broadcast %get3A_61 : vector<1x128xf32> to vector<2048x128xf32>
    %add3A_63 = arith.addf %dot_general3A_56, %add3A_62 : vector<2048x128xf32>
    %max3A = arith.constant 0.000000e+00 : f32
    %max3A_64 = vector.broadcast %max3A : f32 to vector<2048x128xf32>
    %max3A_65 = arith.maximumf %add3A_63, %max3A_64 : vector<2048x128xf32>
    %get3A_66 = arith.constant 0 : index
    %get3A_67 = arith.constant 0 : index
    %get3A_68 = vector.load %arg7[%get3A_66, %get3A_67] : memref<128x128xf32, #tpu.memory_space<vmem>>, vector<128x128xf32>
    %dot_general3A_69 = arith.constant dense<0.000000e+00> : vector<2048x128xf32>
    %dot_general3A_70 = tpu.matmul %max3A_65, %get3A_68, %dot_general3A_69 {dimension_numbers = #tpu.dot_dimension_numbers<[1], [0], [0], [1], [0, 0, 1, 1], [], []>, transpose_lhs_hint = false} : vector<2048x128xf32>, vector<128x128xf32>, vector<2048x128xf32> -> vector<2048x128xf32>
    %get3A_71 = arith.constant 0 : index
    %get3A_72 = arith.constant 0 : index
    %get3A_73 = vector.load %arg8[%get3A_71, %get3A_72] : memref<1x128xf32, #tpu.memory_space<vmem>>, vector<1x128xf32>
    %add3A_74 = vector.broadcast %get3A_73 : vector<1x128xf32> to vector<2048x128xf32>
    %add3A_75 = arith.addf %dot_general3A_70, %add3A_74 : vector<2048x128xf32>
    %max3A_76 = arith.constant 0.000000e+00 : f32
    %max3A_77 = vector.broadcast %max3A_76 : f32 to vector<2048x128xf32>
    %max3A_78 = arith.maximumf %add3A_75, %max3A_77 : vector<2048x128xf32>
    %get3A_79 = arith.constant 0 : index
    %get3A_80 = arith.constant 0 : index
    %get3A_81 = vector.load %arg9[%get3A_79, %get3A_80] : memref<128x128xf32, #tpu.memory_space<vmem>>, vector<128x128xf32>
    %dot_general3A_82 = arith.constant dense<0.000000e+00> : vector<2048x128xf32>
    %dot_general3A_83 = tpu.matmul %max3A_78, %get3A_81, %dot_general3A_82 {dimension_numbers = #tpu.dot_dimension_numbers<[1], [0], [0], [1], [0, 0, 1, 1], [], []>, transpose_lhs_hint = false} : vector<2048x128xf32>, vector<128x128xf32>, vector<2048x128xf32> -> vector<2048x128xf32>
    %get3A_84 = arith.constant 0 : index
    %get3A_85 = arith.constant 0 : index
    %get3A_86 = vector.load %arg10[%get3A_84, %get3A_85] : memref<1x128xf32, #tpu.memory_space<vmem>>, vector<1x128xf32>
    %add3A_87 = vector.broadcast %get3A_86 : vector<1x128xf32> to vector<2048x128xf32>
    %add3A_88 = arith.addf %dot_general3A_83, %add3A_87 : vector<2048x128xf32>
    %swap3A_89 = arith.constant 0 : index
    %swap3A_90 = arith.constant 0 : index
    %swap3A_91 = vector.load %arg15[%swap3A_89, %swap3A_90] : memref<2048x128xf32, #tpu.memory_space<vmem>>, vector<2048x128xf32>
    tpu.vector_store %arg15[%swap3A_89, %swap3A_90], %add3A_88 {strides = array<i32>} : memref<2048x128xf32, #tpu.memory_space<vmem>>, vector<2048x128xf32>,
    %get3A_92 = arith.constant 0 : index
    %get3A_93 = arith.constant 0 : index
    %get3A_94 = vector.load %arg19[%get3A_92, %get3A_93] : memref<128x128xf32, #tpu.memory_space<vmem>>, vector<128x128xf32>
    %dot_general3A_95 = arith.constant dense<0.000000e+00> : vector<128x128xf32>
    %dot_general3A_96 = tpu.matmul %select_n3A, %max3A_65, %dot_general3A_95 {dimension_numbers = #tpu.dot_dimension_numbers<[1], [0], [0], [1], [0, 0, 1, 1], [], []>, transpose_lhs_hint = false} : vector<128x2048xf32>, vector<2048x128xf32>, vector<128x128xf32> -> vector<128x128xf32>
    %add3A_97 = arith.addf %get3A_94, %dot_general3A_96 : vector<128x128xf32>
    %swap3A_98 = arith.constant 0 : index
    %swap3A_99 = arith.constant 0 : index
    %swap3A_100 = vector.load %arg19[%swap3A_98, %swap3A_99] : memref<128x128xf32, #tpu.memory_space<vmem>>, vector<128x128xf32>
    tpu.vector_store %arg19[%swap3A_98, %swap3A_99], %add3A_97 {strides = array<i32>} : memref<128x128xf32, #tpu.memory_space<vmem>>, vector<128x128xf32>,
    %get3A_101 = arith.constant 1 : index
    %get3A_102 = arith.constant 0 : index
    %get3A_103 = arith.constant 0 : index
    %get3A_104 = vector.load %arg1[%get3A_101, %get3A_102, %get3A_103] : memref<2x2048x128xf32, #tpu.memory_space<vmem>>, vector<1x2048x128xf32>
    %get3A_105 = vector.shape_cast %get3A_104 : vector<1x2048x128xf32> to vector<2048x128xf32>
    %mul3A_106 = vector.broadcast %rsqrt3A : vector<2048x1xf32> to vector<2048x128xf32>
    %mul3A_107 = arith.mulf %get3A_105, %mul3A_106 : vector<2048x128xf32>
    %get3A_108 = arith.constant 1 : index
    %get3A_109 = arith.constant 0 : index
    %get3A_110 = arith.constant 0 : index
    %get3A_111 = vector.load %arg2[%get3A_108, %get3A_109, %get3A_110] : memref<2x2048x128xf32, #tpu.memory_space<vmem>>, vector<1x2048x128xf32>
    %get3A_112 = vector.shape_cast %get3A_111 : vector<1x2048x128xf32> to vector<2048x128xf32>
    %mul3A_113 = vector.broadcast %rsqrt3A : vector<2048x1xf32> to vector<2048x128xf32>
    %mul3A_114 = arith.mulf %get3A_112, %mul3A_113 : vector<2048x128xf32>
    %mul3A_115 = vector.broadcast %rsqrt3A : vector<2048x1xf32> to vector<2048x128xf32>
    %mul3A_116 = arith.mulf %mul3A_114, %mul3A_115 : vector<2048x128xf32>
    %add3A_117 = arith.addf %mul3A_107, %mul3A_116 : vector<2048x128xf32>
    %get3A_118 = arith.constant 1 : index
    %get3A_119 = arith.constant 0 : index
    %get3A_120 = arith.constant 0 : index
    %get3A_121 = vector.load %arg5[%get3A_118, %get3A_119, %get3A_120] : memref<2x128x128xf32, #tpu.memory_space<vmem>>, vector<1x128x128xf32>
    %get3A_122 = vector.shape_cast %get3A_121 : vector<1x128x128xf32> to vector<128x128xf32>
    %dot_general3A_123 = arith.constant dense<0.000000e+00> : vector<2048x128xf32>
    %dot_general3A_124 = tpu.matmul %add3A_117, %get3A_122, %dot_general3A_123 {dimension_numbers = #tpu.dot_dimension_numbers<[1], [0], [0], [1], [0, 0, 1, 1], [], []>, transpose_lhs_hint = false} : vector<2048x128xf32>, vector<128x128xf32>, vector<2048x128xf32> -> vector<2048x128xf32>
    %get3A_125 = arith.constant 1 : index
    %get3A_126 = arith.constant 0 : index
    %get3A_127 = arith.constant 0 : index
    %get3A_128 = vector.load %arg6[%get3A_125, %get3A_126, %get3A_127] : memref<2x1x128xf32, #tpu.memory_space<vmem>>, vector<1x1x128xf32>
    %get3A_129 = vector.shape_cast %get3A_128 : vector<1x1x128xf32> to vector<1x128xf32>
    %add3A_130 = vector.broadcast %get3A_129 : vector<1x128xf32> to vector<2048x128xf32>
    %add3A_131 = arith.addf %dot_general3A_124, %add3A_130 : vector<2048x128xf32>
    %max3A_132 = arith.constant 0.000000e+00 : f32
    %max3A_133 = vector.broadcast %max3A_132 : f32 to vector<2048x128xf32>
    %max3A_134 = arith.maximumf %add3A_131, %max3A_133 : vector<2048x128xf32>
    %get3A_135 = arith.constant 0 : index
    %get3A_136 = arith.constant 0 : index
    %get3A_137 = vector.load %arg7[%get3A_135, %get3A_136] : memref<128x128xf32, #tpu.memory_space<vmem>>, vector<128x128xf32>
    %dot_general3A_138 = arith.constant dense<0.000000e+00> : vector<2048x128xf32>
    %dot_general3A_139 = tpu.matmul %max3A_134, %get3A_137, %dot_general3A_138 {dimension_numbers = #tpu.dot_dimension_numbers<[1], [0], [0], [1], [0, 0, 1, 1], [], []>, transpose_lhs_hint = false} : vector<2048x128xf32>, vector<128x128xf32>, vector<2048x128xf32> -> vector<2048x128xf32>
    %get3A_140 = arith.constant 0 : index
    %get3A_141 = arith.constant 0 : index
    %get3A_142 = vector.load %arg8[%get3A_140, %get3A_141] : memref<1x128xf32, #tpu.memory_space<vmem>>, vector<1x128xf32>
    %add3A_143 = vector.broadcast %get3A_142 : vector<1x128xf32> to vector<2048x128xf32>
    %add3A_144 = arith.addf %dot_general3A_139, %add3A_143 : vector<2048x128xf32>
    %max3A_145 = arith.constant 0.000000e+00 : f32
    %max3A_146 = vector.broadcast %max3A_145 : f32 to vector<2048x128xf32>
    %max3A_147 = arith.maximumf %add3A_144, %max3A_146 : vector<2048x128xf32>
    %get3A_148 = arith.constant 0 : index
    %get3A_149 = arith.constant 0 : index
    %get3A_150 = vector.load %arg9[%get3A_148, %get3A_149] : memref<128x128xf32, #tpu.memory_space<vmem>>, vector<128x128xf32>
    %dot_general3A_151 = arith.constant dense<0.000000e+00> : vector<2048x128xf32>
    %dot_general3A_152 = tpu.matmul %max3A_147, %get3A_150, %dot_general3A_151 {dimension_numbers = #tpu.dot_dimension_numbers<[1], [0], [0], [1], [0, 0, 1, 1], [], []>, transpose_lhs_hint = false} : vector<2048x128xf32>, vector<128x128xf32>, vector<2048x128xf32> -> vector<2048x128xf32>
    %get3A_153 = arith.constant 0 : index
    %get3A_154 = arith.constant 0 : index
    %get3A_155 = vector.load %arg10[%get3A_153, %get3A_154] : memref<1x128xf32, #tpu.memory_space<vmem>>, vector<1x128xf32>
    %add3A_156 = vector.broadcast %get3A_155 : vector<1x128xf32> to vector<2048x128xf32>
    %add3A_157 = arith.addf %dot_general3A_152, %add3A_156 : vector<2048x128xf32>
    %swap3A_158 = arith.constant 0 : index
    %swap3A_159 = arith.constant 0 : index
    %swap3A_160 = vector.load %arg16[%swap3A_158, %swap3A_159] : memref<2048x128xf32, #tpu.memory_space<vmem>>, vector<2048x128xf32>
    tpu.vector_store %arg16[%swap3A_158, %swap3A_159], %add3A_157 {strides = array<i32>} : memref<2048x128xf32, #tpu.memory_space<vmem>>, vector<2048x128xf32>,
    %get3A_161 = arith.constant 0 : index
    %get3A_162 = arith.constant 0 : index
    %get3A_163 = vector.load %arg20[%get3A_161, %get3A_162] : memref<128x128xf32, #tpu.memory_space<vmem>>, vector<128x128xf32>
    %dot_general3A_164 = arith.constant dense<0.000000e+00> : vector<128x128xf32>
    %dot_general3A_165 = tpu.matmul %select_n3A, %max3A_134, %dot_general3A_164 {dimension_numbers = #tpu.dot_dimension_numbers<[1], [0], [0], [1], [0, 0, 1, 1], [], []>, transpose_lhs_hint = false} : vector<128x2048xf32>, vector<2048x128xf32>, vector<128x128xf32> -> vector<128x128xf32>
    %add3A_166 = arith.addf %get3A_163, %dot_general3A_165 : vector<128x128xf32>
    %swap3A_167 = arith.constant 0 : index
    %swap3A_168 = arith.constant 0 : index
    %swap3A_169 = vector.load %arg20[%swap3A_167, %swap3A_168] : memref<128x128xf32, #tpu.memory_space<vmem>>, vector<128x128xf32>
    tpu.vector_store %arg20[%swap3A_167, %swap3A_168], %add3A_166 {strides = array<i32>} : memref<128x128xf32, #tpu.memory_space<vmem>>, vector<128x128xf32>,
    %eq3A_170 = arith.constant 4 : i32
    %eq3A_171 = arith.cmpi eq, %arg0, %eq3A_170 : i32
    %convert_element_type3A_172 = arith.extui %eq3A_171 : i1 to i32
    %cond3A_173 = arith.constant 0 : i32
    %cond3A_174 = arith.cmpi ne, %convert_element_type3A_172, %cond3A_173 : i32
    scf.if %cond3A_174 {
      %get3A_175 = arith.constant 0 : index
      %get3A_176 = arith.constant 0 : index
      %get3A_177 = vector.load %arg21[%get3A_175, %get3A_176] : memref<128x128xf32, #tpu.memory_space<vmem>>, vector<128x128xf32>
      %max3A_178 = arith.constant 1.000000e+00 : f32
      %max3A_179 = vector.broadcast %max3A_178 : f32 to vector<128x128xf32>
      %max3A_180 = arith.maximumf %get3A_177, %max3A_179 : vector<128x128xf32>
      %get3A_181 = arith.constant 0 : index
      %get3A_182 = arith.constant 0 : index
      %get3A_183 = vector.load %arg19[%get3A_181, %get3A_182] : memref<128x128xf32, #tpu.memory_space<vmem>>, vector<128x128xf32>
      %div3A = arith.divf %get3A_183, %max3A_180 : vector<128x128xf32>
      %get3A_184 = arith.constant 0 : index
      %get3A_185 = arith.constant 0 : index
      %get3A_186 = vector.load %arg11[%get3A_184, %get3A_185] : memref<128x128xf32, #tpu.memory_space<vmem>>, vector<128x128xf32>
      %dot_general3A_187 = arith.constant dense<0.000000e+00> : vector<128x128xf32>
      %dot_general3A_188 = tpu.matmul %div3A, %get3A_186, %dot_general3A_187 {dimension_numbers = #tpu.dot_dimension_numbers<[1], [0], [0], [1], [0, 0, 1, 1], [], []>, transpose_lhs_hint = false} : vector<128x128xf32>, vector<128x128xf32>, vector<128x128xf32> -> vector<128x128xf32>
      %get3A_189 = arith.constant 0 : index
      %get3A_190 = arith.constant 0 : index
      %get3A_191 = vector.load %arg12[%get3A_189, %get3A_190] : memref<1x128xf32, #tpu.memory_space<vmem>>, vector<1x128xf32>
      %add3A_192 = vector.broadcast %get3A_191 : vector<1x128xf32> to vector<128x128xf32>
      %add3A_193 = arith.addf %dot_general3A_188, %add3A_192 : vector<128x128xf32>
      %max3A_194 = arith.constant 0.000000e+00 : f32
      %max3A_195 = vector.broadcast %max3A_194 : f32 to vector<128x128xf32>
      %max3A_196 = arith.maximumf %add3A_193, %max3A_195 : vector<128x128xf32>
      %get3A_197 = arith.constant 0 : index
      %get3A_198 = arith.constant 0 : index
      %get3A_199 = vector.load %arg13[%get3A_197, %get3A_198] : memref<128x128xf32, #tpu.memory_space<vmem>>, vector<128x128xf32>
      %dot_general3A_200 = arith.constant dense<0.000000e+00> : vector<128x128xf32>
      %dot_general3A_201 = tpu.matmul %max3A_196, %get3A_199, %dot_general3A_200 {dimension_numbers = #tpu.dot_dimension_numbers<[1], [0], [0], [1], [0, 0, 1, 1], [], []>, transpose_lhs_hint = false} : vector<128x128xf32>, vector<128x128xf32>, vector<128x128xf32> -> vector<128x128xf32>
      %get3A_202 = arith.constant 0 : index
      %get3A_203 = arith.constant 0 : index
      %get3A_204 = vector.load %arg14[%get3A_202, %get3A_203] : memref<1x128xf32, #tpu.memory_space<vmem>>, vector<1x128xf32>
      %add3A_205 = vector.broadcast %get3A_204 : vector<1x128xf32> to vector<128x128xf32>
      %add3A_206 = arith.addf %dot_general3A_201, %add3A_205 : vector<128x128xf32>
      %swap3A_207 = arith.constant 0 : index
      %swap3A_208 = arith.constant 0 : index
      %swap3A_209 = vector.load %arg17[%swap3A_207, %swap3A_208] : memref<128x128xf32, #tpu.memory_space<vmem>>, vector<128x128xf32>
      tpu.vector_store %arg17[%swap3A_207, %swap3A_208], %add3A_206 {strides = array<i32>} : memref<128x128xf32, #tpu.memory_space<vmem>>, vector<128x128xf32>,
      %get3A_210 = arith.constant 0 : index
      %get3A_211 = arith.constant 0 : index
      %get3A_212 = vector.load %arg20[%get3A_210, %get3A_211] : memref<128x128xf32, #tpu.memory_space<vmem>>, vector<128x128xf32>
      %div3A_213 = arith.divf %get3A_212, %max3A_180 : vector<128x128xf32>
      %get3A_214 = arith.constant 0 : index
      %get3A_215 = arith.constant 0 : index
      %get3A_216 = vector.load %arg11[%get3A_214, %get3A_215] : memref<128x128xf32, #tpu.memory_space<vmem>>, vector<128x128xf32>
      %dot_general3A_217 = arith.constant dense<0.000000e+00> : vector<128x128xf32>
      %dot_general3A_218 = tpu.matmul %div3A_213, %get3A_216, %dot_general3A_217 {dimension_numbers = #tpu.dot_dimension_numbers<[1], [0], [0], [1], [0, 0, 1, 1], [], []>, transpose_lhs_hint = false} : vector<128x128xf32>, vector<128x128xf32>, vector<128x128xf32> -> vector<128x128xf32>
      %get3A_219 = arith.constant 0 : index
      %get3A_220 = arith.constant 0 : index
      %get3A_221 = vector.load %arg12[%get3A_219, %get3A_220] : memref<1x128xf32, #tpu.memory_space<vmem>>, vector<1x128xf32>
      %add3A_222 = vector.broadcast %get3A_221 : vector<1x128xf32> to vector<128x128xf32>
      %add3A_223 = arith.addf %dot_general3A_218, %add3A_222 : vector<128x128xf32>
      %max3A_224 = arith.constant 0.000000e+00 : f32
      %max3A_225 = vector.broadcast %max3A_224 : f32 to vector<128x128xf32>
      %max3A_226 = arith.maximumf %add3A_223, %max3A_225 : vector<128x128xf32>
      %get3A_227 = arith.constant 0 : index
      %get3A_228 = arith.constant 0 : index
      %get3A_229 = vector.load %arg13[%get3A_227, %get3A_228] : memref<128x128xf32, #tpu.memory_space<vmem>>, vector<128x128xf32>
      %dot_general3A_230 = arith.constant dense<0.000000e+00> : vector<128x128xf32>
      %dot_general3A_231 = tpu.matmul %max3A_226, %get3A_229, %dot_general3A_230 {dimension_numbers = #tpu.dot_dimension_numbers<[1], [0], [0], [1], [0, 0, 1, 1], [], []>, transpose_lhs_hint = false} : vector<128x128xf32>, vector<128x128xf32>, vector<128x128xf32> -> vector<128x128xf32>
      %get3A_232 = arith.constant 0 : index
      %get3A_233 = arith.constant 0 : index
      %get3A_234 = vector.load %arg14[%get3A_232, %get3A_233] : memref<1x128xf32, #tpu.memory_space<vmem>>, vector<1x128xf32>
      %add3A_235 = vector.broadcast %get3A_234 : vector<1x128xf32> to vector<128x128xf32>
      %add3A_236 = arith.addf %dot_general3A_231, %add3A_235 : vector<128x128xf32>
      %swap3A_237 = arith.constant 0 : index
      %swap3A_238 = arith.constant 0 : index
      %swap3A_239 = vector.load %arg18[%swap3A_237, %swap3A_238] : memref<128x128xf32, #tpu.memory_space<vmem>>, vector<128x128xf32>
      tpu.vector_store %arg18[%swap3A_237, %swap3A_238], %add3A_236 {strides = array<i32>} : memref<128x128xf32, #tpu.memory_space<vmem>>, vector<128x128xf32>,
    } else {
    }
    return
  }
  func.func @transform_0(%arg0: i32) -> (i32, i32, i32) {
    %c0_i32 = arith.constant 0 : i32
    %c0_i32_0 = arith.constant 0 : i32
    %c0_i32_1 = arith.constant 0 : i32
    return %c0_i32, %arg0, %c0_i32_0 : i32, i32, i32
  }
  func.func @transform_1(%arg0: i32) -> (i32, i32, i32) {
    %c0_i32 = arith.constant 0 : i32
    %c0_i32_0 = arith.constant 0 : i32
    %c0_i32_1 = arith.constant 0 : i32
    return %c0_i32, %arg0, %c0_i32_0 : i32, i32, i32
  }
  func.func @transform_2(%arg0: i32) -> (i32, i32) {
    %c0_i32 = arith.constant 0 : i32
    %c0_i32_0 = arith.constant 0 : i32
    return %c0_i32, %arg0 : i32, i32
  }
  func.func @transform_3(%arg0: i32) -> (i32, i32) {
    %c0_i32 = arith.constant 0 : i32
    %c0_i32_0 = arith.constant 0 : i32
    return %c0_i32, %arg0 : i32, i32
  }
  func.func @transform_4(%arg0: i32) -> (i32, i32, i32) {
    %c0_i32 = arith.constant 0 : i32
    %c0_i32_0 = arith.constant 0 : i32
    %c0_i32_1 = arith.constant 0 : i32
    %c0_i32_2 = arith.constant 0 : i32
    return %c0_i32, %c0_i32_0, %c0_i32_1 : i32, i32, i32
  }
  func.func @transform_5(%arg0: i32) -> (i32, i32, i32) {
    %c0_i32 = arith.constant 0 : i32
    %c0_i32_0 = arith.constant 0 : i32
    %c0_i32_1 = arith.constant 0 : i32
    %c0_i32_2 = arith.constant 0 : i32
    return %c0_i32, %c0_i32_0, %c0_i32_1 : i32, i32, i32
  }
  func.func @transform_6(%arg0: i32) -> (i32, i32) {
    %c0_i32 = arith.constant 0 : i32
    %c0_i32_0 = arith.constant 0 : i32
    %c0_i32_1 = arith.constant 0 : i32
    return %c0_i32, %c0_i32_0 : i32, i32
  }
  func.func @transform_7(%arg0: i32) -> (i32, i32) {
    %c0_i32 = arith.constant 0 : i32
    %c0_i32_0 = arith.constant 0 : i32
    %c0_i32_1 = arith.constant 0 : i32
    return %c0_i32, %c0_i32_0 : i32, i32
  }
  func.func @transform_8(%arg0: i32) -> (i32, i32) {
    %c0_i32 = arith.constant 0 : i32
    %c0_i32_0 = arith.constant 0 : i32
    %c0_i32_1 = arith.constant 0 : i32
    return %c0_i32, %c0_i32_0 : i32, i32
  }
  func.func @transform_9(%arg0: i32) -> (i32, i32) {
    %c0_i32 = arith.constant 0 : i32
    %c0_i32_0 = arith.constant 0 : i32
    %c0_i32_1 = arith.constant 0 : i32
    return %c0_i32, %c0_i32_0 : i32, i32
  }
  func.func @transform_10(%arg0: i32) -> (i32, i32) {
    %c0_i32 = arith.constant 0 : i32
    %c0_i32_0 = arith.constant 0 : i32
    %c0_i32_1 = arith.constant 0 : i32
    return %c0_i32, %c0_i32_0 : i32, i32
  }
  func.func @transform_11(%arg0: i32) -> (i32, i32) {
    %c0_i32 = arith.constant 0 : i32
    %c0_i32_0 = arith.constant 0 : i32
    %c0_i32_1 = arith.constant 0 : i32
    return %c0_i32, %c0_i32_0 : i32, i32
  }
  func.func @transform_12(%arg0: i32) -> (i32, i32) {
    %c0_i32 = arith.constant 0 : i32
    %c0_i32_0 = arith.constant 0 : i32
    %c0_i32_1 = arith.constant 0 : i32
    return %c0_i32, %c0_i32_0 : i32, i32
  }
  func.func @transform_13(%arg0: i32) -> (i32, i32) {
    %c0_i32 = arith.constant 0 : i32
    %c0_i32_0 = arith.constant 0 : i32
    %c0_i32_1 = arith.constant 0 : i32
    return %c0_i32, %c0_i32_0 : i32, i32
  }
  func.func @transform_14(%arg0: i32) -> (i32, i32) {
    %c0_i32 = arith.constant 0 : i32
    %c0_i32_0 = arith.constant 0 : i32
    return %arg0, %c0_i32 : i32, i32
  }
  func.func @transform_15(%arg0: i32) -> (i32, i32) {
    %c0_i32 = arith.constant 0 : i32
    %c0_i32_0 = arith.constant 0 : i32
    return %arg0, %c0_i32 : i32, i32
  }
  func.func @transform_16(%arg0: i32) -> (i32, i32) {
    %c0_i32 = arith.constant 0 : i32
    %c0_i32_0 = arith.constant 0 : i32
    %c0_i32_1 = arith.constant 0 : i32
    return %c0_i32, %c0_i32_0 : i32, i32
  }
  func.func @transform_17(%arg0: i32) -> (i32, i32) {
    %c0_i32 = arith.constant 0 : i32
    %c0_i32_0 = arith.constant 0 : i32
    %c0_i32_1 = arith.constant 0 : i32
    return %c0_i32, %c0_i32_0 : i32, i32
  }
}

</mosaic_0001>

<sc_bundles>
// kernel: kernel.11.cloned.1.call-start
scs
__scs_entry_jumppad:
0x0: {  	(pc) =	sbr.rel $0x88, $3  }
0x1: {  	(tag) =	ssettag $0x0;
	lr =	simm.s32 $0x1  }
0x2: {  	[smem:$0x3F8E] =	sst lr;
	_ =	strace $0xD0000000  }
0x3: {  	_ = 	snop  }
0x4: {  	_ = 	snop  }
0x5: {  	_ = 	snop  }
0x6: {  	_ = 	snop  }
0x7: {  	_ = 	snop  }
__scs_overlays_trampoline_lowered:
0x8: {  	[smem:$0x3F9D] =	sst s0  }
0x9: {  	[smem:$0x3F9E] =	sst s1  }
0xa: {  	[smem:$0x3F9F] =	sst s2  }
0xb: {  	[smem:$0x3FA0] =	sst s3  }
0xc: {  	[smem:$0x3FA1] =	sst s4  }
0xd: {  	[smem:$0x3FA2] =	sst s5  }
0xe: {  	[smem:$0x3FA3] =	sst s6  }
0xf: {  	[smem:$0x3FA4] =	sst s7  }
0x10: {  	[smem:$0x3FA5] =	sst s8  }
0x11: {  	[smem:$0x3FA6] =	sst s9;
	s0 =	simm.s32 @!p0 $0x0  }
0x12: {  	s1 =	sld [smem:$0x3F8C];
	s0 =	simm.s32 @p0 $0x1  }
0x13: {  	[smem:$0x3FA7] =	sst s0;
	s0 =	simm.s32 @!p1 $0x0  }
0x14: {  	s2 =	sld [smem:$0x3F8B];
	s0 =	simm.s32 @p1 $0x1  }
0x15: {  	[smem:$0x3FA8] =	sst s0;
	s0 =	simm.s32 @!p2 $0x0  }
0x16: {  	s3 =	sld [smem:$0x3FDB];
	s0 =	simm.s32 @p2 $0x1  }
0x17: {  	s4 =	simm.s32 $0x1BF5;
	[smem:$0x3FAA] =	sst s0  }
0x18: {  	s0 =	sld [smem:$0x3F8D];
	_ =	swait.ge [sflag:s4], $0x0  }
0x19: {  	s7 =	sld [smem:$0x3F8E]  }
0x1a: {  	s8 =	sadd.s32 $0xFFFFE003, lr  }
0x1b: {  	s9 =	sadd.s32 $0xFFFFFEF7, lr;
	s5 =	simm.s32 $0xFFFFFFFF;
	p2 =	slt.u32 s8, $0xFFFFF086  }
0x1c: {  	p1 =	slt.u32 s9, $0xF7A;
	s5 =	simm.s32 @!p2 $0x0  }
0x1d: {  	s5 =	simm.s32 @p1 $0x1;
	p0 =	seq.s32 s7, s2  }
0x1e: {  	s7 =	smul.u32 @!p0 $0xF7A, s2;
	p2 =	seq.s32 @!p0 s5, $0x0  }
0x1f: {  	s9 =	smul.u32 $0xF7A, s1;
	s8 =	simm.s32 @!p0 $0x1BF5;
	p2 =	por !p2, p0  }
0x20: {  	[sflag:s8] =	ssyncset.s32 @!p0 $0xFFFFF086;
	s6 =	sadd.s32 @!p0 s3, s7;
	s7 =	simm.s32 @!p0 $0x108  }
0x21: {  	s3 =	sadd.s32 s3, s9;
	s6 =	sadd.s32 @!p0 $0x88, s6;
	s7 =	simm.s32 @p2 $0x1082  }
0x22: {  	[simem:s7], [sflag:s8] =	dma.local @!p0 [hbm:s6], $0xF7A  }
0x23: {  	s9 =	sor.u32 $0xD0000000, s2;
	s6 =	simm.s32 $0x108;
	_ =	swait.ge @!p0 [sflag:s8], $0x0  }
0x24: {  	s3 =	sadd.s32 $0x88, s3;
	s6 =	simm.s32 @!p1 $0x1082;
	[sflag:s4] =	ssyncset.s32 $0xFFFFF086  }
0x25: {  	[simem:s6], [sflag:s4] =	dma.local [hbm:s3], $0xF7A  }
0x26: {  	[smem:$0x3F8E] =	sst s1;
	(tag) =	ssettag s2;
	_ =	strace s9  }
0x27: {  	s1 =	sld [smem:$0x3F9E]  }
0x28: {  	s2 =	sld [smem:$0x3F9F]  }
0x29: {  	s4 =	sld [smem:$0x3FA1]  }
0x2a: {  	p0 =	seq.s32 s5, $0x0;
	s5 =	sld [smem:$0x3FA2]  }
0x2b: {  	s6 =	sld [smem:$0x3FA3]  }
0x2c: {  	s7 =	sld [smem:$0x3FA4]  }
0x2d: {  	s3 =	simm.s32 $0x108;
	s8 =	sld [smem:$0x3FA5]  }
0x2e: {  	s3 =	simm.s32 @!p0 $0x1082;
	s9 =	sld [smem:$0x3FA6]  }
0x2f: {  	lr =	sadd.s32 s0, s3;
	s0 =	sld [smem:$0x3F9D]  }
0x30: {  	s3 =	sld [smem:$0x3FA0]  }
0x31: {  	[smem:$0x3FA9] =	sst s10  }
0x32: {  	s10 =	sld [smem:$0x3FA7];
	_ =	sdelay $0x3  }
0x33: {  	p0 =	seq.s32 s10, $0x1;
	s10 =	sld [smem:$0x3FA9];
	_ =	sdelay $0x3  }
0x34: {  	[smem:$0x3FA9] =	sst s10  }
0x35: {  	s10 =	sld [smem:$0x3FA8];
	_ =	sdelay $0x3  }
0x36: {  	p1 =	seq.s32 s10, $0x1;
	s10 =	sld [smem:$0x3FA9];
	_ =	sdelay $0x3  }
0x37: {  	[smem:$0x3FA9] =	sst s10  }
0x38: {  	s10 =	sld [smem:$0x3FAA]  }
0x39: {  	_ = 	snop;
	(pc) =	sbr.ind lr, $3  }
0x3a: {  	_ = 	snop  }
0x3b: {  	_ = 	snop  }
0x3c: {  	p2 =	seq.s32 s10, $0x1;
	s10 =	sld [smem:$0x3FA9]  }
0x3d: {  	_ =	shalt  }
0x3e: {  	_ =	shalt  }
0x3f: {  	_ =	shalt  }
0x40: {  	_ =	shalt  }
0x41: {  	_ =	shalt  }
0x42: {  	_ =	shalt  }
0x43: {  	_ =	shalt  }
0x44: {  	_ =	shalt  }
0x45: {  	_ =	shalt  }
0x46: {  	_ =	shalt  }
0x47: {  	_ =	shalt  }
0x48: {  	_ =	shalt  }
0x49: {  	_ =	shalt  }
0x4a: {  	_ =	shalt  }
0x4b: {  	_ =	shalt  }
0x4c: {  	_ =	shalt  }
0x4d: {  	_ =	shalt  }
0x4e: {  	_ =	shalt  }
0x4f: {  	_ =	shalt  }
0x50: {  	_ =	shalt  }
0x51: {  	_ =	shalt  }
0x52: {  	_ =	shalt  }
0x53: {  	_ =	shalt  }
0x54: {  	_ =	shalt  }
0x55: {  	_ =	shalt  }
0x56: {  	_ =	shalt  }
0x57: {  	_ =	shalt  }
0x58: {  	_ =	shalt  }
0x59: {  	_ =	shalt  }
0x5a: {  	_ =	shalt  }
0x5b: {  	_ =	shalt  }
0x5c: {  	_ =	shalt  }
0x5d: {  	_ =	shalt  }
0x5e: {  	_ =	shalt  }
0x5f: {  	_ =	shalt  }
0x60: {  	_ =	shalt  }
0x61: {  	_ =	shalt  }
0x62: {  	_ =	shalt  }
0x63: {  	_ =	shalt  }
0x64: {  	_ =	shalt  }
0x65: {  	_ =	shalt  }
0x66: {  	_ =	shalt  }
0x67: {  	_ =	shalt  }
0x68: {  	_ =	shalt  }
0x69: {  	_ =	shalt  }
0x6a: {  	_ =	shalt  }
0x6b: {  	_ =	shalt  }
0x6c: {  	_ =	shalt  }
0x6d: {  	_ =	shalt  }
0x6e: {  	_ =	shalt  }
0x6f: {  	_ =	shalt  }
0x70: {  	_ =	shalt  }
0x71: {  	_ =	shalt  }
0x72: {  	_ =	shalt  }
0x73: {  	_ =	shalt  }
0x74: {  	_ =	shalt  }
0x75: {  	_ =	shalt  }
0x76: {  	_ =	shalt  }
0x77: {  	_ =	shalt  }
0x78: {  	_ =	shalt  }
0x79: {  	_ =	shalt  }
0x7a: {  	_ =	shalt  }
0x7b: {  	_ =	shalt  }
0x7c: {  	_ =	shalt  }
0x7d: {  	_ =	shalt  }
0x7e: {  	_ =	shalt  }
0x7f: {  	_ =	shalt  }
0x80: {  	_ =	shalt  }
0x81: {  	_ =	shalt  }
0x82: {  	_ =	shalt  }
0x83: {  	_ =	shalt  }
0x84: {  	_ =	shalt  }
0x85: {  	_ =	shalt  }
0x86: {  	_ =	shalt  }
0x87: {  	_ =	shalt  }
.Lfunc_end0:
.L_simem_size_0:
called_computation.1_lowered:
.L_overlay_start_0:
0x88: {  	s2 =	sld [smem:$0x3FD9]  }
0x89: {  	s3 =	sld [smem:$0x3FFE];
	_ =	sdelay $0x1  }
0x8a: {  	s1 =	srdreg.scid  }
0x8b: {  	s0 =	sand.u32 $0x1, s1  }
0x8c: {  	s14 =	sshll.u32 s0, $0xA;
	s2 =	sadd.s32 s3, s2  }
0x8d: {  	s2 =	sadd.s32 s2, s14  }
0x8e: {  	[smem:$0x3FB5] =	sst s2  }
0x8f: {  	_ = 	snop  }
0x90: {  	s2 =	sld [smem:$0x3FD0];
	_ =	sdelay $0x2  }
0x91: {  	s15 =	simm.s32 $0xA;
	s4 =	simm.s32 $0x10  }
0x92: {  	[smem:s4], [sflag:s15] =	dma.local [hbm:s2], $0x1  }
0x93: {  	_ =	swait.eq [sflag:s15], $0x1  }
0x94: {  	[sflag:s15] =	ssyncset.done $0x0  }
0x95: {  	s16 =	sld [smem:$0x10];
	[sflag:s15] =	ssyncadd.s32 $0xFFFFFFFF  }
0x96: {  	s17 =	sld [smem:$0x11];
	(tm) =	ssettm $0x1  }
0x97: {  	s18 =	sld [smem:$0x3FFB];
	_ =	sdelay $0x3  }
0x98: {  	_ =	strace s18  }
0x99: {  	s4 =	sld [smem:$0x3FFC];
	_ =	sdelay $0x3  }
0x9a: {  	_ =	strace s4  }
0x9b: {  	s4 =	sld [smem:$0x3FFD];
	_ =	sdelay $0x3  }
0x9c: {  	_ =	strace s4  }
0x9d: {  	_ =	strace $0x8FFFFFFF  }
0x9e: {  	s19 =	sld [smem:$0x3FDB];
	_ =	sdelay $0x1  }
0x9f: {  	s5 =	simm.s32 $_scs_section_size  }
0xa0: {  	s6 =	simm.s32 $_size__tile_overlayer_lowered;
	s7 =	simm.s32 $_tile_overlayer_lowered  }
0xa1: {  	s22 =	simm.s32 $0x1BFF;
	s21 =	sshll.u32 s7, $0x1;
	s4 =	sadd.s32 s5, s19  }
0xa2: {  	s8 =	simm.s32 $0x0;
	s20 =	sshll.u32 s6, $0x1;
	s6 =	sadd.s32 s21, s4  }
0xa3: {  	[timem:s8], [sflag:s22] =	dma.local [hbm:s6], s20  }
0xa4: {  	_ =	swait.ge [sflag:s22], s20  }
0xa5: {  	s5 =	ssub.s32 $0x0, s20;
	[sflag:s22] =	ssyncset.done $0x0  }
0xa6: {  	[sflag:s22] =	ssyncadd.s32 s5;
	_ =	sdelay $0x1  }
0xa7: {  	s23 =	simm.s32 $0x1B8B  }
0xa8: {  	_ =	swait.ge [sflag:s23], $0x1  }
0xa9: {  	[sflag:s23] =	ssyncset.done $0x0  }
0xaa: {  	s25 =	simm.s32 $0x1B8E;
	s24 =	sld [smem:$0x3FFE];
	[sflag:s23] =	ssyncadd.s32 $0xFFFFFFFF  }
0xab: {  	s26 =	simm.s32 $execute0_lowered;
	[smem:$0x3FD2] =	sst s25  }
0xac: {  	s6 =	sshll.u32 s26, $0x1;
	_ =	strace $0x80000049;
	[dreg:$0x1] =	wrdreg $0xFFFFFFFF  }
0xad: {  	s28 =	simm.s32 $_size_execute0_lowered;
	s4 =	sadd.s32 s4, s6;
	[dreg:$0x0] =	wrdreg $0x0  }
0xae: {  	s6 =	sshll.u32 s28, $0x1;
	[dreg:$0x2] =	wrdreg s4  }
0xaf: {  	[dreg:$0x3] =	wrdreg s6  }
0xb0: {  	[dreg:$0x4] =	wrdreg $0xC0  }
0xb1: {  	_ =	task [dreg:s8], $0x5FFFF  }
0xb2: {  	[dreg:$0x1] =	wrdreg $0xFFFFFFFF  }
0xb3: {  	[dreg:$0x0] =	wrdreg $0x60  }
0xb4: {  	[dreg:$0x2] =	wrdreg s24  }
0xb5: {  	[dreg:$0x3] =	wrdreg s17  }
0xb6: {  	[dreg:$0x4] =	wrdreg s16  }
0xb7: {  	[dreg:$0x5] =	wrdreg $0x90000  }
0xb8: {  	[dreg:$0x6] =	wrdreg $0x9  }
0xb9: {  	_ =	task.clear_ibuf [dreg:s8], $0x7FFFF;
	_ =	strace $0x90000049  }
0xba: {  	s29 =	simm.s32 $0x9;
	_ =	strace $0x8000004B  }
0xbb: {  	_ =	swait.ge [sflag:s29], $0x1  }
0xbc: {  	[sflag:s29] =	ssyncadd.s32 $0xFFFFFFFF  }
0xbd: {  	_ =	strace $0x9000004B  }
0xbe: {  	_ =	sfence  }
0xbf: {  	s30 =	sld [smem:$0x0];
	_ =	sdelay $0x2  }
0xc0: {  	s31 =	sshll.u32 s1, $0xD;
	s1 =	sshrl.u32 s1, $0x2  }
0xc1: {  	s3 =	sand.u32 $0x4000, s31;
	s1 =	sadd.s32 s1, s30  }
0xc2: {  	s0 =	sor.u32 s3, s0;
	s1 =	sshll.u32 s1, $0x11  }
0xc3: {  	s0 =	sor.u32 s1, s0  }
0xc4: {  	s0 =	sadd.s32 $0x8F2B, s0  }
0xc5: {  	[sflag:s0] =	ssyncadd.remote.s32 $0x1  }
0xc6: {  	_ =	sfence.sel $0xFFFF  }
0xc7: {  	[dreg:$0x0] =	wrdreg $0xFFFFFFFF;
	(pc) =	sbr.abs _section_cstart, $3  }
0xc8: {  	[dreg:$0x1] =	wrdreg $0xFFFFFFFF  }
0xc9: {  	_ =	task.clear_ibuf [dreg:s8], $0x2FFFF;
	_ =	strace $0x9FFFFFFF  }
0xca: {  	(tm) =	ssettm $0x7FFFFFFF  }
0xcb: {  	_ =	shalt  }
tec
execute0_lowered:
.L_overlay_start_1:
0x0: {  	(tag) =	ssettag $0x1  }
0x1: {  	s0 =	srdreg.scid  }
0x2: {  	s5 =	rddreg [dreg:$0x0];
	s6 =	sand.u32 $0x1, s0  }
0x3: {  	s0 =	stileid.u32;
	s1 =	smul.u32 $0x27100, s6  }
0x4: {  	s2 =	rddreg [dreg:$0x1];
	s4 =	smul.u32 $0x2710, s0  }
0x5: {  	s7 =	rddreg [dreg:$0x2]  }
0x6: {  	s3 =	rddreg [dreg:$0x3];
	s1 =	sadd.s32 s4, s1;
	s4 =	simm.s32 $0x0  }
0x7: {  	s15 =	simm.s32 $0xA0;
	[smem:$0x7FF] =	sst s4  }
0x8: {  	s16 =	simm.s32 $0xF0;
	_ =	strace $0x8000004A;
	[dreg:$0x6] =	wrdreg s15  }
0x9: {  	s18 =	simm.s32 $0x880;
	[dreg:$0x7] =	wrdreg s16  }
0xa: {  	s19 =	simm.s32 $0x140;
	[dreg:$0x8] =	wrdreg s18  }
0xb: {  	s20 =	simm.s32 $0x900;
	[dreg:$0x9] =	wrdreg s19  }
0xc: {  	s21 =	simm.s32 $0x190;
	[dreg:$0xa] =	wrdreg s20  }
0xd: {  	s23 =	simm.s32 $0x980;
	s24 =	smul.u32 $0x13800, s0;
	[dreg:$0xb] =	wrdreg s21  }
0xe: {  	s25 =	simm.s32 $0x1E0;
	[dreg:$0xc] =	wrdreg s23  }
0xf: {  	s26 =	simm.s32 $0xA00;
	s12 =	sshrl.u32 s24, $0x3;
	[dreg:$0xd] =	wrdreg s25  }
0x10: {  	s13 =	simm.s32 $0x230;
	s12 =	sadd.s32 s7, s12;
	[dreg:$0xe] =	wrdreg s26  }
0x11: {  	s14 =	simm.s32 $0xA80;
	s28 =	simm.s32 $0x6E0;
	[smem:$0x7EB] =	sst s12  }
0x12: {  	s29 =	simm.s32 $0x1200;
	s11 =	smul.u32 $0x4E000, s0;
	[dreg:$0xf] =	wrdreg s13  }
0x13: {  	s30 =	simm.s32 $0x730;
	s7 =	sadd.s32 $0x27000, s7;
	[dreg:$0x10] =	wrdreg s14  }
0x14: {  	s22 =	sshrl.u32 s11, $0x2;
	s11 =	simm.s32 $0xD80;
	[smem:$0x7EE] =	sst s7  }
0x15: {  	s31 =	simm.s32 $0x1280;
	s15 =	sshll.u32 s0, $0x6;
	[dreg:$0x1c] =	wrdreg s11  }
0x16: {  	s8 =	smul.u32 $0xA000, s6;
	s16 =	simm.s32 $0x280;
	[smem:$0x7EC] =	sst s15  }
0x17: {  	s17 =	ssub.s32 $0x2, s6;
	s18 =	simm.s32 $0x2D0;
	[dreg:$0x11] =	wrdreg s16  }
0x18: {  	s6 =	smul.u32 $0x138800, s6;
	s19 =	simm.s32 $0xB80;
	[dreg:$0x13] =	wrdreg s18  }
0x19: {  	p0 =	sne.s32 s0, $0x0;
	s20 =	simm.s32 $0x320;
	[dreg:$0x14] =	wrdreg s19  }
0x1a: {  	s10 =	sshrl.u32 s17, $0x1;
	s23 =	simm.s32 $0x370;
	[dreg:$0x15] =	wrdreg s20  }
0x1b: {  	s21 =	sadd.s32 s24, s6;
	s24 =	simm.s32 $0xC80;
	[dreg:$0x17] =	wrdreg s23  }
0x1c: {  	s1 =	sshrl.u32 s1, $0x3;
	s25 =	simm.s32 $0x3C0;
	[dreg:$0x18] =	wrdreg s24  }
0x1d: {  	s1 =	sadd.s32 s1, s5;
	s26 =	simm.s32 $0xD00;
	[dreg:$0x19] =	wrdreg s25  }
0x1e: {  	s6 =	sshrl.u32 s6, $0x3;
	s7 =	simm.s32 $0x410;
	[dreg:$0x1a] =	wrdreg s26  }
0x1f: {  	s14 =	simm.s32 $0x460;
	s9 =	sadd.s32 $0x3800, s1;
	[dreg:$0x1b] =	wrdreg s7  }
0x20: {  	s1 =	sadd.s32 s8, s5;
	s5 =	sadd.s32 $0x21600, s5;
	[dreg:$0x1d] =	wrdreg s14  }
0x21: {  	s12 =	sor.u32 $0x1C04, s15;
	s8 =	sshrl.u32 s21, $0x3;
	[dreg:$0x5] =	wrdreg s9  }
0x22: {  	s15 =	simm.s32 $0xE00;
	s16 =	simm.s32 $0x4B0;
	[smem:$0x7ED] =	sst s12  }
0x23: {  	s18 =	simm.s32 $0x500;
	s19 =	simm.s32 $0xF00;
	[dreg:$0x1e] =	wrdreg s15  }
0x24: {  	s20 =	simm.s32 $0x550;
	s21 =	simm.s32 $0xF80;
	[dreg:$0x1f] =	wrdreg s16  }
0x25: {  	s23 =	simm.s32 $0x1000;
	s24 =	simm.s32 $0x5F0;
	[smem:$0x7F4] =	sst s18  }
0x26: {  	s25 =	simm.s32 $0x1080;
	s26 =	simm.s32 $0x640;
	[smem:$0x7F5] =	sst s19  }
0x27: {  	s9 =	ssub.s32 s17, s10;
	s10 =	sadd.s32 s22, s3;
	[smem:$0x7F6] =	sst s20  }
0x28: {  	s17 =	simm.s32 $0xB00;
	s12 =	sadd.s32 $0x138000, s3;
	[smem:$0x7F7] =	sst s21  }
0x29: {  	s22 =	simm.s32 $0xC00;
	s8 =	sadd.s32 s5, s8;
	[smem:$0x7F9] =	sst s23  }
0x2a: {  	s5 =	sadd.s32 s5, s6;
	s15 =	simm.s32 $0x5;
	[smem:$0x7FA] =	sst s24  }
0x2b: {  	s16 =	simm.s32 $0x800;
	s18 =	simm.s32 $0x1800;
	[smem:$0x7FB] =	sst s25  }
0x2c: {  	s19 =	simm.s32 $0x4000;
	s20 =	simm.s32 $0x6800;
	[smem:$0x7FC] =	sst s26  }
0x2d: {  	s21 =	simm.s32 $0x1;
	s23 =	simm.s32 $0x3;
	[dreg:$0x12] =	wrdreg s17  }
0x2e: {  	s24 =	simm.s32 $0x1100;
	s25 =	simm.s32 $0x690;
	[dreg:$0x16] =	wrdreg s22  }
0x2f: {  	s26 =	simm.s32 $0x1180;
	[smem:$0x7EF] =	sst s8;
	s5 =	sadd.s32 $0x27000, s5  }
0x30: {  	s8 =	smul.u32 $0xA00, s0;
	s13 =	smax.u32 s9, $0x1;
	[smem:$0x7F0] =	sst s5  }
0x31: {  	s17 =	simm.s32 $0xE80;
	s12 =	sshrl.u32 @!p0 s12, $0x3;
	[smem:$0x7F1] =	sst s13  }
0x32: {  	s22 =	simm.s32 $0x5A0;
	s9 =	simm.s32 $0x1400;
	[smem:$0x7F3] =	sst s17  }
0x33: {  	s13 =	sshrl.u32 s10, $0x3;
	s17 =	simm.s32 $0x50;
	[smem:$0x7F8] =	sst s22  }
0x34: {  	s22 =	simm.s32 $0x2;
	s5 =	simm.s32 $0x1300;
	s1 =	sadd.s32 s8, s1  }
0x35: {  	s10 =	simm.s32 $0x0;
	[smem:$0x7FD] =	sst s12;
	s1 =	sadd.s32 $0xD600, s1  }
0x36: {  	s8 =	simm.s32 $0x1380;
	[smem:$0x7F2] =	sst s1;
	s1 =	simm.s32 $0x780  }
.LBB2_1:
0x37: {  	s6 =	sld [smem:$0x7EB]  }
0x38: {  	s7 =	sld [smem:$0x7ED];
	_ =	sdelay $0x2  }
0x39: {  	[spmem:s13], [sflag:s7] =	dma.local [hbm:s6], $0x2700  }
0x3a: {  	s6 =	sld [smem:$0x7EE];
	_ =	sdelay $0x2  }
0x3b: {  	[spmem:s12], [sflag:s7] =	dma.local @!p0 [hbm:s6], $0x100  }
0x3c: {  	s6 =	rddreg [dreg:$0x5]  }
0x3d: {  	s6 =	sadd.s32 $0x0, s6  }
0x3e: {  	[tilespmem:s4], [sflag:$0x5] =	stream.linear.gather [hbm4b:s6+s4], $0x7D0, $0x38;
	[tilespmem:$0x1C880] =	vst v63  }
0x3f: {  	_ =	swait.ge [sflag:s15], $0x7D0  }
0x40: {  	s12 =	sld [smem:$0x7F2]  }
0x41: {  	[sflag:s15] =	ssyncset.done $0x0  }
0x42: {  	[sflag:s15] =	ssyncadd.s32 $0xFFFFF830  }
0x43: {  	[tilespmem:s16], [sflag:$0x5] =	stream.linear.gather [hbm4b:s12+s4], $0xC80, $0x38;
	[tilespmem:$0x1C880] =	vst v63  }
0x44: {  	_ =	swait.ge [sflag:s15], $0xC80  }
0x45: {  	[sflag:s15] =	ssyncset.done $0x0  }
0x46: {  	[sflag:s15] =	ssyncadd.s32 $0xFFFFF380  }
0x47: {  	[tilespmem:s18], [sflag:$0x1] =	stream.indirect.gather [hbm4b:s2+s17], $0x80, s4, s17, $0xb8;
	[tilespmem:$0x1C880] =	vst v63  }
0x48: {  	p1 =	por $0x0, $0x0  }
0x49: {  	[tilespmem:s19], [sflag:$0x2] =	stream.indirect.gather [hbm4b:s2+s17], $0x80, s17, s17, $0xb8;
	[tilespmem:$0x1C880] =	vst v63  }
0x4a: {  	s7 =	simm.s32 @!p1 $0x4;
	s14 =	rddreg [dreg:$0x6]  }
0x4b: {  	[tilespmem:s20], [sflag:$0x3] =	stream.indirect.gather [hbm4b:s2+s17], $0x80, s14, s17, $0xb8;
	[tilespmem:$0x1C880] =	vst v63  }
0x4c: {  	p2 =	sne.s32 @!p1 s0, $0x0;
	_ =	swait.ge @!p1 [sflag:s7], $0x2700  }
0x4d: {  	p2 =	por p2, p1;
	[sflag:s7] =	ssyncset.done @!p1 $0x0  }
0x4e: {  	s6 =	simm.s32 @!p2 $0x4;
	[sflag:s7] =	ssyncadd.s32 @!p1 $0xFFFFD900  }
0x4f: {  	_ =	swait.ge @!p2 [sflag:s6], $0x100  }
0x50: {  	[sflag:s6] =	ssyncset.done @!p2 $0x0  }
0x51: {  	[sflag:s6] =	ssyncadd.s32 @!p2 $0xFFFFFF00  }
0x52: {  	[bflag:$0x0] =	sbarrier.arrive @!p1 $0xFFFF  }
0x53: {  	_ =	swait.ge [sflag:s21], $0x2800  }
0x54: {  	[sflag:s21] =	ssyncset.done $0x0  }
0x55: {  	[sflag:s21] =	ssyncadd.s32 $0xFFFFD800  }
0x56: {  	[spmem:s3] =	stream.indirect.scatter.add.f32 [tilespmem:s18], [sflag:$0x5], $0x80, s16, s17, $0xb8;
	[tilespmem:$0x1C880] =	vst v63  }
0x57: {  	_ =	swait.ge [sflag:s15], $0x2800  }
0x58: {  	[sflag:s15] =	ssyncset.done $0x0  }
0x59: {  	s11 =	smov.u32 s13;
	s13 =	rddreg [dreg:$0x7];
	[sflag:s15] =	ssyncadd.s32 $0xFFFFD800  }
0x5a: {  	[tilespmem:s18], [sflag:$0x1] =	stream.indirect.gather [hbm4b:s2+s17], $0x80, s13, s17, $0xb8;
	[tilespmem:$0x1C880] =	vst v63  }
0x5b: {  	_ =	swait.ge [sflag:s22], $0x2800  }
0x5c: {  	[sflag:s22] =	ssyncset.done $0x0  }
0x5d: {  	s14 =	rddreg [dreg:$0x8];
	[sflag:s22] =	ssyncadd.s32 $0xFFFFD800  }
0x5e: {  	[spmem:s3] =	stream.indirect.scatter.add.f32 [tilespmem:s19], [sflag:$0x5], $0x80, s14, s17, $0xb8;
	[tilespmem:$0x1C880] =	vst v63  }
0x5f: {  	_ =	swait.ge [sflag:s15], $0x2800  }
0x60: {  	[sflag:s15] =	ssyncset.done $0x0  }
0x61: {  	s7 =	rddreg [dreg:$0x9];
	[sflag:s15] =	ssyncadd.s32 $0xFFFFD800  }
0x62: {  	[tilespmem:s19], [sflag:$0x2] =	stream.indirect.gather [hbm4b:s2+s17], $0x80, s7, s17, $0xb8;
	[tilespmem:$0x1C880] =	vst v63  }
0x63: {  	_ =	swait.ge [sflag:s23], $0x2800  }
0x64: {  	[sflag:s23] =	ssyncset.done $0x0  }
0x65: {  	s13 =	rddreg [dreg:$0xa];
	[sflag:s23] =	ssyncadd.s32 $0xFFFFD800  }
0x66: {  	[spmem:s3] =	stream.indirect.scatter.add.f32 [tilespmem:s20], [sflag:$0x5], $0x80, s13, s17, $0xb8;
	[tilespmem:$0x1C880] =	vst v63  }
0x67: {  	_ =	swait.ge [sflag:s15], $0x2800  }
0x68: {  	[sflag:s15] =	ssyncset.done $0x0  }
0x69: {  	s14 =	rddreg [dreg:$0xb];
	[sflag:s15] =	ssyncadd.s32 $0xFFFFD800  }
0x6a: {  	[tilespmem:s20], [sflag:$0x3] =	stream.indirect.gather [hbm4b:s2+s17], $0x80, s14, s17, $0xb8;
	[tilespmem:$0x1C880] =	vst v63  }
0x6b: {  	_ =	swait.ge [sflag:s21], $0x2800  }
0x6c: {  	[sflag:s21] =	ssyncset.done $0x0  }
0x6d: {  	s7 =	rddreg [dreg:$0xc];
	[sflag:s21] =	ssyncadd.s32 $0xFFFFD800  }
0x6e: {  	[spmem:s3] =	stream.indirect.scatter.add.f32 [tilespmem:s18], [sflag:$0x5], $0x80, s7, s17, $0xb8;
	[tilespmem:$0x1C880] =	vst v63  }
0x6f: {  	_ =	swait.ge [sflag:s15], $0x2800  }
0x70: {  	[sflag:s15] =	ssyncset.done $0x0  }
0x71: {  	s13 =	rddreg [dreg:$0xd];
	[sflag:s15] =	ssyncadd.s32 $0xFFFFD800  }
0x72: {  	[tilespmem:s18], [sflag:$0x1] =	stream.indirect.gather [hbm4b:s2+s17], $0x80, s13, s17, $0xb8;
	[tilespmem:$0x1C880] =	vst v63  }
0x73: {  	_ =	swait.ge [sflag:s22], $0x2800  }
0x74: {  	[sflag:s22] =	ssyncset.done $0x0  }
0x75: {  	s14 =	rddreg [dreg:$0xe];
	[sflag:s22] =	ssyncadd.s32 $0xFFFFD800  }
0x76: {  	[spmem:s3] =	stream.indirect.scatter.add.f32 [tilespmem:s19], [sflag:$0x5], $0x80, s14, s17, $0xb8;
	[tilespmem:$0x1C880] =	vst v63  }
0x77: {  	_ =	swait.ge [sflag:s15], $0x2800  }
0x78: {  	[sflag:s15] =	ssyncset.done $0x0  }
0x79: {  	s7 =	rddreg [dreg:$0xf];
	[sflag:s15] =	ssyncadd.s32 $0xFFFFD800  }
0x7a: {  	[tilespmem:s19], [sflag:$0x2] =	stream.indirect.gather [hbm4b:s2+s17], $0x80, s7, s17, $0xb8;
	[tilespmem:$0x1C880] =	vst v63  }
0x7b: {  	_ =	swait.ge [sflag:s23], $0x2800  }
0x7c: {  	[sflag:s23] =	ssyncset.done $0x0  }
0x7d: {  	s13 =	rddreg [dreg:$0x10];
	[sflag:s23] =	ssyncadd.s32 $0xFFFFD800  }
0x7e: {  	[spmem:s3] =	stream.indirect.scatter.add.f32 [tilespmem:s20], [sflag:$0x5], $0x80, s13, s17, $0xb8;
	[tilespmem:$0x1C880] =	vst v63  }
0x7f: {  	_ =	swait.ge [sflag:s15], $0x2800  }
0x80: {  	[sflag:s15] =	ssyncset.done $0x0  }
0x81: {  	s14 =	rddreg [dreg:$0x11];
	[sflag:s15] =	ssyncadd.s32 $0xFFFFD800  }
0x82: {  	[tilespmem:s20], [sflag:$0x3] =	stream.indirect.gather [hbm4b:s2+s17], $0x80, s14, s17, $0xb8;
	[tilespmem:$0x1C880] =	vst v63  }
0x83: {  	_ =	swait.ge [sflag:s21], $0x2800  }
0x84: {  	[sflag:s21] =	ssyncset.done $0x0  }
0x85: {  	s7 =	rddreg [dreg:$0x12];
	[sflag:s21] =	ssyncadd.s32 $0xFFFFD800  }
0x86: {  	[spmem:s3] =	stream.indirect.scatter.add.f32 [tilespmem:s18], [sflag:$0x5], $0x80, s7, s17, $0xb8;
	[tilespmem:$0x1C880] =	vst v63  }
0x87: {  	_ =	swait.ge [sflag:s15], $0x2800  }
0x88: {  	[sflag:s15] =	ssyncset.done $0x0  }
0x89: {  	s13 =	rddreg [dreg:$0x13];
	[sflag:s15] =	ssyncadd.s32 $0xFFFFD800  }
0x8a: {  	[tilespmem:s18], [sflag:$0x1] =	stream.indirect.gather [hbm4b:s2+s17], $0x80, s13, s17, $0xb8;
	[tilespmem:$0x1C880] =	vst v63  }
0x8b: {  	_ =	swait.ge [sflag:s22], $0x2800  }
0x8c: {  	[sflag:s22] =	ssyncset.done $0x0  }
0x8d: {  	s14 =	rddreg [dreg:$0x14];
	[sflag:s22] =	ssyncadd.s32 $0xFFFFD800  }
0x8e: {  	[spmem:s3] =	stream.indirect.scatter.add.f32 [tilespmem:s19], [sflag:$0x5], $0x80, s14, s17, $0xb8;
	[tilespmem:$0x1C880] =	vst v63  }
0x8f: {  	_ =	swait.ge [sflag:s15], $0x2800  }
0x90: {  	[sflag:s15] =	ssyncset.done $0x0  }
0x91: {  	s7 =	rddreg [dreg:$0x15];
	[sflag:s15] =	ssyncadd.s32 $0xFFFFD800  }
0x92: {  	[tilespmem:s19], [sflag:$0x2] =	stream.indirect.gather [hbm4b:s2+s17], $0x80, s7, s17, $0xb8;
	[tilespmem:$0x1C880] =	vst v63  }
0x93: {  	_ =	swait.ge [sflag:s23], $0x2800  }
0x94: {  	[sflag:s23] =	ssyncset.done $0x0  }
0x95: {  	s13 =	rddreg [dreg:$0x16];
	[sflag:s23] =	ssyncadd.s32 $0xFFFFD800  }
0x96: {  	[spmem:s3] =	stream.indirect.scatter.add.f32 [tilespmem:s20], [sflag:$0x5], $0x80, s13, s17, $0xb8;
	[tilespmem:$0x1C880] =	vst v63  }
0x97: {  	_ =	swait.ge [sflag:s15], $0x2800  }
0x98: {  	[sflag:s15] =	ssyncset.done $0x0  }
0x99: {  	s14 =	rddreg [dreg:$0x17];
	[sflag:s15] =	ssyncadd.s32 $0xFFFFD800  }
0x9a: {  	[tilespmem:s20], [sflag:$0x3] =	stream.indirect.gather [hbm4b:s2+s17], $0x80, s14, s17, $0xb8;
	[tilespmem:$0x1C880] =	vst v63  }
0x9b: {  	_ =	swait.ge [sflag:s21], $0x2800  }
0x9c: {  	[sflag:s21] =	ssyncset.done $0x0  }
0x9d: {  	s7 =	rddreg [dreg:$0x18];
	[sflag:s21] =	ssyncadd.s32 $0xFFFFD800  }
0x9e: {  	[spmem:s3] =	stream.indirect.scatter.add.f32 [tilespmem:s18], [sflag:$0x5], $0x80, s7, s17, $0xb8;
	[tilespmem:$0x1C880] =	vst v63  }
0x9f: {  	_ =	swait.ge [sflag:s15], $0x2800  }
0xa0: {  	[sflag:s15] =	ssyncset.done $0x0  }
0xa1: {  	s13 =	rddreg [dreg:$0x19];
	[sflag:s15] =	ssyncadd.s32 $0xFFFFD800  }
0xa2: {  	[tilespmem:s18], [sflag:$0x1] =	stream.indirect.gather [hbm4b:s2+s17], $0x80, s13, s17, $0xb8;
	[tilespmem:$0x1C880] =	vst v63  }
0xa3: {  	_ =	swait.ge [sflag:s22], $0x2800  }
0xa4: {  	[sflag:s22] =	ssyncset.done $0x0  }
0xa5: {  	s14 =	rddreg [dreg:$0x1a];
	[sflag:s22] =	ssyncadd.s32 $0xFFFFD800  }
0xa6: {  	[spmem:s3] =	stream.indirect.scatter.add.f32 [tilespmem:s19], [sflag:$0x5], $0x80, s14, s17, $0xb8;
	[tilespmem:$0x1C880] =	vst v63  }
0xa7: {  	_ =	swait.ge [sflag:s15], $0x2800  }
0xa8: {  	[sflag:s15] =	ssyncset.done $0x0  }
0xa9: {  	s7 =	rddreg [dreg:$0x1b];
	[sflag:s15] =	ssyncadd.s32 $0xFFFFD800  }
0xaa: {  	[tilespmem:s19], [sflag:$0x2] =	stream.indirect.gather [hbm4b:s2+s17], $0x80, s7, s17, $0xb8;
	[tilespmem:$0x1C880] =	vst v63  }
0xab: {  	_ =	swait.ge [sflag:s23], $0x2800  }
0xac: {  	[sflag:s23] =	ssyncset.done $0x0  }
0xad: {  	s13 =	rddreg [dreg:$0x1c];
	[sflag:s23] =	ssyncadd.s32 $0xFFFFD800  }
0xae: {  	[spmem:s3] =	stream.indirect.scatter.add.f32 [tilespmem:s20], [sflag:$0x5], $0x80, s13, s17, $0xb8;
	[tilespmem:$0x1C880] =	vst v63  }
0xaf: {  	_ =	swait.ge [sflag:s15], $0x2800  }
0xb0: {  	[sflag:s15] =	ssyncset.done $0x0  }
0xb1: {  	s14 =	rddreg [dreg:$0x1d];
	[sflag:s15] =	ssyncadd.s32 $0xFFFFD800  }
0xb2: {  	[tilespmem:s20], [sflag:$0x3] =	stream.indirect.gather [hbm4b:s2+s17], $0x80, s14, s17, $0xb8;
	[tilespmem:$0x1C880] =	vst v63  }
0xb3: {  	_ =	swait.ge [sflag:s21], $0x2800  }
0xb4: {  	[sflag:s21] =	ssyncset.done $0x0  }
0xb5: {  	s7 =	rddreg [dreg:$0x1e];
	[sflag:s21] =	ssyncadd.s32 $0xFFFFD800  }
0xb6: {  	[spmem:s3] =	stream.indirect.scatter.add.f32 [tilespmem:s18], [sflag:$0x5], $0x80, s7, s17, $0xb8;
	[tilespmem:$0x1C880] =	vst v63  }
0xb7: {  	_ =	swait.ge [sflag:s15], $0x2800  }
0xb8: {  	[sflag:s15] =	ssyncset.done $0x0  }
0xb9: {  	s13 =	rddreg [dreg:$0x1f];
	[sflag:s15] =	ssyncadd.s32 $0xFFFFD800  }
0xba: {  	[tilespmem:s18], [sflag:$0x1] =	stream.indirect.gather [hbm4b:s2+s17], $0x80, s13, s17, $0xb8;
	[tilespmem:$0x1C880] =	vst v63  }
0xbb: {  	_ =	swait.ge [sflag:s22], $0x2800  }
0xbc: {  	s14 =	sld [smem:$0x7F3]  }
0xbd: {  	[sflag:s22] =	ssyncset.done $0x0  }
0xbe: {  	[sflag:s22] =	ssyncadd.s32 $0xFFFFD800  }
0xbf: {  	[spmem:s3] =	stream.indirect.scatter.add.f32 [tilespmem:s19], [sflag:$0x5], $0x80, s14, s17, $0xb8;
	[tilespmem:$0x1C880] =	vst v63  }
0xc0: {  	_ =	swait.ge [sflag:s15], $0x2800  }
0xc1: {  	s7 =	sld [smem:$0x7F4]  }
0xc2: {  	[sflag:s15] =	ssyncset.done $0x0  }
0xc3: {  	[sflag:s15] =	ssyncadd.s32 $0xFFFFD800  }
0xc4: {  	[tilespmem:s19], [sflag:$0x2] =	stream.indirect.gather [hbm4b:s2+s17], $0x80, s7, s17, $0xb8;
	[tilespmem:$0x1C880] =	vst v63  }
0xc5: {  	_ =	swait.ge [sflag:s23], $0x2800  }
0xc6: {  	s13 =	sld [smem:$0x7F5]  }
0xc7: {  	[sflag:s23] =	ssyncset.done $0x0  }
0xc8: {  	[sflag:s23] =	ssyncadd.s32 $0xFFFFD800  }
0xc9: {  	[spmem:s3] =	stream.indirect.scatter.add.f32 [tilespmem:s20], [sflag:$0x5], $0x80, s13, s17, $0xb8;
	[tilespmem:$0x1C880] =	vst v63  }
0xca: {  	_ =	swait.ge [sflag:s15], $0x2800  }
0xcb: {  	s14 =	sld [smem:$0x7F6]  }
0xcc: {  	[sflag:s15] =	ssyncset.done $0x0  }
0xcd: {  	[sflag:s15] =	ssyncadd.s32 $0xFFFFD800  }
0xce: {  	[tilespmem:s20], [sflag:$0x3] =	stream.indirect.gather [hbm4b:s2+s17], $0x80, s14, s17, $0xb8;
	[tilespmem:$0x1C880] =	vst v63  }
0xcf: {  	_ =	swait.ge [sflag:s21], $0x2800  }
0xd0: {  	s7 =	sld [smem:$0x7F7]  }
0xd1: {  	[sflag:s21] =	ssyncset.done $0x0  }
0xd2: {  	[sflag:s21] =	ssyncadd.s32 $0xFFFFD800  }
0xd3: {  	[spmem:s3] =	stream.indirect.scatter.add.f32 [tilespmem:s18], [sflag:$0x5], $0x80, s7, s17, $0xb8;
	[tilespmem:$0x1C880] =	vst v63  }
0xd4: {  	_ =	swait.ge [sflag:s15], $0x2800  }
0xd5: {  	s13 =	sld [smem:$0x7F8]  }
0xd6: {  	[sflag:s15] =	ssyncset.done $0x0  }
0xd7: {  	[sflag:s15] =	ssyncadd.s32 $0xFFFFD800  }
0xd8: {  	[tilespmem:s18], [sflag:$0x1] =	stream.indirect.gather [hbm4b:s2+s17], $0x80, s13, s17, $0xb8;
	[tilespmem:$0x1C880] =	vst v63  }
0xd9: {  	_ =	swait.ge [sflag:s22], $0x2800  }
0xda: {  	s14 =	sld [smem:$0x7F9]  }
0xdb: {  	[sflag:s22] =	ssyncset.done $0x0  }
0xdc: {  	[sflag:s22] =	ssyncadd.s32 $0xFFFFD800  }
0xdd: {  	[spmem:s3] =	stream.indirect.scatter.add.f32 [tilespmem:s19], [sflag:$0x5], $0x80, s14, s17, $0xb8;
	[tilespmem:$0x1C880] =	vst v63  }
0xde: {  	_ =	swait.ge [sflag:s15], $0x2800  }
0xdf: {  	s7 =	sld [smem:$0x7FA]  }
0xe0: {  	[sflag:s15] =	ssyncset.done $0x0  }
0xe1: {  	[sflag:s15] =	ssyncadd.s32 $0xFFFFD800  }
0xe2: {  	[tilespmem:s19], [sflag:$0x2] =	stream.indirect.gather [hbm4b:s2+s17], $0x80, s7, s17, $0xb8;
	[tilespmem:$0x1C880] =	vst v63  }
0xe3: {  	_ =	swait.ge [sflag:s23], $0x2800  }
0xe4: {  	s13 =	sld [smem:$0x7FB]  }
0xe5: {  	[sflag:s23] =	ssyncset.done $0x0  }
0xe6: {  	[sflag:s23] =	ssyncadd.s32 $0xFFFFD800  }
0xe7: {  	[spmem:s3] =	stream.indirect.scatter.add.f32 [tilespmem:s20], [sflag:$0x5], $0x80, s13, s17, $0xb8;
	[tilespmem:$0x1C880] =	vst v63  }
0xe8: {  	_ =	swait.ge [sflag:s15], $0x2800  }
0xe9: {  	s14 =	sld [smem:$0x7FC]  }
0xea: {  	[sflag:s15] =	ssyncset.done $0x0  }
0xeb: {  	[sflag:s15] =	ssyncadd.s32 $0xFFFFD800  }
0xec: {  	[tilespmem:s20], [sflag:$0x3] =	stream.indirect.gather [hbm4b:s2+s17], $0x80, s14, s17, $0xb8;
	[tilespmem:$0x1C880] =	vst v63  }
0xed: {  	_ =	swait.ge [sflag:s21], $0x2800  }
0xee: {  	[sflag:s21] =	ssyncset.done $0x0  }
0xef: {  	[sflag:s21] =	ssyncadd.s32 $0xFFFFD800  }
0xf0: {  	[spmem:s3] =	stream.indirect.scatter.add.f32 [tilespmem:s18], [sflag:$0x5], $0x80, s24, s17, $0xb8;
	[tilespmem:$0x1C880] =	vst v63  }
0xf1: {  	_ =	swait.ge [sflag:s15], $0x2800  }
0xf2: {  	[sflag:s15] =	ssyncset.done $0x0  }
0xf3: {  	[sflag:s15] =	ssyncadd.s32 $0xFFFFD800  }
0xf4: {  	[tilespmem:s18], [sflag:$0x1] =	stream.indirect.gather [hbm4b:s2+s17], $0x80, s25, s17, $0xb8;
	[tilespmem:$0x1C880] =	vst v63  }
0xf5: {  	_ =	swait.ge [sflag:s22], $0x2800  }
0xf6: {  	[sflag:s22] =	ssyncset.done $0x0  }
0xf7: {  	[sflag:s22] =	ssyncadd.s32 $0xFFFFD800  }
0xf8: {  	[spmem:s3] =	stream.indirect.scatter.add.f32 [tilespmem:s19], [sflag:$0x5], $0x80, s26, s17, $0xb8;
	[tilespmem:$0x1C880] =	vst v63  }
0xf9: {  	_ =	swait.ge [sflag:s15], $0x2800  }
0xfa: {  	[sflag:s15] =	ssyncset.done $0x0  }
0xfb: {  	[sflag:s15] =	ssyncadd.s32 $0xFFFFD800  }
0xfc: {  	[tilespmem:s19], [sflag:$0x2] =	stream.indirect.gather [hbm4b:s2+s17], $0x80, s28, s17, $0xb8;
	[tilespmem:$0x1C880] =	vst v63  }
0xfd: {  	_ =	swait.ge [sflag:s23], $0x2800  }
0xfe: {  	[sflag:s23] =	ssyncset.done $0x0  }
0xff: {  	[sflag:s23] =	ssyncadd.s32 $0xFFFFD800  }
0x100: {  	[spmem:s3] =	stream.indirect.scatter.add.f32 [tilespmem:s20], [sflag:$0x5], $0x80, s29, s17, $0xb8;
	[tilespmem:$0x1C880] =	vst v63  }
0x101: {  	_ =	swait.ge [sflag:s15], $0x2800  }
0x102: {  	[sflag:s15] =	ssyncset.done $0x0  }
0x103: {  	[sflag:s15] =	ssyncadd.s32 $0xFFFFD800  }
0x104: {  	[tilespmem:s20], [sflag:$0x3] =	stream.indirect.gather [hbm4b:s2+s17], $0x80, s30, s17, $0xb8;
	[tilespmem:$0x1C880] =	vst v63  }
0x105: {  	_ =	swait.ge [sflag:s21], $0x2800  }
0x106: {  	[sflag:s21] =	ssyncset.done $0x0  }
0x107: {  	[sflag:s21] =	ssyncadd.s32 $0xFFFFD800  }
0x108: {  	[spmem:s3] =	stream.indirect.scatter.add.f32 [tilespmem:s18], [sflag:$0x5], $0x80, s31, s17, $0xb8;
	[tilespmem:$0x1C880] =	vst v63  }
0x109: {  	_ =	swait.ge [sflag:s15], $0x2800  }
0x10a: {  	[sflag:s15] =	ssyncset.done $0x0  }
0x10b: {  	[sflag:s15] =	ssyncadd.s32 $0xFFFFD800  }
0x10c: {  	[tilespmem:s18], [sflag:$0x1] =	stream.indirect.gather [hbm4b:s2+s17], $0x80, s1, s17, $0xb8;
	[tilespmem:$0x1C880] =	vst v63  }
0x10d: {  	_ =	swait.ge [sflag:s22], $0x2800  }
0x10e: {  	[sflag:s22] =	ssyncset.done $0x0  }
0x10f: {  	[sflag:s22] =	ssyncadd.s32 $0xFFFFD800  }
0x110: {  	[spmem:s3] =	stream.indirect.scatter.add.f32 [tilespmem:s19], [sflag:$0x5], $0x80, s5, s17, $0xb8;
	[tilespmem:$0x1C880] =	vst v63  }
0x111: {  	_ =	swait.ge [sflag:s15], $0x2800  }
0x112: {  	[sflag:s15] =	ssyncset.done $0x0  }
0x113: {  	[sflag:s15] =	ssyncadd.s32 $0xFFFFD800  }
0x114: {  	_ =	swait.ge [sflag:s23], $0x2800  }
0x115: {  	[sflag:s23] =	ssyncset.done $0x0  }
0x116: {  	[sflag:s23] =	ssyncadd.s32 $0xFFFFD800  }
0x117: {  	[spmem:s3] =	stream.indirect.scatter.add.f32 [tilespmem:s20], [sflag:$0x5], $0x80, s8, s17, $0xb8;
	[tilespmem:$0x1C880] =	vst v63  }
0x118: {  	_ =	swait.ge [sflag:s15], $0x2800  }
0x119: {  	[sflag:s15] =	ssyncset.done $0x0  }
0x11a: {  	[sflag:s15] =	ssyncadd.s32 $0xFFFFD800  }
0x11b: {  	_ =	swait.ge [sflag:s21], $0x2800  }
0x11c: {  	[sflag:s21] =	ssyncset.done $0x0  }
0x11d: {  	s6 =	simm.s32 $0xFA;
	s7 =	simm.s32 $0x1F4;
	[sflag:s21] =	ssyncadd.s32 $0xFFFFD800  }
0x11e: {  	[spmem:s3] =	stream.indirect.scatter.add.f32 [tilespmem:s18], [sflag:$0x5], $0x80, s9, s17, $0xb8;
	[tilespmem:$0x1C880] =	vst v63  }
.LBB2_2:
0x11f: {  	_ =	swait.ge [sflag:s15], $0x2800  }
0x120: {  	s14 =	rddreg [dreg:$0x5];
	[sflag:s15] =	ssyncset.done $0x0  }
0x121: {  	[sflag:s15] =	ssyncadd.s32 $0xFFFFD800;
	s14 =	sadd.s32 s6, s14  }
0x122: {  	[tilespmem:s4], [sflag:$0x5] =	stream.linear.gather [hbm4b:s14+s4], $0x7D0, $0x38;
	[tilespmem:$0x1C880] =	vst v63  }
0x123: {  	_ =	swait.ge [sflag:s15], $0x7D0  }
0x124: {  	[sflag:s15] =	ssyncset.done $0x0  }
0x125: {  	s12 =	sadd.s32 $0x200, s12;
	[sflag:s15] =	ssyncadd.s32 $0xFFFFF830  }
0x126: {  	[tilespmem:s16], [sflag:$0x5] =	stream.linear.gather [hbm4b:s12+s4], $0xC80, $0x38;
	[tilespmem:$0x1C880] =	vst v63  }
0x127: {  	_ =	swait.ge [sflag:s15], $0xC80  }
0x128: {  	[sflag:s15] =	ssyncset.done $0x0  }
0x129: {  	[sflag:s15] =	ssyncadd.s32 $0xFFFFF380  }
0x12a: {  	[tilespmem:s18], [sflag:$0x1] =	stream.indirect.gather [hbm4b:s2+s17], $0x80, s4, s17, $0xb8;
	[tilespmem:$0x1C880] =	vst v63  }
0x12b: {  	s13 =	smov.u32 s7;
	p2 =	sne.s32 s6, $0x0  }
0x12c: {  	[tilespmem:s19], [sflag:$0x2] =	stream.indirect.gather [hbm4b:s2+s17], $0x80, s17, s17, $0xb8;
	[tilespmem:$0x1C880] =	vst v63  }
0x12d: {  	s6 =	smov.u32 s13;
	s13 =	simm.s32 @!p2 $0x4;
	s14 =	rddreg [dreg:$0x6]  }
0x12e: {  	[tilespmem:s20], [sflag:$0x3] =	stream.indirect.gather [hbm4b:s2+s17], $0x80, s14, s17, $0xb8;
	[tilespmem:$0x1C880] =	vst v63  }
0x12f: {  	p3 =	sne.s32 @!p2 s0, $0x0;
	_ =	swait.ge @!p2 [sflag:s13], $0x2700  }
0x130: {  	p3 =	por p3, p2;
	[sflag:s13] =	ssyncset.done @!p2 $0x0  }
0x131: {  	s14 =	simm.s32 @!p3 $0x4;
	[sflag:s13] =	ssyncadd.s32 @!p2 $0xFFFFD900  }
0x132: {  	_ =	swait.ge @!p3 [sflag:s14], $0x100  }
0x133: {  	[sflag:s14] =	ssyncset.done @!p3 $0x0  }
0x134: {  	[sflag:s14] =	ssyncadd.s32 @!p3 $0xFFFFFF00  }
0x135: {  	[bflag:$0x0] =	sbarrier.arrive @!p2 $0xFFFF  }
0x136: {  	_ =	swait.ge [sflag:s21], $0x2800  }
0x137: {  	[sflag:s21] =	ssyncset.done $0x0  }
0x138: {  	[sflag:s21] =	ssyncadd.s32 $0xFFFFD800  }
0x139: {  	[spmem:s3] =	stream.indirect.scatter.add.f32 [tilespmem:s18], [sflag:$0x5], $0x80, s16, s17, $0xb8;
	[tilespmem:$0x1C880] =	vst v63  }
0x13a: {  	_ =	swait.ge [sflag:s15], $0x2800  }
0x13b: {  	[sflag:s15] =	ssyncset.done $0x0  }
0x13c: {  	s14 =	rddreg [dreg:$0x7];
	[sflag:s15] =	ssyncadd.s32 $0xFFFFD800  }
0x13d: {  	[tilespmem:s18], [sflag:$0x1] =	stream.indirect.gather [hbm4b:s2+s17], $0x80, s14, s17, $0xb8;
	[tilespmem:$0x1C880] =	vst v63  }
0x13e: {  	_ =	swait.ge [sflag:s22], $0x2800  }
0x13f: {  	[sflag:s22] =	ssyncset.done $0x0  }
0x140: {  	s14 =	rddreg [dreg:$0x8];
	[sflag:s22] =	ssyncadd.s32 $0xFFFFD800  }
0x141: {  	[spmem:s3] =	stream.indirect.scatter.add.f32 [tilespmem:s19], [sflag:$0x5], $0x80, s14, s17, $0xb8;
	[tilespmem:$0x1C880] =	vst v63  }
0x142: {  	_ =	swait.ge [sflag:s15], $0x2800  }
0x143: {  	[sflag:s15] =	ssyncset.done $0x0  }
0x144: {  	s14 =	rddreg [dreg:$0x9];
	[sflag:s15] =	ssyncadd.s32 $0xFFFFD800  }
0x145: {  	[tilespmem:s19], [sflag:$0x2] =	stream.indirect.gather [hbm4b:s2+s17], $0x80, s14, s17, $0xb8;
	[tilespmem:$0x1C880] =	vst v63  }
0x146: {  	_ =	swait.ge [sflag:s23], $0x2800  }
0x147: {  	[sflag:s23] =	ssyncset.done $0x0  }
0x148: {  	s14 =	rddreg [dreg:$0xa];
	[sflag:s23] =	ssyncadd.s32 $0xFFFFD800  }
0x149: {  	[spmem:s3] =	stream.indirect.scatter.add.f32 [tilespmem:s20], [sflag:$0x5], $0x80, s14, s17, $0xb8;
	[tilespmem:$0x1C880] =	vst v63  }
0x14a: {  	_ =	swait.ge [sflag:s15], $0x2800  }
0x14b: {  	[sflag:s15] =	ssyncset.done $0x0  }
0x14c: {  	s14 =	rddreg [dreg:$0xb];
	[sflag:s15] =	ssyncadd.s32 $0xFFFFD800  }
0x14d: {  	[tilespmem:s20], [sflag:$0x3] =	stream.indirect.gather [hbm4b:s2+s17], $0x80, s14, s17, $0xb8;
	[tilespmem:$0x1C880] =	vst v63  }
0x14e: {  	_ =	swait.ge [sflag:s21], $0x2800  }
0x14f: {  	[sflag:s21] =	ssyncset.done $0x0  }
0x150: {  	s14 =	rddreg [dreg:$0xc];
	[sflag:s21] =	ssyncadd.s32 $0xFFFFD800  }
0x151: {  	[spmem:s3] =	stream.indirect.scatter.add.f32 [tilespmem:s18], [sflag:$0x5], $0x80, s14, s17, $0xb8;
	[tilespmem:$0x1C880] =	vst v63  }
0x152: {  	_ =	swait.ge [sflag:s15], $0x2800  }
0x153: {  	[sflag:s15] =	ssyncset.done $0x0  }
0x154: {  	s14 =	rddreg [dreg:$0xd];
	[sflag:s15] =	ssyncadd.s32 $0xFFFFD800  }
0x155: {  	[tilespmem:s18], [sflag:$0x1] =	stream.indirect.gather [hbm4b:s2+s17], $0x80, s14, s17, $0xb8;
	[tilespmem:$0x1C880] =	vst v63  }
0x156: {  	_ =	swait.ge [sflag:s22], $0x2800  }
0x157: {  	[sflag:s22] =	ssyncset.done $0x0  }
0x158: {  	s14 =	rddreg [dreg:$0xe];
	[sflag:s22] =	ssyncadd.s32 $0xFFFFD800  }
0x159: {  	[spmem:s3] =	stream.indirect.scatter.add.f32 [tilespmem:s19], [sflag:$0x5], $0x80, s14, s17, $0xb8;
	[tilespmem:$0x1C880] =	vst v63  }
0x15a: {  	_ =	swait.ge [sflag:s15], $0x2800  }
0x15b: {  	[sflag:s15] =	ssyncset.done $0x0  }
0x15c: {  	s14 =	rddreg [dreg:$0xf];
	[sflag:s15] =	ssyncadd.s32 $0xFFFFD800  }
0x15d: {  	[tilespmem:s19], [sflag:$0x2] =	stream.indirect.gather [hbm4b:s2+s17], $0x80, s14, s17, $0xb8;
	[tilespmem:$0x1C880] =	vst v63  }
0x15e: {  	_ =	swait.ge [sflag:s23], $0x2800  }
0x15f: {  	[sflag:s23] =	ssyncset.done $0x0  }
0x160: {  	s14 =	rddreg [dreg:$0x10];
	[sflag:s23] =	ssyncadd.s32 $0xFFFFD800  }
0x161: {  	[spmem:s3] =	stream.indirect.scatter.add.f32 [tilespmem:s20], [sflag:$0x5], $0x80, s14, s17, $0xb8;
	[tilespmem:$0x1C880] =	vst v63  }
0x162: {  	_ =	swait.ge [sflag:s15], $0x2800  }
0x163: {  	[sflag:s15] =	ssyncset.done $0x0  }
0x164: {  	s14 =	rddreg [dreg:$0x11];
	[sflag:s15] =	ssyncadd.s32 $0xFFFFD800  }
0x165: {  	[tilespmem:s20], [sflag:$0x3] =	stream.indirect.gather [hbm4b:s2+s17], $0x80, s14, s17, $0xb8;
	[tilespmem:$0x1C880] =	vst v63  }
0x166: {  	_ =	swait.ge [sflag:s21], $0x2800  }
0x167: {  	[sflag:s21] =	ssyncset.done $0x0  }
0x168: {  	s14 =	rddreg [dreg:$0x12];
	[sflag:s21] =	ssyncadd.s32 $0xFFFFD800  }
0x169: {  	[spmem:s3] =	stream.indirect.scatter.add.f32 [tilespmem:s18], [sflag:$0x5], $0x80, s14, s17, $0xb8;
	[tilespmem:$0x1C880] =	vst v63  }
0x16a: {  	_ =	swait.ge [sflag:s15], $0x2800  }
0x16b: {  	[sflag:s15] =	ssyncset.done $0x0  }
0x16c: {  	s14 =	rddreg [dreg:$0x13];
	[sflag:s15] =	ssyncadd.s32 $0xFFFFD800  }
0x16d: {  	[tilespmem:s18], [sflag:$0x1] =	stream.indirect.gather [hbm4b:s2+s17], $0x80, s14, s17, $0xb8;
	[tilespmem:$0x1C880] =	vst v63  }
0x16e: {  	_ =	swait.ge [sflag:s22], $0x2800  }
0x16f: {  	[sflag:s22] =	ssyncset.done $0x0  }
0x170: {  	s14 =	rddreg [dreg:$0x14];
	[sflag:s22] =	ssyncadd.s32 $0xFFFFD800  }
0x171: {  	[spmem:s3] =	stream.indirect.scatter.add.f32 [tilespmem:s19], [sflag:$0x5], $0x80, s14, s17, $0xb8;
	[tilespmem:$0x1C880] =	vst v63  }
0x172: {  	_ =	swait.ge [sflag:s15], $0x2800  }
0x173: {  	[sflag:s15] =	ssyncset.done $0x0  }
0x174: {  	s14 =	rddreg [dreg:$0x15];
	[sflag:s15] =	ssyncadd.s32 $0xFFFFD800  }
0x175: {  	[tilespmem:s19], [sflag:$0x2] =	stream.indirect.gather [hbm4b:s2+s17], $0x80, s14, s17, $0xb8;
	[tilespmem:$0x1C880] =	vst v63  }
0x176: {  	_ =	swait.ge [sflag:s23], $0x2800  }
0x177: {  	[sflag:s23] =	ssyncset.done $0x0  }
0x178: {  	s14 =	rddreg [dreg:$0x16];
	[sflag:s23] =	ssyncadd.s32 $0xFFFFD800  }
0x179: {  	[spmem:s3] =	stream.indirect.scatter.add.f32 [tilespmem:s20], [sflag:$0x5], $0x80, s14, s17, $0xb8;
	[tilespmem:$0x1C880] =	vst v63  }
0x17a: {  	_ =	swait.ge [sflag:s15], $0x2800  }
0x17b: {  	[sflag:s15] =	ssyncset.done $0x0  }
0x17c: {  	s14 =	rddreg [dreg:$0x17];
	[sflag:s15] =	ssyncadd.s32 $0xFFFFD800  }
0x17d: {  	[tilespmem:s20], [sflag:$0x3] =	stream.indirect.gather [hbm4b:s2+s17], $0x80, s14, s17, $0xb8;
	[tilespmem:$0x1C880] =	vst v63  }
0x17e: {  	_ =	swait.ge [sflag:s21], $0x2800  }
0x17f: {  	[sflag:s21] =	ssyncset.done $0x0  }
0x180: {  	s14 =	rddreg [dreg:$0x18];
	[sflag:s21] =	ssyncadd.s32 $0xFFFFD800  }
0x181: {  	[spmem:s3] =	stream.indirect.scatter.add.f32 [tilespmem:s18], [sflag:$0x5], $0x80, s14, s17, $0xb8;
	[tilespmem:$0x1C880] =	vst v63  }
0x182: {  	_ =	swait.ge [sflag:s15], $0x2800  }
0x183: {  	[sflag:s15] =	ssyncset.done $0x0  }
0x184: {  	s14 =	rddreg [dreg:$0x19];
	[sflag:s15] =	ssyncadd.s32 $0xFFFFD800  }
0x185: {  	[tilespmem:s18], [sflag:$0x1] =	stream.indirect.gather [hbm4b:s2+s17], $0x80, s14, s17, $0xb8;
	[tilespmem:$0x1C880] =	vst v63  }
0x186: {  	_ =	swait.ge [sflag:s22], $0x2800  }
0x187: {  	[sflag:s22] =	ssyncset.done $0x0  }
0x188: {  	s14 =	rddreg [dreg:$0x1a];
	[sflag:s22] =	ssyncadd.s32 $0xFFFFD800  }
0x189: {  	[spmem:s3] =	stream.indirect.scatter.add.f32 [tilespmem:s19], [sflag:$0x5], $0x80, s14, s17, $0xb8;
	[tilespmem:$0x1C880] =	vst v63  }
0x18a: {  	_ =	swait.ge [sflag:s15], $0x2800  }
0x18b: {  	[sflag:s15] =	ssyncset.done $0x0  }
0x18c: {  	s14 =	rddreg [dreg:$0x1b];
	[sflag:s15] =	ssyncadd.s32 $0xFFFFD800  }
0x18d: {  	[tilespmem:s19], [sflag:$0x2] =	stream.indirect.gather [hbm4b:s2+s17], $0x80, s14, s17, $0xb8;
	[tilespmem:$0x1C880] =	vst v63  }
0x18e: {  	_ =	swait.ge [sflag:s23], $0x2800  }
0x18f: {  	[sflag:s23] =	ssyncset.done $0x0  }
0x190: {  	s14 =	rddreg [dreg:$0x1c];
	[sflag:s23] =	ssyncadd.s32 $0xFFFFD800  }
0x191: {  	[spmem:s3] =	stream.indirect.scatter.add.f32 [tilespmem:s20], [sflag:$0x5], $0x80, s14, s17, $0xb8;
	[tilespmem:$0x1C880] =	vst v63  }
0x192: {  	_ =	swait.ge [sflag:s15], $0x2800  }
0x193: {  	[sflag:s15] =	ssyncset.done $0x0  }
0x194: {  	s14 =	rddreg [dreg:$0x1d];
	[sflag:s15] =	ssyncadd.s32 $0xFFFFD800  }
0x195: {  	[tilespmem:s20], [sflag:$0x3] =	stream.indirect.gather [hbm4b:s2+s17], $0x80, s14, s17, $0xb8;
	[tilespmem:$0x1C880] =	vst v63  }
0x196: {  	_ =	swait.ge [sflag:s21], $0x2800  }
0x197: {  	[sflag:s21] =	ssyncset.done $0x0  }
0x198: {  	s14 =	rddreg [dreg:$0x1e];
	[sflag:s21] =	ssyncadd.s32 $0xFFFFD800  }
0x199: {  	[spmem:s3] =	stream.indirect.scatter.add.f32 [tilespmem:s18], [sflag:$0x5], $0x80, s14, s17, $0xb8;
	[tilespmem:$0x1C880] =	vst v63  }
0x19a: {  	_ =	swait.ge [sflag:s15], $0x2800  }
0x19b: {  	[sflag:s15] =	ssyncset.done $0x0  }
0x19c: {  	s14 =	rddreg [dreg:$0x1f];
	[sflag:s15] =	ssyncadd.s32 $0xFFFFD800  }
0x19d: {  	[tilespmem:s18], [sflag:$0x1] =	stream.indirect.gather [hbm4b:s2+s17], $0x80, s14, s17, $0xb8;
	[tilespmem:$0x1C880] =	vst v63  }
0x19e: {  	_ =	swait.ge [sflag:s22], $0x2800  }
0x19f: {  	s14 =	sld [smem:$0x7F3]  }
0x1a0: {  	[sflag:s22] =	ssyncset.done $0x0  }
0x1a1: {  	[sflag:s22] =	ssyncadd.s32 $0xFFFFD800  }
0x1a2: {  	[spmem:s3] =	stream.indirect.scatter.add.f32 [tilespmem:s19], [sflag:$0x5], $0x80, s14, s17, $0xb8;
	[tilespmem:$0x1C880] =	vst v63  }
0x1a3: {  	_ =	swait.ge [sflag:s15], $0x2800  }
0x1a4: {  	s14 =	sld [smem:$0x7F4]  }
0x1a5: {  	[sflag:s15] =	ssyncset.done $0x0  }
0x1a6: {  	[sflag:s15] =	ssyncadd.s32 $0xFFFFD800  }
0x1a7: {  	[tilespmem:s19], [sflag:$0x2] =	stream.indirect.gather [hbm4b:s2+s17], $0x80, s14, s17, $0xb8;
	[tilespmem:$0x1C880] =	vst v63  }
0x1a8: {  	_ =	swait.ge [sflag:s23], $0x2800  }
0x1a9: {  	s14 =	sld [smem:$0x7F5]  }
0x1aa: {  	[sflag:s23] =	ssyncset.done $0x0  }
0x1ab: {  	[sflag:s23] =	ssyncadd.s32 $0xFFFFD800  }
0x1ac: {  	[spmem:s3] =	stream.indirect.scatter.add.f32 [tilespmem:s20], [sflag:$0x5], $0x80, s14, s17, $0xb8;
	[tilespmem:$0x1C880] =	vst v63  }
0x1ad: {  	_ =	swait.ge [sflag:s15], $0x2800  }
0x1ae: {  	s14 =	sld [smem:$0x7F6]  }
0x1af: {  	[sflag:s15] =	ssyncset.done $0x0  }
0x1b0: {  	[sflag:s15] =	ssyncadd.s32 $0xFFFFD800  }
0x1b1: {  	[tilespmem:s20], [sflag:$0x3] =	stream.indirect.gather [hbm4b:s2+s17], $0x80, s14, s17, $0xb8;
	[tilespmem:$0x1C880] =	vst v63  }
0x1b2: {  	_ =	swait.ge [sflag:s21], $0x2800  }
0x1b3: {  	s14 =	sld [smem:$0x7F7]  }
0x1b4: {  	[sflag:s21] =	ssyncset.done $0x0  }
0x1b5: {  	[sflag:s21] =	ssyncadd.s32 $0xFFFFD800  }
0x1b6: {  	[spmem:s3] =	stream.indirect.scatter.add.f32 [tilespmem:s18], [sflag:$0x5], $0x80, s14, s17, $0xb8;
	[tilespmem:$0x1C880] =	vst v63  }
0x1b7: {  	_ =	swait.ge [sflag:s15], $0x2800  }
0x1b8: {  	s14 =	sld [smem:$0x7F8]  }
0x1b9: {  	[sflag:s15] =	ssyncset.done $0x0  }
0x1ba: {  	[sflag:s15] =	ssyncadd.s32 $0xFFFFD800  }
0x1bb: {  	[tilespmem:s18], [sflag:$0x1] =	stream.indirect.gather [hbm4b:s2+s17], $0x80, s14, s17, $0xb8;
	[tilespmem:$0x1C880] =	vst v63  }
0x1bc: {  	_ =	swait.ge [sflag:s22], $0x2800  }
0x1bd: {  	s14 =	sld [smem:$0x7F9]  }
0x1be: {  	[sflag:s22] =	ssyncset.done $0x0  }
0x1bf: {  	[sflag:s22] =	ssyncadd.s32 $0xFFFFD800  }
0x1c0: {  	[spmem:s3] =	stream.indirect.scatter.add.f32 [tilespmem:s19], [sflag:$0x5], $0x80, s14, s17, $0xb8;
	[tilespmem:$0x1C880] =	vst v63  }
0x1c1: {  	_ =	swait.ge [sflag:s15], $0x2800  }
0x1c2: {  	s14 =	sld [smem:$0x7FA]  }
0x1c3: {  	[sflag:s15] =	ssyncset.done $0x0  }
0x1c4: {  	[sflag:s15] =	ssyncadd.s32 $0xFFFFD800  }
0x1c5: {  	[tilespmem:s19], [sflag:$0x2] =	stream.indirect.gather [hbm4b:s2+s17], $0x80, s14, s17, $0xb8;
	[tilespmem:$0x1C880] =	vst v63  }
0x1c6: {  	_ =	swait.ge [sflag:s23], $0x2800  }
0x1c7: {  	s14 =	sld [smem:$0x7FB]  }
0x1c8: {  	[sflag:s23] =	ssyncset.done $0x0  }
0x1c9: {  	[sflag:s23] =	ssyncadd.s32 $0xFFFFD800  }
0x1ca: {  	[spmem:s3] =	stream.indirect.scatter.add.f32 [tilespmem:s20], [sflag:$0x5], $0x80, s14, s17, $0xb8;
	[tilespmem:$0x1C880] =	vst v63  }
0x1cb: {  	_ =	swait.ge [sflag:s15], $0x2800  }
0x1cc: {  	s14 =	sld [smem:$0x7FC]  }
0x1cd: {  	[sflag:s15] =	ssyncset.done $0x0  }
0x1ce: {  	[sflag:s15] =	ssyncadd.s32 $0xFFFFD800  }
0x1cf: {  	[tilespmem:s20], [sflag:$0x3] =	stream.indirect.gather [hbm4b:s2+s17], $0x80, s14, s17, $0xb8;
	[tilespmem:$0x1C880] =	vst v63  }
0x1d0: {  	_ =	swait.ge [sflag:s21], $0x2800  }
0x1d1: {  	[sflag:s21] =	ssyncset.done $0x0  }
0x1d2: {  	[sflag:s21] =	ssyncadd.s32 $0xFFFFD800  }
0x1d3: {  	[spmem:s3] =	stream.indirect.scatter.add.f32 [tilespmem:s18], [sflag:$0x5], $0x80, s24, s17, $0xb8;
	[tilespmem:$0x1C880] =	vst v63  }
0x1d4: {  	_ =	swait.ge [sflag:s15], $0x2800  }
0x1d5: {  	[sflag:s15] =	ssyncset.done $0x0  }
0x1d6: {  	[sflag:s15] =	ssyncadd.s32 $0xFFFFD800  }
0x1d7: {  	[tilespmem:s18], [sflag:$0x1] =	stream.indirect.gather [hbm4b:s2+s17], $0x80, s25, s17, $0xb8;
	[tilespmem:$0x1C880] =	vst v63  }
0x1d8: {  	_ =	swait.ge [sflag:s22], $0x2800  }
0x1d9: {  	[sflag:s22] =	ssyncset.done $0x0  }
0x1da: {  	[sflag:s22] =	ssyncadd.s32 $0xFFFFD800  }
0x1db: {  	[spmem:s3] =	stream.indirect.scatter.add.f32 [tilespmem:s19], [sflag:$0x5], $0x80, s26, s17, $0xb8;
	[tilespmem:$0x1C880] =	vst v63  }
0x1dc: {  	_ =	swait.ge [sflag:s15], $0x2800  }
0x1dd: {  	[sflag:s15] =	ssyncset.done $0x0  }
0x1de: {  	[sflag:s15] =	ssyncadd.s32 $0xFFFFD800  }
0x1df: {  	[tilespmem:s19], [sflag:$0x2] =	stream.indirect.gather [hbm4b:s2+s17], $0x80, s28, s17, $0xb8;
	[tilespmem:$0x1C880] =	vst v63  }
0x1e0: {  	_ =	swait.ge [sflag:s23], $0x2800  }
0x1e1: {  	[sflag:s23] =	ssyncset.done $0x0  }
0x1e2: {  	[sflag:s23] =	ssyncadd.s32 $0xFFFFD800  }
0x1e3: {  	[spmem:s3] =	stream.indirect.scatter.add.f32 [tilespmem:s20], [sflag:$0x5], $0x80, s29, s17, $0xb8;
	[tilespmem:$0x1C880] =	vst v63  }
0x1e4: {  	_ =	swait.ge [sflag:s15], $0x2800  }
0x1e5: {  	[sflag:s15] =	ssyncset.done $0x0  }
0x1e6: {  	[sflag:s15] =	ssyncadd.s32 $0xFFFFD800  }
0x1e7: {  	[tilespmem:s20], [sflag:$0x3] =	stream.indirect.gather [hbm4b:s2+s17], $0x80, s30, s17, $0xb8;
	[tilespmem:$0x1C880] =	vst v63  }
0x1e8: {  	_ =	swait.ge [sflag:s21], $0x2800  }
0x1e9: {  	[sflag:s21] =	ssyncset.done $0x0  }
0x1ea: {  	[sflag:s21] =	ssyncadd.s32 $0xFFFFD800  }
0x1eb: {  	[spmem:s3] =	stream.indirect.scatter.add.f32 [tilespmem:s18], [sflag:$0x5], $0x80, s31, s17, $0xb8;
	[tilespmem:$0x1C880] =	vst v63  }
0x1ec: {  	_ =	swait.ge [sflag:s15], $0x2800  }
0x1ed: {  	[sflag:s15] =	ssyncset.done $0x0  }
0x1ee: {  	[sflag:s15] =	ssyncadd.s32 $0xFFFFD800  }
0x1ef: {  	[tilespmem:s18], [sflag:$0x1] =	stream.indirect.gather [hbm4b:s2+s17], $0x80, s1, s17, $0xb8;
	[tilespmem:$0x1C880] =	vst v63  }
0x1f0: {  	_ =	swait.ge [sflag:s22], $0x2800  }
0x1f1: {  	[sflag:s22] =	ssyncset.done $0x0  }
0x1f2: {  	[sflag:s22] =	ssyncadd.s32 $0xFFFFD800  }
0x1f3: {  	[spmem:s3] =	stream.indirect.scatter.add.f32 [tilespmem:s19], [sflag:$0x5], $0x80, s5, s17, $0xb8;
	[tilespmem:$0x1C880] =	vst v63  }
0x1f4: {  	_ =	swait.ge [sflag:s15], $0x2800  }
0x1f5: {  	[sflag:s15] =	ssyncset.done $0x0  }
0x1f6: {  	[sflag:s15] =	ssyncadd.s32 $0xFFFFD800  }
0x1f7: {  	_ =	swait.ge [sflag:s23], $0x2800  }
0x1f8: {  	[sflag:s23] =	ssyncset.done $0x0  }
0x1f9: {  	[sflag:s23] =	ssyncadd.s32 $0xFFFFD800  }
0x1fa: {  	[spmem:s3] =	stream.indirect.scatter.add.f32 [tilespmem:s20], [sflag:$0x5], $0x80, s8, s17, $0xb8;
	[tilespmem:$0x1C880] =	vst v63  }
0x1fb: {  	s7 =	sadd.s32 $0xFA, s7;
	_ =	swait.ge [sflag:s15], $0x2800  }
0x1fc: {  	p1 =	sne.s32 s7, $0x4E2;
	[sflag:s15] =	ssyncset.done $0x0  }
.Ltmp0:
0x1fd: {  	[sflag:s15] =	ssyncadd.s32 $0xFFFFD800;
	(pc) =	sbr.rel @p1 .LBB2_2-.Ltmp0, $4  }
0x1fe: {  	_ =	swait.ge [sflag:s21], $0x2800  }
0x1ff: {  	[sflag:s21] =	ssyncset.done $0x0  }
0x200: {  	[sflag:s21] =	ssyncadd.s32 $0xFFFFD800  }
0x201: {  	[spmem:s3] =	stream.indirect.scatter.add.f32 [tilespmem:s18], [sflag:$0x5], $0x80, s9, s17, $0xb8;
	[tilespmem:$0x1C880] =	vst v63  }
0x202: {  	_ =	swait.ge [sflag:s15], $0x2800  }
0x203: {  	s7 =	rddreg [dreg:$0x5];
	[sflag:s15] =	ssyncset.done $0x0  }
0x204: {  	[sflag:s15] =	ssyncadd.s32 $0xFFFFD800;
	s7 =	sadd.s32 s6, s7  }
0x205: {  	[tilespmem:s4], [sflag:$0x5] =	stream.linear.gather [hbm4b:s7+s4], $0x7D0, $0x38;
	[tilespmem:$0x1C880] =	vst v63  }
0x206: {  	_ =	swait.ge [sflag:s15], $0x7D0  }
0x207: {  	[sflag:s15] =	ssyncset.done $0x0  }
0x208: {  	s13 =	sadd.s32 $0x200, s12;
	[sflag:s15] =	ssyncadd.s32 $0xFFFFF830  }
0x209: {  	[tilespmem:s16], [sflag:$0x5] =	stream.linear.gather [hbm4b:s13+s4], $0xC80, $0x38;
	[tilespmem:$0x1C880] =	vst v63  }
0x20a: {  	_ =	swait.ge [sflag:s15], $0xC80  }
0x20b: {  	[sflag:s15] =	ssyncset.done $0x0  }
0x20c: {  	[sflag:s15] =	ssyncadd.s32 $0xFFFFF380  }
0x20d: {  	[tilespmem:s18], [sflag:$0x1] =	stream.indirect.gather [hbm4b:s2+s17], $0x80, s4, s17, $0xb8;
	[tilespmem:$0x1C880] =	vst v63  }
0x20e: {  	p1 =	sne.s32 s6, $0x0  }
0x20f: {  	[tilespmem:s19], [sflag:$0x2] =	stream.indirect.gather [hbm4b:s2+s17], $0x80, s17, s17, $0xb8;
	[tilespmem:$0x1C880] =	vst v63  }
0x210: {  	s6 =	simm.s32 @!p1 $0x4;
	s14 =	rddreg [dreg:$0x6]  }
0x211: {  	[tilespmem:s20], [sflag:$0x3] =	stream.indirect.gather [hbm4b:s2+s17], $0x80, s14, s17, $0xb8;
	[tilespmem:$0x1C880] =	vst v63  }
0x212: {  	p2 =	sne.s32 @!p1 s0, $0x0;
	_ =	swait.ge @!p1 [sflag:s6], $0x2700  }
0x213: {  	p2 =	por p2, p1;
	[sflag:s6] =	ssyncset.done @!p1 $0x0  }
0x214: {  	[sflag:s6] =	ssyncadd.s32 @!p1 $0xFFFFD900;
	s6 =	simm.s32 @!p2 $0x4  }
0x215: {  	_ =	swait.ge @!p2 [sflag:s6], $0x100  }
0x216: {  	[sflag:s6] =	ssyncset.done @!p2 $0x0  }
0x217: {  	[sflag:s6] =	ssyncadd.s32 @!p2 $0xFFFFFF00  }
0x218: {  	[bflag:$0x0] =	sbarrier.arrive @!p1 $0xFFFF  }
0x219: {  	_ =	swait.ge [sflag:s21], $0x2800  }
0x21a: {  	[sflag:s21] =	ssyncset.done $0x0  }
0x21b: {  	[sflag:s21] =	ssyncadd.s32 $0xFFFFD800  }
0x21c: {  	[spmem:s3] =	stream.indirect.scatter.add.f32 [tilespmem:s18], [sflag:$0x5], $0x80, s16, s17, $0xb8;
	[tilespmem:$0x1C880] =	vst v63  }
0x21d: {  	_ =	swait.ge [sflag:s15], $0x2800  }
0x21e: {  	[sflag:s15] =	ssyncset.done $0x0  }
0x21f: {  	s12 =	rddreg [dreg:$0x7];
	[sflag:s15] =	ssyncadd.s32 $0xFFFFD800  }
0x220: {  	[tilespmem:s18], [sflag:$0x1] =	stream.indirect.gather [hbm4b:s2+s17], $0x80, s12, s17, $0xb8;
	[tilespmem:$0x1C880] =	vst v63  }
0x221: {  	_ =	swait.ge [sflag:s22], $0x2800  }
0x222: {  	[sflag:s22] =	ssyncset.done $0x0  }
0x223: {  	s13 =	rddreg [dreg:$0x8];
	[sflag:s22] =	ssyncadd.s32 $0xFFFFD800  }
0x224: {  	[spmem:s3] =	stream.indirect.scatter.add.f32 [tilespmem:s19], [sflag:$0x5], $0x80, s13, s17, $0xb8;
	[tilespmem:$0x1C880] =	vst v63  }
0x225: {  	_ =	swait.ge [sflag:s15], $0x2800  }
0x226: {  	[sflag:s15] =	ssyncset.done $0x0  }
0x227: {  	s14 =	rddreg [dreg:$0x9];
	[sflag:s15] =	ssyncadd.s32 $0xFFFFD800  }
0x228: {  	[tilespmem:s19], [sflag:$0x2] =	stream.indirect.gather [hbm4b:s2+s17], $0x80, s14, s17, $0xb8;
	[tilespmem:$0x1C880] =	vst v63  }
0x229: {  	_ =	swait.ge [sflag:s23], $0x2800  }
0x22a: {  	[sflag:s23] =	ssyncset.done $0x0  }
0x22b: {  	s7 =	rddreg [dreg:$0xa];
	[sflag:s23] =	ssyncadd.s32 $0xFFFFD800  }
0x22c: {  	[spmem:s3] =	stream.indirect.scatter.add.f32 [tilespmem:s20], [sflag:$0x5], $0x80, s7, s17, $0xb8;
	[tilespmem:$0x1C880] =	vst v63  }
0x22d: {  	_ =	swait.ge [sflag:s15], $0x2800  }
0x22e: {  	[sflag:s15] =	ssyncset.done $0x0  }
0x22f: {  	s12 =	rddreg [dreg:$0xb];
	[sflag:s15] =	ssyncadd.s32 $0xFFFFD800  }
0x230: {  	[tilespmem:s20], [sflag:$0x3] =	stream.indirect.gather [hbm4b:s2+s17], $0x80, s12, s17, $0xb8;
	[tilespmem:$0x1C880] =	vst v63  }
0x231: {  	_ =	swait.ge [sflag:s21], $0x2800  }
0x232: {  	[sflag:s21] =	ssyncset.done $0x0  }
0x233: {  	s13 =	rddreg [dreg:$0xc];
	[sflag:s21] =	ssyncadd.s32 $0xFFFFD800  }
0x234: {  	[spmem:s3] =	stream.indirect.scatter.add.f32 [tilespmem:s18], [sflag:$0x5], $0x80, s13, s17, $0xb8;
	[tilespmem:$0x1C880] =	vst v63  }
0x235: {  	_ =	swait.ge [sflag:s15], $0x2800  }
0x236: {  	[sflag:s15] =	ssyncset.done $0x0  }
0x237: {  	s14 =	rddreg [dreg:$0xd];
	[sflag:s15] =	ssyncadd.s32 $0xFFFFD800  }
0x238: {  	[tilespmem:s18], [sflag:$0x1] =	stream.indirect.gather [hbm4b:s2+s17], $0x80, s14, s17, $0xb8;
	[tilespmem:$0x1C880] =	vst v63  }
0x239: {  	_ =	swait.ge [sflag:s22], $0x2800  }
0x23a: {  	[sflag:s22] =	ssyncset.done $0x0  }
0x23b: {  	s7 =	rddreg [dreg:$0xe];
	[sflag:s22] =	ssyncadd.s32 $0xFFFFD800  }
0x23c: {  	[spmem:s3] =	stream.indirect.scatter.add.f32 [tilespmem:s19], [sflag:$0x5], $0x80, s7, s17, $0xb8;
	[tilespmem:$0x1C880] =	vst v63  }
0x23d: {  	_ =	swait.ge [sflag:s15], $0x2800  }
0x23e: {  	[sflag:s15] =	ssyncset.done $0x0  }
0x23f: {  	s12 =	rddreg [dreg:$0xf];
	[sflag:s15] =	ssyncadd.s32 $0xFFFFD800  }
0x240: {  	[tilespmem:s19], [sflag:$0x2] =	stream.indirect.gather [hbm4b:s2+s17], $0x80, s12, s17, $0xb8;
	[tilespmem:$0x1C880] =	vst v63  }
0x241: {  	_ =	swait.ge [sflag:s23], $0x2800  }
0x242: {  	[sflag:s23] =	ssyncset.done $0x0  }
0x243: {  	s13 =	rddreg [dreg:$0x10];
	[sflag:s23] =	ssyncadd.s32 $0xFFFFD800  }
0x244: {  	[spmem:s3] =	stream.indirect.scatter.add.f32 [tilespmem:s20], [sflag:$0x5], $0x80, s13, s17, $0xb8;
	[tilespmem:$0x1C880] =	vst v63  }
0x245: {  	_ =	swait.ge [sflag:s15], $0x2800  }
0x246: {  	[sflag:s15] =	ssyncset.done $0x0  }
0x247: {  	s14 =	rddreg [dreg:$0x11];
	[sflag:s15] =	ssyncadd.s32 $0xFFFFD800  }
0x248: {  	[tilespmem:s20], [sflag:$0x3] =	stream.indirect.gather [hbm4b:s2+s17], $0x80, s14, s17, $0xb8;
	[tilespmem:$0x1C880] =	vst v63  }
0x249: {  	_ =	swait.ge [sflag:s21], $0x2800  }
0x24a: {  	[sflag:s21] =	ssyncset.done $0x0  }
0x24b: {  	s7 =	rddreg [dreg:$0x12];
	[sflag:s21] =	ssyncadd.s32 $0xFFFFD800  }
0x24c: {  	[spmem:s3] =	stream.indirect.scatter.add.f32 [tilespmem:s18], [sflag:$0x5], $0x80, s7, s17, $0xb8;
	[tilespmem:$0x1C880] =	vst v63  }
0x24d: {  	_ =	swait.ge [sflag:s15], $0x2800  }
0x24e: {  	[sflag:s15] =	ssyncset.done $0x0  }
0x24f: {  	s12 =	rddreg [dreg:$0x13];
	[sflag:s15] =	ssyncadd.s32 $0xFFFFD800  }
0x250: {  	[tilespmem:s18], [sflag:$0x1] =	stream.indirect.gather [hbm4b:s2+s17], $0x80, s12, s17, $0xb8;
	[tilespmem:$0x1C880] =	vst v63  }
0x251: {  	_ =	swait.ge [sflag:s22], $0x2800  }
0x252: {  	[sflag:s22] =	ssyncset.done $0x0  }
0x253: {  	s13 =	rddreg [dreg:$0x14];
	[sflag:s22] =	ssyncadd.s32 $0xFFFFD800  }
0x254: {  	[spmem:s3] =	stream.indirect.scatter.add.f32 [tilespmem:s19], [sflag:$0x5], $0x80, s13, s17, $0xb8;
	[tilespmem:$0x1C880] =	vst v63  }
0x255: {  	_ =	swait.ge [sflag:s15], $0x2800  }
0x256: {  	[sflag:s15] =	ssyncset.done $0x0  }
0x257: {  	s14 =	rddreg [dreg:$0x15];
	[sflag:s15] =	ssyncadd.s32 $0xFFFFD800  }
0x258: {  	[tilespmem:s19], [sflag:$0x2] =	stream.indirect.gather [hbm4b:s2+s17], $0x80, s14, s17, $0xb8;
	[tilespmem:$0x1C880] =	vst v63  }
0x259: {  	_ =	swait.ge [sflag:s23], $0x2800  }
0x25a: {  	[sflag:s23] =	ssyncset.done $0x0  }
0x25b: {  	s7 =	rddreg [dreg:$0x16];
	[sflag:s23] =	ssyncadd.s32 $0xFFFFD800  }
0x25c: {  	[spmem:s3] =	stream.indirect.scatter.add.f32 [tilespmem:s20], [sflag:$0x5], $0x80, s7, s17, $0xb8;
	[tilespmem:$0x1C880] =	vst v63  }
0x25d: {  	_ =	swait.ge [sflag:s15], $0x2800  }
0x25e: {  	[sflag:s15] =	ssyncset.done $0x0  }
0x25f: {  	s12 =	rddreg [dreg:$0x17];
	[sflag:s15] =	ssyncadd.s32 $0xFFFFD800  }
0x260: {  	[tilespmem:s20], [sflag:$0x3] =	stream.indirect.gather [hbm4b:s2+s17], $0x80, s12, s17, $0xb8;
	[tilespmem:$0x1C880] =	vst v63  }
0x261: {  	_ =	swait.ge [sflag:s21], $0x2800  }
0x262: {  	[sflag:s21] =	ssyncset.done $0x0  }
0x263: {  	s13 =	rddreg [dreg:$0x18];
	[sflag:s21] =	ssyncadd.s32 $0xFFFFD800  }
0x264: {  	[spmem:s3] =	stream.indirect.scatter.add.f32 [tilespmem:s18], [sflag:$0x5], $0x80, s13, s17, $0xb8;
	[tilespmem:$0x1C880] =	vst v63  }
0x265: {  	_ =	swait.ge [sflag:s15], $0x2800  }
0x266: {  	[sflag:s15] =	ssyncset.done $0x0  }
0x267: {  	s14 =	rddreg [dreg:$0x19];
	[sflag:s15] =	ssyncadd.s32 $0xFFFFD800  }
0x268: {  	[tilespmem:s18], [sflag:$0x1] =	stream.indirect.gather [hbm4b:s2+s17], $0x80, s14, s17, $0xb8;
	[tilespmem:$0x1C880] =	vst v63  }
0x269: {  	_ =	swait.ge [sflag:s22], $0x2800  }
0x26a: {  	[sflag:s22] =	ssyncset.done $0x0  }
0x26b: {  	s7 =	rddreg [dreg:$0x1a];
	[sflag:s22] =	ssyncadd.s32 $0xFFFFD800  }
0x26c: {  	[spmem:s3] =	stream.indirect.scatter.add.f32 [tilespmem:s19], [sflag:$0x5], $0x80, s7, s17, $0xb8;
	[tilespmem:$0x1C880] =	vst v63  }
0x26d: {  	_ =	swait.ge [sflag:s15], $0x2800  }
0x26e: {  	[sflag:s15] =	ssyncset.done $0x0  }
0x26f: {  	s12 =	rddreg [dreg:$0x1b];
	[sflag:s15] =	ssyncadd.s32 $0xFFFFD800  }
0x270: {  	[tilespmem:s19], [sflag:$0x2] =	stream.indirect.gather [hbm4b:s2+s17], $0x80, s12, s17, $0xb8;
	[tilespmem:$0x1C880] =	vst v63  }
0x271: {  	_ =	swait.ge [sflag:s23], $0x2800  }
0x272: {  	[sflag:s23] =	ssyncset.done $0x0  }
0x273: {  	s13 =	rddreg [dreg:$0x1c];
	[sflag:s23] =	ssyncadd.s32 $0xFFFFD800  }
0x274: {  	[spmem:s3] =	stream.indirect.scatter.add.f32 [tilespmem:s20], [sflag:$0x5], $0x80, s13, s17, $0xb8;
	[tilespmem:$0x1C880] =	vst v63  }
0x275: {  	_ =	swait.ge [sflag:s15], $0x2800  }
0x276: {  	[sflag:s15] =	ssyncset.done $0x0  }
0x277: {  	s14 =	rddreg [dreg:$0x1d];
	[sflag:s15] =	ssyncadd.s32 $0xFFFFD800  }
0x278: {  	[tilespmem:s20], [sflag:$0x3] =	stream.indirect.gather [hbm4b:s2+s17], $0x80, s14, s17, $0xb8;
	[tilespmem:$0x1C880] =	vst v63  }
0x279: {  	_ =	swait.ge [sflag:s21], $0x2800  }
0x27a: {  	[sflag:s21] =	ssyncset.done $0x0  }
0x27b: {  	s7 =	rddreg [dreg:$0x1e];
	[sflag:s21] =	ssyncadd.s32 $0xFFFFD800  }
0x27c: {  	[spmem:s3] =	stream.indirect.scatter.add.f32 [tilespmem:s18], [sflag:$0x5], $0x80, s7, s17, $0xb8;
	[tilespmem:$0x1C880] =	vst v63  }
0x27d: {  	_ =	swait.ge [sflag:s15], $0x2800  }
0x27e: {  	[sflag:s15] =	ssyncset.done $0x0  }
0x27f: {  	s12 =	rddreg [dreg:$0x1f];
	[sflag:s15] =	ssyncadd.s32 $0xFFFFD800  }
0x280: {  	[tilespmem:s18], [sflag:$0x1] =	stream.indirect.gather [hbm4b:s2+s17], $0x80, s12, s17, $0xb8;
	[tilespmem:$0x1C880] =	vst v63  }
0x281: {  	_ =	swait.ge [sflag:s22], $0x2800  }
0x282: {  	s13 =	sld [smem:$0x7F3]  }
0x283: {  	[sflag:s22] =	ssyncset.done $0x0  }
0x284: {  	[sflag:s22] =	ssyncadd.s32 $0xFFFFD800  }
0x285: {  	[spmem:s3] =	stream.indirect.scatter.add.f32 [tilespmem:s19], [sflag:$0x5], $0x80, s13, s17, $0xb8;
	[tilespmem:$0x1C880] =	vst v63  }
0x286: {  	_ =	swait.ge [sflag:s15], $0x2800  }
0x287: {  	s14 =	sld [smem:$0x7F4]  }
0x288: {  	[sflag:s15] =	ssyncset.done $0x0  }
0x289: {  	[sflag:s15] =	ssyncadd.s32 $0xFFFFD800  }
0x28a: {  	[tilespmem:s19], [sflag:$0x2] =	stream.indirect.gather [hbm4b:s2+s17], $0x80, s14, s17, $0xb8;
	[tilespmem:$0x1C880] =	vst v63  }
0x28b: {  	_ =	swait.ge [sflag:s23], $0x2800  }
0x28c: {  	s7 =	sld [smem:$0x7F5]  }
0x28d: {  	[sflag:s23] =	ssyncset.done $0x0  }
0x28e: {  	[sflag:s23] =	ssyncadd.s32 $0xFFFFD800  }
0x28f: {  	[spmem:s3] =	stream.indirect.scatter.add.f32 [tilespmem:s20], [sflag:$0x5], $0x80, s7, s17, $0xb8;
	[tilespmem:$0x1C880] =	vst v63  }
0x290: {  	_ =	swait.ge [sflag:s15], $0x2800  }
0x291: {  	s12 =	sld [smem:$0x7F6]  }
0x292: {  	[sflag:s15] =	ssyncset.done $0x0  }
0x293: {  	[sflag:s15] =	ssyncadd.s32 $0xFFFFD800  }
0x294: {  	[tilespmem:s20], [sflag:$0x3] =	stream.indirect.gather [hbm4b:s2+s17], $0x80, s12, s17, $0xb8;
	[tilespmem:$0x1C880] =	vst v63  }
0x295: {  	_ =	swait.ge [sflag:s21], $0x2800  }
0x296: {  	s13 =	sld [smem:$0x7F7]  }
0x297: {  	[sflag:s21] =	ssyncset.done $0x0  }
0x298: {  	[sflag:s21] =	ssyncadd.s32 $0xFFFFD800  }
0x299: {  	[spmem:s3] =	stream.indirect.scatter.add.f32 [tilespmem:s18], [sflag:$0x5], $0x80, s13, s17, $0xb8;
	[tilespmem:$0x1C880] =	vst v63  }
0x29a: {  	_ =	swait.ge [sflag:s15], $0x2800  }
0x29b: {  	s14 =	sld [smem:$0x7F8]  }
0x29c: {  	[sflag:s15] =	ssyncset.done $0x0  }
0x29d: {  	[sflag:s15] =	ssyncadd.s32 $0xFFFFD800  }
0x29e: {  	[tilespmem:s18], [sflag:$0x1] =	stream.indirect.gather [hbm4b:s2+s17], $0x80, s14, s17, $0xb8;
	[tilespmem:$0x1C880] =	vst v63  }
0x29f: {  	_ =	swait.ge [sflag:s22], $0x2800  }
0x2a0: {  	s7 =	sld [smem:$0x7F9]  }
0x2a1: {  	[sflag:s22] =	ssyncset.done $0x0  }
0x2a2: {  	[sflag:s22] =	ssyncadd.s32 $0xFFFFD800  }
0x2a3: {  	[spmem:s3] =	stream.indirect.scatter.add.f32 [tilespmem:s19], [sflag:$0x5], $0x80, s7, s17, $0xb8;
	[tilespmem:$0x1C880] =	vst v63  }
0x2a4: {  	_ =	swait.ge [sflag:s15], $0x2800  }
0x2a5: {  	s12 =	sld [smem:$0x7FA]  }
0x2a6: {  	[sflag:s15] =	ssyncset.done $0x0  }
0x2a7: {  	[sflag:s15] =	ssyncadd.s32 $0xFFFFD800  }
0x2a8: {  	[tilespmem:s19], [sflag:$0x2] =	stream.indirect.gather [hbm4b:s2+s17], $0x80, s12, s17, $0xb8;
	[tilespmem:$0x1C880] =	vst v63  }
0x2a9: {  	_ =	swait.ge [sflag:s23], $0x2800  }
0x2aa: {  	s13 =	sld [smem:$0x7FB]  }
0x2ab: {  	[sflag:s23] =	ssyncset.done $0x0  }
0x2ac: {  	[sflag:s23] =	ssyncadd.s32 $0xFFFFD800  }
0x2ad: {  	[spmem:s3] =	stream.indirect.scatter.add.f32 [tilespmem:s20], [sflag:$0x5], $0x80, s13, s17, $0xb8;
	[tilespmem:$0x1C880] =	vst v63  }
0x2ae: {  	_ =	swait.ge [sflag:s15], $0x2800  }
0x2af: {  	s14 =	sld [smem:$0x7FC]  }
0x2b0: {  	[sflag:s15] =	ssyncset.done $0x0  }
0x2b1: {  	[sflag:s15] =	ssyncadd.s32 $0xFFFFD800  }
0x2b2: {  	[tilespmem:s20], [sflag:$0x3] =	stream.indirect.gather [hbm4b:s2+s17], $0x80, s14, s17, $0xb8;
	[tilespmem:$0x1C880] =	vst v63  }
0x2b3: {  	_ =	swait.ge [sflag:s21], $0x2800  }
0x2b4: {  	[sflag:s21] =	ssyncset.done $0x0  }
0x2b5: {  	[sflag:s21] =	ssyncadd.s32 $0xFFFFD800  }
0x2b6: {  	[spmem:s3] =	stream.indirect.scatter.add.f32 [tilespmem:s18], [sflag:$0x5], $0x80, s24, s17, $0xb8;
	[tilespmem:$0x1C880] =	vst v63  }
0x2b7: {  	_ =	swait.ge [sflag:s15], $0x2800  }
0x2b8: {  	[sflag:s15] =	ssyncset.done $0x0  }
0x2b9: {  	[sflag:s15] =	ssyncadd.s32 $0xFFFFD800  }
0x2ba: {  	[tilespmem:s18], [sflag:$0x1] =	stream.indirect.gather [hbm4b:s2+s17], $0x80, s25, s17, $0xb8;
	[tilespmem:$0x1C880] =	vst v63  }
0x2bb: {  	_ =	swait.ge [sflag:s22], $0x2800  }
0x2bc: {  	[sflag:s22] =	ssyncset.done $0x0  }
0x2bd: {  	[sflag:s22] =	ssyncadd.s32 $0xFFFFD800  }
0x2be: {  	[spmem:s3] =	stream.indirect.scatter.add.f32 [tilespmem:s19], [sflag:$0x5], $0x80, s26, s17, $0xb8;
	[tilespmem:$0x1C880] =	vst v63  }
0x2bf: {  	_ =	swait.ge [sflag:s15], $0x2800  }
0x2c0: {  	[sflag:s15] =	ssyncset.done $0x0  }
0x2c1: {  	[sflag:s15] =	ssyncadd.s32 $0xFFFFD800  }
0x2c2: {  	[tilespmem:s19], [sflag:$0x2] =	stream.indirect.gather [hbm4b:s2+s17], $0x80, s28, s17, $0xb8;
	[tilespmem:$0x1C880] =	vst v63  }
0x2c3: {  	_ =	swait.ge [sflag:s23], $0x2800  }
0x2c4: {  	[sflag:s23] =	ssyncset.done $0x0  }
0x2c5: {  	[sflag:s23] =	ssyncadd.s32 $0xFFFFD800  }
0x2c6: {  	[spmem:s3] =	stream.indirect.scatter.add.f32 [tilespmem:s20], [sflag:$0x5], $0x80, s29, s17, $0xb8;
	[tilespmem:$0x1C880] =	vst v63  }
0x2c7: {  	_ =	swait.ge [sflag:s15], $0x2800  }
0x2c8: {  	[sflag:s15] =	ssyncset.done $0x0  }
0x2c9: {  	[sflag:s15] =	ssyncadd.s32 $0xFFFFD800  }
0x2ca: {  	[tilespmem:s20], [sflag:$0x3] =	stream.indirect.gather [hbm4b:s2+s17], $0x80, s30, s17, $0xb8;
	[tilespmem:$0x1C880] =	vst v63  }
0x2cb: {  	_ =	swait.ge [sflag:s21], $0x2800  }
0x2cc: {  	[sflag:s21] =	ssyncset.done $0x0  }
0x2cd: {  	[sflag:s21] =	ssyncadd.s32 $0xFFFFD800  }
0x2ce: {  	[spmem:s3] =	stream.indirect.scatter.add.f32 [tilespmem:s18], [sflag:$0x5], $0x80, s31, s17, $0xb8;
	[tilespmem:$0x1C880] =	vst v63  }
0x2cf: {  	_ =	swait.ge [sflag:s15], $0x2800  }
0x2d0: {  	[sflag:s15] =	ssyncset.done $0x0  }
0x2d1: {  	[sflag:s15] =	ssyncadd.s32 $0xFFFFD800  }
0x2d2: {  	[tilespmem:s18], [sflag:$0x1] =	stream.indirect.gather [hbm4b:s2+s17], $0x80, s1, s17, $0xb8;
	[tilespmem:$0x1C880] =	vst v63  }
0x2d3: {  	_ =	swait.ge [sflag:s22], $0x2800  }
0x2d4: {  	[sflag:s22] =	ssyncset.done $0x0  }
0x2d5: {  	[sflag:s22] =	ssyncadd.s32 $0xFFFFD800  }
0x2d6: {  	[spmem:s3] =	stream.indirect.scatter.add.f32 [tilespmem:s19], [sflag:$0x5], $0x80, s5, s17, $0xb8;
	[tilespmem:$0x1C880] =	vst v63  }
0x2d7: {  	_ =	swait.ge [sflag:s15], $0x2800  }
0x2d8: {  	[sflag:s15] =	ssyncset.done $0x0  }
0x2d9: {  	[sflag:s15] =	ssyncadd.s32 $0xFFFFD800  }
0x2da: {  	_ =	swait.ge [sflag:s23], $0x2800  }
0x2db: {  	[sflag:s23] =	ssyncset.done $0x0  }
0x2dc: {  	[sflag:s23] =	ssyncadd.s32 $0xFFFFD800  }
0x2dd: {  	[spmem:s3] =	stream.indirect.scatter.add.f32 [tilespmem:s20], [sflag:$0x5], $0x80, s8, s17, $0xb8;
	[tilespmem:$0x1C880] =	vst v63  }
0x2de: {  	_ =	swait.ge [sflag:s15], $0x2800  }
0x2df: {  	[sflag:s15] =	ssyncset.done $0x0  }
0x2e0: {  	[sflag:s15] =	ssyncadd.s32 $0xFFFFD800  }
0x2e1: {  	_ =	swait.ge [sflag:s21], $0x2800  }
0x2e2: {  	[sflag:s21] =	ssyncset.done $0x0  }
0x2e3: {  	[sflag:s21] =	ssyncadd.s32 $0xFFFFD800  }
0x2e4: {  	[spmem:s3] =	stream.indirect.scatter.add.f32 [tilespmem:s18], [sflag:$0x5], $0x80, s9, s17, $0xb8;
	[tilespmem:$0x1C880] =	vst v63  }
0x2e5: {  	_ =	swait.ge [sflag:s15], $0x2800  }
0x2e6: {  	[sflag:s15] =	ssyncset.done $0x0  }
0x2e7: {  	[sflag:s15] =	ssyncadd.s32 $0xFFFFD800  }
0x2e8: {  	[bflag:$0x0] =	sbarrier.arrive $0xFFFF  }
0x2e9: {  	s7 =	sld [smem:$0x7EC]  }
0x2ea: {  	s12 =	sld [smem:$0x7EF];
	_ =	sdelay $0x1  }
0x2eb: {  	s6 =	sor.u32 $0x1C05, s7  }
0x2ec: {  	[hbm:s12], [sflag:s6] =	dma.local [spmem:s11], $0x2700  }
0x2ed: {  	_ =	swait.ge [sflag:s15], $0x2700  }
0x2ee: {  	s7 =	sld [smem:$0x7F0]  }
0x2ef: {  	s12 =	sld [smem:$0x7FD]  }
0x2f0: {  	[sflag:s15] =	ssyncset.done $0x0  }
0x2f1: {  	[sflag:s15] =	ssyncadd.s32 $0xFFFFD900  }
0x2f2: {  	[hbm:s7], [sflag:s6] =	dma.local @!p0 [spmem:s12], $0x100  }
0x2f3: {  	s6 =	simm.s32 @!p0 $0x5  }
0x2f4: {  	_ =	swait.ge @!p0 [sflag:s6], $0x100  }
0x2f5: {  	s14 =	sld [smem:$0x7F1];
	_ =	sdelay $0x1  }
0x2f6: {  	s10 =	sadd.s32 $0x1, s10  }
0x2f7: {  	p1 =	sne.s32 s10, s14  }
.Ltmp1:
0x2f8: {  	_ = 	snop;
	(pc) =	sbr.rel @p1 .LBB2_1-.Ltmp1, $3  }
0x2f9: {  	_ =	sdelay $0x1  }
0x2fa: {  	[sflag:s6] =	ssyncset.done @!p0 $0x0  }
0x2fb: {  	s13 =	smov.u32 s11;
	[sflag:s6] =	ssyncadd.s32 @!p0 $0xFFFFFF00  }
0x2fc: {  	_ =	sfence.sel $0x180000  }
0x2fd: {  	[bflag:$0x0] =	sbarrier.arrive $0xFFFF  }
0x2fe: {  	_ =	strace $0x9000004A  }
0x2ff: {  	[bflag:$0x2] =	sbarrier.arrive $0xFFFF  }
0x300: {  	s0 =	rddreg [dreg:$0x4]  }
0x301: {  	s0 =	sadd.s32 @!p0 $0x100000, s0  }
0x302: {  	[sflag:s0] =	ssyncadd.tile.s32 @!p0 $0x1;
	_ =	shalt  }
.Lfunc_end2:
_tile_overlayer_lowered:
.L_overlay_start_2:
0x303: {  	(tag) =	ssettag $0x2  }
0x304: {  	s0 =	rddreg [dreg:$0x0];
	s2 =	stileid.u32  }
0x305: {  	s1 =	rddreg [dreg:$0x1];
	p0 =	sne.s32 s2, $0x0  }
0x306: {  	s3 =	rddreg [dreg:$0x2];
	[bflag:$0x3] =	sbarrier.arrive $0xFFFF;
	s2 =	simm.s32 @!p0 $0x1C05  }
0x307: {  	[timem:s3], [sflag:s2] =	dma.local @!p0 [hbm:s0], s1  }
0x308: {  	s0 =	simm.s32 @!p0 $0x5  }
0x309: {  	_ =	swait.ge @!p0 [sflag:s0], s1  }
0x30a: {  	s1 =	ssub.s32 @!p0 $0x0, s1;
	[sflag:s0] =	ssyncset.done @!p0 $0x0  }
0x30b: {  	[sflag:s0] =	ssyncadd.s32 @!p0 s1  }
0x30c: {  	[bflag:$0x3] =	sbarrier.arrive $0xFFFF  }
0x30d: {  	_ =	shalt  }

// kernel: kernel.14.cloned.1.call-start
scs
__scs_entry_jumppad:
0x0: {  	(pc) =	sbr.rel $0x88, $3  }
0x1: {  	(tag) =	ssettag $0x0;
	lr =	simm.s32 $0x1  }
0x2: {  	[smem:$0x3F8E] =	sst lr;
	_ =	strace $0xD0000000  }
0x3: {  	_ = 	snop  }
0x4: {  	_ = 	snop  }
0x5: {  	_ = 	snop  }
0x6: {  	_ = 	snop  }
0x7: {  	_ = 	snop  }
__scs_overlays_trampoline_lowered:
0x8: {  	[smem:$0x3F9D] =	sst s0  }
0x9: {  	[smem:$0x3F9E] =	sst s1  }
0xa: {  	[smem:$0x3F9F] =	sst s2  }
0xb: {  	[smem:$0x3FA0] =	sst s3  }
0xc: {  	[smem:$0x3FA1] =	sst s4  }
0xd: {  	[smem:$0x3FA2] =	sst s5  }
0xe: {  	[smem:$0x3FA3] =	sst s6  }
0xf: {  	[smem:$0x3FA4] =	sst s7  }
0x10: {  	[smem:$0x3FA5] =	sst s8  }
0x11: {  	[smem:$0x3FA6] =	sst s9;
	s0 =	simm.s32 @!p0 $0x0  }
0x12: {  	s1 =	sld [smem:$0x3F8C];
	s0 =	simm.s32 @p0 $0x1  }
0x13: {  	[smem:$0x3FA7] =	sst s0;
	s0 =	simm.s32 @!p1 $0x0  }
0x14: {  	s2 =	sld [smem:$0x3F8B];
	s0 =	simm.s32 @p1 $0x1  }
0x15: {  	[smem:$0x3FA8] =	sst s0;
	s0 =	simm.s32 @!p2 $0x0  }
0x16: {  	s3 =	sld [smem:$0x3FDB];
	s0 =	simm.s32 @p2 $0x1  }
0x17: {  	s4 =	simm.s32 $0x1BF5;
	[smem:$0x3FAA] =	sst s0  }
0x18: {  	s0 =	sld [smem:$0x3F8D];
	_ =	swait.ge [sflag:s4], $0x0  }
0x19: {  	s7 =	sld [smem:$0x3F8E]  }
0x1a: {  	s8 =	sadd.s32 $0xFFFFE003, lr  }
0x1b: {  	s9 =	sadd.s32 $0xFFFFFEF7, lr;
	s5 =	simm.s32 $0xFFFFFFFF;
	p2 =	slt.u32 s8, $0xFFFFF086  }
0x1c: {  	p1 =	slt.u32 s9, $0xF7A;
	s5 =	simm.s32 @!p2 $0x0  }
0x1d: {  	s5 =	simm.s32 @p1 $0x1;
	p0 =	seq.s32 s7, s2  }
0x1e: {  	s7 =	smul.u32 @!p0 $0xF7A, s2;
	p2 =	seq.s32 @!p0 s5, $0x0  }
0x1f: {  	s9 =	smul.u32 $0xF7A, s1;
	s8 =	simm.s32 @!p0 $0x1BF5;
	p2 =	por !p2, p0  }
0x20: {  	[sflag:s8] =	ssyncset.s32 @!p0 $0xFFFFF086;
	s6 =	sadd.s32 @!p0 s3, s7;
	s7 =	simm.s32 @!p0 $0x108  }
0x21: {  	s3 =	sadd.s32 s3, s9;
	s6 =	sadd.s32 @!p0 $0x88, s6;
	s7 =	simm.s32 @p2 $0x1082  }
0x22: {  	[simem:s7], [sflag:s8] =	dma.local @!p0 [hbm:s6], $0xF7A  }
0x23: {  	s9 =	sor.u32 $0xD0000000, s2;
	s6 =	simm.s32 $0x108;
	_ =	swait.ge @!p0 [sflag:s8], $0x0  }
0x24: {  	s3 =	sadd.s32 $0x88, s3;
	s6 =	simm.s32 @!p1 $0x1082;
	[sflag:s4] =	ssyncset.s32 $0xFFFFF086  }
0x25: {  	[simem:s6], [sflag:s4] =	dma.local [hbm:s3], $0xF7A  }
0x26: {  	[smem:$0x3F8E] =	sst s1;
	(tag) =	ssettag s2;
	_ =	strace s9  }
0x27: {  	s1 =	sld [smem:$0x3F9E]  }
0x28: {  	s2 =	sld [smem:$0x3F9F]  }
0x29: {  	s4 =	sld [smem:$0x3FA1]  }
0x2a: {  	p0 =	seq.s32 s5, $0x0;
	s5 =	sld [smem:$0x3FA2]  }
0x2b: {  	s6 =	sld [smem:$0x3FA3]  }
0x2c: {  	s7 =	sld [smem:$0x3FA4]  }
0x2d: {  	s3 =	simm.s32 $0x108;
	s8 =	sld [smem:$0x3FA5]  }
0x2e: {  	s3 =	simm.s32 @!p0 $0x1082;
	s9 =	sld [smem:$0x3FA6]  }
0x2f: {  	lr =	sadd.s32 s0, s3;
	s0 =	sld [smem:$0x3F9D]  }
0x30: {  	s3 =	sld [smem:$0x3FA0]  }
0x31: {  	[smem:$0x3FA9] =	sst s10  }
0x32: {  	s10 =	sld [smem:$0x3FA7];
	_ =	sdelay $0x3  }
0x33: {  	p0 =	seq.s32 s10, $0x1;
	s10 =	sld [smem:$0x3FA9];
	_ =	sdelay $0x3  }
0x34: {  	[smem:$0x3FA9] =	sst s10  }
0x35: {  	s10 =	sld [smem:$0x3FA8];
	_ =	sdelay $0x3  }
0x36: {  	p1 =	seq.s32 s10, $0x1;
	s10 =	sld [smem:$0x3FA9];
	_ =	sdelay $0x3  }
0x37: {  	[smem:$0x3FA9] =	sst s10  }
0x38: {  	s10 =	sld [smem:$0x3FAA]  }
0x39: {  	_ = 	snop;
	(pc) =	sbr.ind lr, $3  }
0x3a: {  	_ = 	snop  }
0x3b: {  	_ = 	snop  }
0x3c: {  	p2 =	seq.s32 s10, $0x1;
	s10 =	sld [smem:$0x3FA9]  }
0x3d: {  	_ =	shalt  }
0x3e: {  	_ =	shalt  }
0x3f: {  	_ =	shalt  }
0x40: {  	_ =	shalt  }
0x41: {  	_ =	shalt  }
0x42: {  	_ =	shalt  }
0x43: {  	_ =	shalt  }
0x44: {  	_ =	shalt  }
0x45: {  	_ =	shalt  }
0x46: {  	_ =	shalt  }
0x47: {  	_ =	shalt  }
0x48: {  	_ =	shalt  }
0x49: {  	_ =	shalt  }
0x4a: {  	_ =	shalt  }
0x4b: {  	_ =	shalt  }
0x4c: {  	_ =	shalt  }
0x4d: {  	_ =	shalt  }
0x4e: {  	_ =	shalt  }
0x4f: {  	_ =	shalt  }
0x50: {  	_ =	shalt  }
0x51: {  	_ =	shalt  }
0x52: {  	_ =	shalt  }
0x53: {  	_ =	shalt  }
0x54: {  	_ =	shalt  }
0x55: {  	_ =	shalt  }
0x56: {  	_ =	shalt  }
0x57: {  	_ =	shalt  }
0x58: {  	_ =	shalt  }
0x59: {  	_ =	shalt  }
0x5a: {  	_ =	shalt  }
0x5b: {  	_ =	shalt  }
0x5c: {  	_ =	shalt  }
0x5d: {  	_ =	shalt  }
0x5e: {  	_ =	shalt  }
0x5f: {  	_ =	shalt  }
0x60: {  	_ =	shalt  }
0x61: {  	_ =	shalt  }
0x62: {  	_ =	shalt  }
0x63: {  	_ =	shalt  }
0x64: {  	_ =	shalt  }
0x65: {  	_ =	shalt  }
0x66: {  	_ =	shalt  }
0x67: {  	_ =	shalt  }
0x68: {  	_ =	shalt  }
0x69: {  	_ =	shalt  }
0x6a: {  	_ =	shalt  }
0x6b: {  	_ =	shalt  }
0x6c: {  	_ =	shalt  }
0x6d: {  	_ =	shalt  }
0x6e: {  	_ =	shalt  }
0x6f: {  	_ =	shalt  }
0x70: {  	_ =	shalt  }
0x71: {  	_ =	shalt  }
0x72: {  	_ =	shalt  }
0x73: {  	_ =	shalt  }
0x74: {  	_ =	shalt  }
0x75: {  	_ =	shalt  }
0x76: {  	_ =	shalt  }
0x77: {  	_ =	shalt  }
0x78: {  	_ =	shalt  }
0x79: {  	_ =	shalt  }
0x7a: {  	_ =	shalt  }
0x7b: {  	_ =	shalt  }
0x7c: {  	_ =	shalt  }
0x7d: {  	_ =	shalt  }
0x7e: {  	_ =	shalt  }
0x7f: {  	_ =	shalt  }
0x80: {  	_ =	shalt  }
0x81: {  	_ =	shalt  }
0x82: {  	_ =	shalt  }
0x83: {  	_ =	shalt  }
0x84: {  	_ =	shalt  }
0x85: {  	_ =	shalt  }
0x86: {  	_ =	shalt  }
0x87: {  	_ =	shalt  }
.Lfunc_end0:
.L_simem_size_0:
called_computation.2_lowered:
.L_overlay_start_0:
0x88: {  	s2 =	sld [smem:$0x3FD9]  }
0x89: {  	s3 =	sld [smem:$0x3FFE];
	_ =	sdelay $0x1  }
0x8a: {  	s1 =	srdreg.scid  }
0x8b: {  	s0 =	sand.u32 $0x1, s1  }
0x8c: {  	s14 =	sshll.u32 s0, $0xA;
	s2 =	sadd.s32 s3, s2  }
0x8d: {  	s2 =	sadd.s32 s2, s14  }
0x8e: {  	[smem:$0x3FB5] =	sst s2  }
0x8f: {  	_ = 	snop  }
0x90: {  	s2 =	sld [smem:$0x3FD0];
	_ =	sdelay $0x2  }
0x91: {  	s15 =	simm.s32 $0xA;
	s4 =	simm.s32 $0x10  }
0x92: {  	[smem:s4], [sflag:s15] =	dma.local [hbm:s2], $0x1  }
0x93: {  	_ =	swait.eq [sflag:s15], $0x1  }
0x94: {  	[sflag:s15] =	ssyncset.done $0x0  }
0x95: {  	[sflag:s15] =	ssyncadd.s32 $0xFFFFFFFF  }
0x96: {  	s16 =	sld [smem:$0x10];
	(tm) =	ssettm $0x1  }
0x97: {  	s17 =	sld [smem:$0x3FFB];
	_ =	sdelay $0x3  }
0x98: {  	_ =	strace s17  }
0x99: {  	s3 =	sld [smem:$0x3FFC];
	_ =	sdelay $0x3  }
0x9a: {  	_ =	strace s3  }
0x9b: {  	s3 =	sld [smem:$0x3FFD];
	_ =	sdelay $0x3  }
0x9c: {  	_ =	strace s3  }
0x9d: {  	_ =	strace $0x8FFFFFFF  }
0x9e: {  	s18 =	sld [smem:$0x3FDB];
	_ =	sdelay $0x1  }
0x9f: {  	s19 =	simm.s32 $_scs_section_size  }
0xa0: {  	s5 =	simm.s32 $_size__tile_overlayer_lowered;
	s6 =	simm.s32 $_tile_overlayer_lowered  }
0xa1: {  	s22 =	simm.s32 $0x1BFF;
	s21 =	sshll.u32 s6, $0x1;
	s3 =	sadd.s32 s19, s18  }
0xa2: {  	s7 =	simm.s32 $0x0;
	s20 =	sshll.u32 s5, $0x1;
	s5 =	sadd.s32 s21, s3  }
0xa3: {  	[timem:s7], [sflag:s22] =	dma.local [hbm:s5], s20  }
0xa4: {  	_ =	swait.ge [sflag:s22], s20  }
0xa5: {  	s4 =	ssub.s32 $0x0, s20;
	[sflag:s22] =	ssyncset.done $0x0  }
0xa6: {  	[sflag:s22] =	ssyncadd.s32 s4;
	_ =	sdelay $0x1  }
0xa7: {  	s23 =	simm.s32 $0x1B8B  }
0xa8: {  	_ =	swait.ge [sflag:s23], $0x1  }
0xa9: {  	[sflag:s23] =	ssyncset.done $0x0  }
0xaa: {  	s25 =	simm.s32 $0x1B8E;
	s24 =	sld [smem:$0x3FFE];
	[sflag:s23] =	ssyncadd.s32 $0xFFFFFFFF  }
0xab: {  	s26 =	simm.s32 $execute0_lowered;
	[smem:$0x3FD2] =	sst s25  }
0xac: {  	s5 =	sshll.u32 s26, $0x1;
	_ =	strace $0x8000004C;
	[dreg:$0x1] =	wrdreg $0xFFFFFFFF  }
0xad: {  	s28 =	simm.s32 $_size_execute0_lowered;
	s3 =	sadd.s32 s3, s5;
	[dreg:$0x0] =	wrdreg $0x0  }
0xae: {  	s5 =	sshll.u32 s28, $0x1;
	[dreg:$0x2] =	wrdreg s3  }
0xaf: {  	[dreg:$0x3] =	wrdreg s5  }
0xb0: {  	[dreg:$0x4] =	wrdreg $0xC0  }
0xb1: {  	_ =	task [dreg:s7], $0x5FFFF  }
0xb2: {  	[dreg:$0x1] =	wrdreg $0xFFFFFFFF  }
0xb3: {  	[dreg:$0x0] =	wrdreg $0x60  }
0xb4: {  	[dreg:$0x2] =	wrdreg s24  }
0xb5: {  	[dreg:$0x3] =	wrdreg s16  }
0xb6: {  	[dreg:$0x4] =	wrdreg $0x90000  }
0xb7: {  	[dreg:$0x5] =	wrdreg $0x9  }
0xb8: {  	_ =	task.clear_ibuf [dreg:s7], $0x6FFFF;
	_ =	strace $0x9000004C  }
0xb9: {  	s29 =	simm.s32 $0x9;
	_ =	strace $0x8000004E  }
0xba: {  	_ =	swait.ge [sflag:s29], $0x1  }
0xbb: {  	[sflag:s29] =	ssyncadd.s32 $0xFFFFFFFF  }
0xbc: {  	_ =	strace $0x9000004E  }
0xbd: {  	_ =	sfence  }
0xbe: {  	s30 =	sld [smem:$0x0];
	_ =	sdelay $0x2  }
0xbf: {  	s31 =	sshll.u32 s1, $0xD;
	s1 =	sshrl.u32 s1, $0x2  }
0xc0: {  	s3 =	sand.u32 $0x4000, s31;
	s1 =	sadd.s32 s1, s30  }
0xc1: {  	s0 =	sor.u32 s3, s0;
	s1 =	sshll.u32 s1, $0x11  }
0xc2: {  	s0 =	sor.u32 s1, s0  }
0xc3: {  	s0 =	sadd.s32 $0x8F2B, s0  }
0xc4: {  	[sflag:s0] =	ssyncadd.remote.s32 $0x1  }
0xc5: {  	_ =	sfence.sel $0xFFFF  }
0xc6: {  	[dreg:$0x0] =	wrdreg $0xFFFFFFFF;
	(pc) =	sbr.abs _section_cstart, $3  }
0xc7: {  	[dreg:$0x1] =	wrdreg $0xFFFFFFFF  }
0xc8: {  	_ =	task.clear_ibuf [dreg:s7], $0x2FFFF;
	_ =	strace $0x9FFFFFFF  }
0xc9: {  	(tm) =	ssettm $0x7FFFFFFF  }
tec
execute0_lowered:
.L_overlay_start_1:
0x0: {  	(tag) =	ssettag $0x1  }
0x1: {  	s0 =	rddreg [dreg:$0x0]  }
0x2: {  	s2 =	rddreg [dreg:$0x1]  }
0x3: {  	s1 =	rddreg [dreg:$0x2]  }
0x4: {  	s3 =	simm.s32 $0x0;
	s4 =	srdreg.scid;
	s14 =	stileid.u32  }
0x5: {  	s18 =	simm.s32 $0x5;
	s19 =	simm.s32 $0x800;
	s24 =	simm.s32 $0x6800  }
0x6: {  	s25 =	simm.s32 $0x1;
	s28 =	simm.s32 $0x2;
	s31 =	simm.s32 $0x3  }
0x7: {  	s30 =	simm.s32 $0x640;
	s23 =	simm.s32 $0x0;
	[smem:$0x7FF] =	sst s3  }
0x8: {  	s3 =	sadd.s32 $0x3800, s0;
	s4 =	sand.u32 $0x1, s4;
	s8 =	smul.u32 $0x4E000, s14  }
0x9: {  	s5 =	sadd.s32 $0xD600, s0;
	s6 =	sadd.s32 $0x6F800, s0;
	s10 =	smul.u32 $0x13800, s14  }
0xa: {  	s0 =	sadd.s32 $0x21600, s0;
	s11 =	sshll.u32 s14, $0x6;
	s12 =	smul.u32 $0xA, s14  }
0xb: {  	p0 =	sne.s32 s14, $0x0;
	_ =	strace $0x8000004D;
	s16 =	smul.u32 $0x138800, s4  }
0xc: {  	[dreg:$0x4] =	wrdreg s11;
	s15 =	sor.u32 $0x1C04, s11;
	s11 =	smul.u32 $0x4E20, s14  }
0xd: {  	s7 =	ssub.s32 $0x2, s4;
	s17 =	smul.u32 $0x2710, s4;
	s14 =	simm.s32 $0x730  }
0xe: {  	[dreg:$0xd] =	wrdreg s23;
	s9 =	sshrl.u32 s7, $0x1;
	s8 =	sshrl.u32 s8, $0x2  }
0xf: {  	s13 =	sshrl.u32 s10, $0x3;
	[dreg:$0x6] =	wrdreg s15;
	s15 =	simm.s32 $0x1280  }
0x10: {  	s7 =	ssub.s32 s7, s9;
	s8 =	sadd.s32 s8, s1;
	s9 =	sadd.s32 s2, s13  }
0x11: {  	s13 =	sadd.s32 $0x138000, s1;
	s2 =	sadd.s32 $0x27000, s2;
	[dreg:$0x5] =	wrdreg s9  }
0x12: {  	s10 =	sadd.s32 s10, s16;
	v0 =	vmov s17;
	s17 =	simm.s32 $0x1380;
	[dreg:$0x7] =	wrdreg s2  }
0x13: {  	s9 =	sshrl.u32 s16, $0x3;
	s20 =	sshrl.u32 s10, $0x3;
	s22 =	smax.u32 s7, $0x1  }
0x14: {  	s26 =	sshrl.u32 s8, $0x3;
	s29 =	sshrl.u32 @!p0 s13, $0x3;
	s8 =	simm.s32 $0x690  }
0x15: {  	s10 =	simm.s32 $0x1180;
	s7 =	simm.s32 $0x6E0;
	s13 =	simm.s32 $0x1200  }
0x16: {  	s16 =	simm.s32 $0x1300;
	s2 =	simm.s32 $0x1400;
	[dreg:$0xa] =	wrdreg s22  }
0x17: {  	s9 =	sadd.s32 s0, s9;
	s0 =	sadd.s32 s0, s20;
	[dreg:$0xb] =	wrdreg s26  }
0x18: {  	s20 =	simm.s32 $0x50;
	s22 =	simm.s32 $0x4000;
	[dreg:$0xc] =	wrdreg s29  }
0x19: {  	[dreg:$0x8] =	wrdreg s0;
	s21 =	sadd.s32 $0x27000, s9;
	s0 =	simm.s32 $0x1100  }
0x1a: {  	s9 =	simm.s32 $0x780;
	[dreg:$0x9] =	wrdreg s21;
	s21 =	simm.s32 $0x1800  }
.LBB2_1:
0x1b: {  	s4 =	rddreg [dreg:$0x5]  }
0x1c: {  	s23 =	rddreg [dreg:$0x6]  }
0x1d: {  	[spmem:s26], [sflag:s23] =	dma.local [hbm:s4], $0x2700  }
0x1e: {  	s4 =	rddreg [dreg:$0x7]  }
0x1f: {  	[spmem:s29], [sflag:s23] =	dma.local @!p0 [hbm:s4], $0x100  }
0x20: {  	s4 =	simm.s32 $0x0;
	s29 =	simm.s32 $0xA0  }
.LBB2_2:
0x21: {  	s23 =	smul.u32 $0x7D0, s4;
	_ =	sdelay $0x1  }
0x22: {  	s23 =	sadd.s32 s11, s23  }
0x23: {  	s23 =	sshrl.u32 s23, $0x3  }
0x24: {  	s26 =	simm.s32 $0x0;
	s23 =	sadd.s32 s3, s23  }
0x25: {  	[tilespmem:s26], [sflag:$0x5] =	stream.linear.gather [hbm4b:s23+s26], $0x7D0, $0x38;
	[tilespmem:$0x1C880] =	vst v63  }
0x26: {  	s23 =	sadd.s32 s12, s4;
	_ =	swait.ge [sflag:s18], $0x7D0  }
0x27: {  	s23 =	sshll.u32 s23, $0x9;
	[sflag:s18] =	ssyncset.done $0x0  }
0x28: {  	s23 =	sadd.s32 s5, s23;
	[sflag:s18] =	ssyncadd.s32 $0xFFFFF830  }
0x29: {  	[tilespmem:s19], [sflag:$0x5] =	stream.linear.gather [hbm4b:s23+s26], $0xC80, $0x38;
	[tilespmem:$0x1C880] =	vst v63  }
0x2a: {  	_ =	swait.ge [sflag:s18], $0xC80  }
0x2b: {  	[sflag:s18] =	ssyncset.done $0x0  }
0x2c: {  	s23 =	simm.s32 $0x0;
	s26 =	simm.s32 $0x40;
	[sflag:s18] =	ssyncadd.s32 $0xFFFFF380  }
.LBB2_3:
0x2d: {  	p1 =	sne.s32 s26, $0x1F00;
	v1 =	vld [tilespmem:s23+$0x0];
	_ =	sdelay $0x1  }
.Ltmp0:
0x2e: {  	(pc) =	sbr.rel @p1 .LBB2_3-.Ltmp0, $3  }
0x2f: {  	_ =	sdelay $0x1  }
0x30: {  	v1 =	vadd.s32 v0, v1  }
0x31: {  	[tilespmem:s23+$0x0] =	vst v1;
	s23 =	sshra.s32 s26, $0x2;
	s26 =	sadd.s32 $0x40, s26  }
0x32: {  	v1 =	vld [tilespmem:s23+$0x0];
	_ =	sdelay $0x4  }
0x33: {  	v1 =	vadd.s32 v0, v1  }
0x34: {  	s26 =	simm.s32 $0x0;
	[tilespmem:s23+$0x0] =	vst v1  }
0x35: {  	[tilespmem:s21], [sflag:$0x1] =	stream.indirect.gather [hbm4b:s6+s20], $0x80, s26, s20, $0xb8;
	[tilespmem:$0x1C880] =	vst v63  }
0x36: {  	p1 =	sne.s32 s4, $0x0  }
0x37: {  	[tilespmem:s22], [sflag:$0x2] =	stream.indirect.gather [hbm4b:s6+s20], $0x80, s20, s20, $0xb8;
	[tilespmem:$0x1C880] =	vst v63  }
0x38: {  	s23 =	simm.s32 @!p1 $0x4;
	s26 =	stileid.u32  }
0x39: {  	[tilespmem:s24], [sflag:$0x3] =	stream.indirect.gather [hbm4b:s6+s20], $0x80, s29, s20, $0xb8;
	[tilespmem:$0x1C880] =	vst v63  }
0x3a: {  	p2 =	sne.s32 @!p1 s26, $0x0;
	_ =	swait.ge @!p1 [sflag:s23], $0x2700  }
0x3b: {  	p2 =	por p2, p1;
	[sflag:s23] =	ssyncset.done @!p1 $0x0  }
0x3c: {  	[sflag:s23] =	ssyncadd.s32 @!p1 $0xFFFFD900;
	s23 =	simm.s32 @!p2 $0x4  }
0x3d: {  	_ =	swait.ge @!p2 [sflag:s23], $0x100  }
0x3e: {  	[sflag:s23] =	ssyncset.done @!p2 $0x0  }
0x3f: {  	[sflag:s23] =	ssyncadd.s32 @!p2 $0xFFFFFF00  }
0x40: {  	[bflag:$0x0] =	sbarrier.arrive @!p1 $0xFFFF  }
0x41: {  	_ =	swait.ge [sflag:s25], $0x2800  }
0x42: {  	[sflag:s25] =	ssyncset.done $0x0  }
0x43: {  	[sflag:s25] =	ssyncadd.s32 $0xFFFFD800  }
0x44: {  	[spmem:s1] =	stream.indirect.scatter.add.f32 [tilespmem:s21], [sflag:$0x5], $0x80, s19, s20, $0xb8;
	[tilespmem:$0x1C880] =	vst v63  }
0x45: {  	_ =	swait.ge [sflag:s18], $0x2800  }
0x46: {  	[sflag:s18] =	ssyncset.done $0x0  }
0x47: {  	s26 =	simm.s32 $0xF0;
	[sflag:s18] =	ssyncadd.s32 $0xFFFFD800  }
0x48: {  	[tilespmem:s21], [sflag:$0x1] =	stream.indirect.gather [hbm4b:s6+s20], $0x80, s26, s20, $0xb8;
	[tilespmem:$0x1C880] =	vst v63  }
0x49: {  	_ =	swait.ge [sflag:s28], $0x2800  }
0x4a: {  	[sflag:s28] =	ssyncset.done $0x0  }
0x4b: {  	s26 =	simm.s32 $0x880;
	[sflag:s28] =	ssyncadd.s32 $0xFFFFD800  }
0x4c: {  	[spmem:s1] =	stream.indirect.scatter.add.f32 [tilespmem:s22], [sflag:$0x5], $0x80, s26, s20, $0xb8;
	[tilespmem:$0x1C880] =	vst v63  }
0x4d: {  	_ =	swait.ge [sflag:s18], $0x2800  }
0x4e: {  	[sflag:s18] =	ssyncset.done $0x0  }
0x4f: {  	s26 =	simm.s32 $0x140;
	[sflag:s18] =	ssyncadd.s32 $0xFFFFD800  }
0x50: {  	[tilespmem:s22], [sflag:$0x2] =	stream.indirect.gather [hbm4b:s6+s20], $0x80, s26, s20, $0xb8;
	[tilespmem:$0x1C880] =	vst v63  }
0x51: {  	_ =	swait.ge [sflag:s31], $0x2800  }
0x52: {  	[sflag:s31] =	ssyncset.done $0x0  }
0x53: {  	s26 =	simm.s32 $0x900;
	[sflag:s31] =	ssyncadd.s32 $0xFFFFD800  }
0x54: {  	[spmem:s1] =	stream.indirect.scatter.add.f32 [tilespmem:s24], [sflag:$0x5], $0x80, s26, s20, $0xb8;
	[tilespmem:$0x1C880] =	vst v63  }
0x55: {  	_ =	swait.ge [sflag:s18], $0x2800  }
0x56: {  	[sflag:s18] =	ssyncset.done $0x0  }
0x57: {  	s26 =	simm.s32 $0x190;
	[sflag:s18] =	ssyncadd.s32 $0xFFFFD800  }
0x58: {  	[tilespmem:s24], [sflag:$0x3] =	stream.indirect.gather [hbm4b:s6+s20], $0x80, s26, s20, $0xb8;
	[tilespmem:$0x1C880] =	vst v63  }
0x59: {  	_ =	swait.ge [sflag:s25], $0x2800  }
0x5a: {  	[sflag:s25] =	ssyncset.done $0x0  }
0x5b: {  	s26 =	simm.s32 $0x980;
	[sflag:s25] =	ssyncadd.s32 $0xFFFFD800  }
0x5c: {  	[spmem:s1] =	stream.indirect.scatter.add.f32 [tilespmem:s21], [sflag:$0x5], $0x80, s26, s20, $0xb8;
	[tilespmem:$0x1C880] =	vst v63  }
0x5d: {  	_ =	swait.ge [sflag:s18], $0x2800  }
0x5e: {  	[sflag:s18] =	ssyncset.done $0x0  }
0x5f: {  	s26 =	simm.s32 $0x1E0;
	[sflag:s18] =	ssyncadd.s32 $0xFFFFD800  }
0x60: {  	[tilespmem:s21], [sflag:$0x1] =	stream.indirect.gather [hbm4b:s6+s20], $0x80, s26, s20, $0xb8;
	[tilespmem:$0x1C880] =	vst v63  }
0x61: {  	_ =	swait.ge [sflag:s28], $0x2800  }
0x62: {  	[sflag:s28] =	ssyncset.done $0x0  }
0x63: {  	s26 =	simm.s32 $0xA00;
	[sflag:s28] =	ssyncadd.s32 $0xFFFFD800  }
0x64: {  	[spmem:s1] =	stream.indirect.scatter.add.f32 [tilespmem:s22], [sflag:$0x5], $0x80, s26, s20, $0xb8;
	[tilespmem:$0x1C880] =	vst v63  }
0x65: {  	_ =	swait.ge [sflag:s18], $0x2800  }
0x66: {  	[sflag:s18] =	ssyncset.done $0x0  }
0x67: {  	s26 =	simm.s32 $0x230;
	[sflag:s18] =	ssyncadd.s32 $0xFFFFD800  }
0x68: {  	[tilespmem:s22], [sflag:$0x2] =	stream.indirect.gather [hbm4b:s6+s20], $0x80, s26, s20, $0xb8;
	[tilespmem:$0x1C880] =	vst v63  }
0x69: {  	_ =	swait.ge [sflag:s31], $0x2800  }
0x6a: {  	[sflag:s31] =	ssyncset.done $0x0  }
0x6b: {  	s26 =	simm.s32 $0xA80;
	[sflag:s31] =	ssyncadd.s32 $0xFFFFD800  }
0x6c: {  	[spmem:s1] =	stream.indirect.scatter.add.f32 [tilespmem:s24], [sflag:$0x5], $0x80, s26, s20, $0xb8;
	[tilespmem:$0x1C880] =	vst v63  }
0x6d: {  	_ =	swait.ge [sflag:s18], $0x2800  }
0x6e: {  	[sflag:s18] =	ssyncset.done $0x0  }
0x6f: {  	s26 =	simm.s32 $0x280;
	[sflag:s18] =	ssyncadd.s32 $0xFFFFD800  }
0x70: {  	[tilespmem:s24], [sflag:$0x3] =	stream.indirect.gather [hbm4b:s6+s20], $0x80, s26, s20, $0xb8;
	[tilespmem:$0x1C880] =	vst v63  }
0x71: {  	_ =	swait.ge [sflag:s25], $0x2800  }
0x72: {  	[sflag:s25] =	ssyncset.done $0x0  }
0x73: {  	s26 =	simm.s32 $0xB00;
	[sflag:s25] =	ssyncadd.s32 $0xFFFFD800  }
0x74: {  	[spmem:s1] =	stream.indirect.scatter.add.f32 [tilespmem:s21], [sflag:$0x5], $0x80, s26, s20, $0xb8;
	[tilespmem:$0x1C880] =	vst v63  }
0x75: {  	_ =	swait.ge [sflag:s18], $0x2800  }
0x76: {  	[sflag:s18] =	ssyncset.done $0x0  }
0x77: {  	s26 =	simm.s32 $0x2D0;
	[sflag:s18] =	ssyncadd.s32 $0xFFFFD800  }
0x78: {  	[tilespmem:s21], [sflag:$0x1] =	stream.indirect.gather [hbm4b:s6+s20], $0x80, s26, s20, $0xb8;
	[tilespmem:$0x1C880] =	vst v63  }
0x79: {  	_ =	swait.ge [sflag:s28], $0x2800  }
0x7a: {  	[sflag:s28] =	ssyncset.done $0x0  }
0x7b: {  	s26 =	simm.s32 $0xB80;
	[sflag:s28] =	ssyncadd.s32 $0xFFFFD800  }
0x7c: {  	[spmem:s1] =	stream.indirect.scatter.add.f32 [tilespmem:s22], [sflag:$0x5], $0x80, s26, s20, $0xb8;
	[tilespmem:$0x1C880] =	vst v63  }
0x7d: {  	_ =	swait.ge [sflag:s18], $0x2800  }
0x7e: {  	[sflag:s18] =	ssyncset.done $0x0  }
0x7f: {  	s26 =	simm.s32 $0x320;
	[sflag:s18] =	ssyncadd.s32 $0xFFFFD800  }
0x80: {  	[tilespmem:s22], [sflag:$0x2] =	stream.indirect.gather [hbm4b:s6+s20], $0x80, s26, s20, $0xb8;
	[tilespmem:$0x1C880] =	vst v63  }
0x81: {  	_ =	swait.ge [sflag:s31], $0x2800  }
0x82: {  	[sflag:s31] =	ssyncset.done $0x0  }
0x83: {  	s26 =	simm.s32 $0xC00;
	[sflag:s31] =	ssyncadd.s32 $0xFFFFD800  }
0x84: {  	[spmem:s1] =	stream.indirect.scatter.add.f32 [tilespmem:s24], [sflag:$0x5], $0x80, s26, s20, $0xb8;
	[tilespmem:$0x1C880] =	vst v63  }
0x85: {  	_ =	swait.ge [sflag:s18], $0x2800  }
0x86: {  	[sflag:s18] =	ssyncset.done $0x0  }
0x87: {  	s26 =	simm.s32 $0x370;
	[sflag:s18] =	ssyncadd.s32 $0xFFFFD800  }
0x88: {  	[tilespmem:s24], [sflag:$0x3] =	stream.indirect.gather [hbm4b:s6+s20], $0x80, s26, s20, $0xb8;
	[tilespmem:$0x1C880] =	vst v63  }
0x89: {  	_ =	swait.ge [sflag:s25], $0x2800  }
0x8a: {  	[sflag:s25] =	ssyncset.done $0x0  }
0x8b: {  	s26 =	simm.s32 $0xC80;
	[sflag:s25] =	ssyncadd.s32 $0xFFFFD800  }
0x8c: {  	[spmem:s1] =	stream.indirect.scatter.add.f32 [tilespmem:s21], [sflag:$0x5], $0x80, s26, s20, $0xb8;
	[tilespmem:$0x1C880] =	vst v63  }
0x8d: {  	_ =	swait.ge [sflag:s18], $0x2800  }
0x8e: {  	[sflag:s18] =	ssyncset.done $0x0  }
0x8f: {  	s26 =	simm.s32 $0x3C0;
	[sflag:s18] =	ssyncadd.s32 $0xFFFFD800  }
0x90: {  	[tilespmem:s21], [sflag:$0x1] =	stream.indirect.gather [hbm4b:s6+s20], $0x80, s26, s20, $0xb8;
	[tilespmem:$0x1C880] =	vst v63  }
0x91: {  	_ =	swait.ge [sflag:s28], $0x2800  }
0x92: {  	[sflag:s28] =	ssyncset.done $0x0  }
0x93: {  	s26 =	simm.s32 $0xD00;
	[sflag:s28] =	ssyncadd.s32 $0xFFFFD800  }
0x94: {  	[spmem:s1] =	stream.indirect.scatter.add.f32 [tilespmem:s22], [sflag:$0x5], $0x80, s26, s20, $0xb8;
	[tilespmem:$0x1C880] =	vst v63  }
0x95: {  	_ =	swait.ge [sflag:s18], $0x2800  }
0x96: {  	[sflag:s18] =	ssyncset.done $0x0  }
0x97: {  	s26 =	simm.s32 $0x410;
	[sflag:s18] =	ssyncadd.s32 $0xFFFFD800  }
0x98: {  	[tilespmem:s22], [sflag:$0x2] =	stream.indirect.gather [hbm4b:s6+s20], $0x80, s26, s20, $0xb8;
	[tilespmem:$0x1C880] =	vst v63  }
0x99: {  	_ =	swait.ge [sflag:s31], $0x2800  }
0x9a: {  	[sflag:s31] =	ssyncset.done $0x0  }
0x9b: {  	s26 =	simm.s32 $0xD80;
	[sflag:s31] =	ssyncadd.s32 $0xFFFFD800  }
0x9c: {  	[spmem:s1] =	stream.indirect.scatter.add.f32 [tilespmem:s24], [sflag:$0x5], $0x80, s26, s20, $0xb8;
	[tilespmem:$0x1C880] =	vst v63  }
0x9d: {  	_ =	swait.ge [sflag:s18], $0x2800  }
0x9e: {  	[sflag:s18] =	ssyncset.done $0x0  }
0x9f: {  	s26 =	simm.s32 $0x460;
	[sflag:s18] =	ssyncadd.s32 $0xFFFFD800  }
0xa0: {  	[tilespmem:s24], [sflag:$0x3] =	stream.indirect.gather [hbm4b:s6+s20], $0x80, s26, s20, $0xb8;
	[tilespmem:$0x1C880] =	vst v63  }
0xa1: {  	_ =	swait.ge [sflag:s25], $0x2800  }
0xa2: {  	[sflag:s25] =	ssyncset.done $0x0  }
0xa3: {  	s26 =	simm.s32 $0xE00;
	[sflag:s25] =	ssyncadd.s32 $0xFFFFD800  }
0xa4: {  	[spmem:s1] =	stream.indirect.scatter.add.f32 [tilespmem:s21], [sflag:$0x5], $0x80, s26, s20, $0xb8;
	[tilespmem:$0x1C880] =	vst v63  }
0xa5: {  	_ =	swait.ge [sflag:s18], $0x2800  }
0xa6: {  	[sflag:s18] =	ssyncset.done $0x0  }
0xa7: {  	s26 =	simm.s32 $0x4B0;
	[sflag:s18] =	ssyncadd.s32 $0xFFFFD800  }
0xa8: {  	[tilespmem:s21], [sflag:$0x1] =	stream.indirect.gather [hbm4b:s6+s20], $0x80, s26, s20, $0xb8;
	[tilespmem:$0x1C880] =	vst v63  }
0xa9: {  	_ =	swait.ge [sflag:s28], $0x2800  }
0xaa: {  	[sflag:s28] =	ssyncset.done $0x0  }
0xab: {  	s26 =	simm.s32 $0xE80;
	[sflag:s28] =	ssyncadd.s32 $0xFFFFD800  }
0xac: {  	[spmem:s1] =	stream.indirect.scatter.add.f32 [tilespmem:s22], [sflag:$0x5], $0x80, s26, s20, $0xb8;
	[tilespmem:$0x1C880] =	vst v63  }
0xad: {  	_ =	swait.ge [sflag:s18], $0x2800  }
0xae: {  	[sflag:s18] =	ssyncset.done $0x0  }
0xaf: {  	s26 =	simm.s32 $0x500;
	[sflag:s18] =	ssyncadd.s32 $0xFFFFD800  }
0xb0: {  	[tilespmem:s22], [sflag:$0x2] =	stream.indirect.gather [hbm4b:s6+s20], $0x80, s26, s20, $0xb8;
	[tilespmem:$0x1C880] =	vst v63  }
0xb1: {  	_ =	swait.ge [sflag:s31], $0x2800  }
0xb2: {  	[sflag:s31] =	ssyncset.done $0x0  }
0xb3: {  	s26 =	simm.s32 $0xF00;
	[sflag:s31] =	ssyncadd.s32 $0xFFFFD800  }
0xb4: {  	[spmem:s1] =	stream.indirect.scatter.add.f32 [tilespmem:s24], [sflag:$0x5], $0x80, s26, s20, $0xb8;
	[tilespmem:$0x1C880] =	vst v63  }
0xb5: {  	_ =	swait.ge [sflag:s18], $0x2800  }
0xb6: {  	[sflag:s18] =	ssyncset.done $0x0  }
0xb7: {  	s26 =	simm.s32 $0x550;
	[sflag:s18] =	ssyncadd.s32 $0xFFFFD800  }
0xb8: {  	[tilespmem:s24], [sflag:$0x3] =	stream.indirect.gather [hbm4b:s6+s20], $0x80, s26, s20, $0xb8;
	[tilespmem:$0x1C880] =	vst v63  }
0xb9: {  	_ =	swait.ge [sflag:s25], $0x2800  }
0xba: {  	[sflag:s25] =	ssyncset.done $0x0  }
0xbb: {  	s26 =	simm.s32 $0xF80;
	[sflag:s25] =	ssyncadd.s32 $0xFFFFD800  }
0xbc: {  	[spmem:s1] =	stream.indirect.scatter.add.f32 [tilespmem:s21], [sflag:$0x5], $0x80, s26, s20, $0xb8;
	[tilespmem:$0x1C880] =	vst v63  }
0xbd: {  	_ =	swait.ge [sflag:s18], $0x2800  }
0xbe: {  	[sflag:s18] =	ssyncset.done $0x0  }
0xbf: {  	s26 =	simm.s32 $0x5A0;
	[sflag:s18] =	ssyncadd.s32 $0xFFFFD800  }
0xc0: {  	[tilespmem:s21], [sflag:$0x1] =	stream.indirect.gather [hbm4b:s6+s20], $0x80, s26, s20, $0xb8;
	[tilespmem:$0x1C880] =	vst v63  }
0xc1: {  	_ =	swait.ge [sflag:s28], $0x2800  }
0xc2: {  	[sflag:s28] =	ssyncset.done $0x0  }
0xc3: {  	s26 =	simm.s32 $0x1000;
	[sflag:s28] =	ssyncadd.s32 $0xFFFFD800  }
0xc4: {  	[spmem:s1] =	stream.indirect.scatter.add.f32 [tilespmem:s22], [sflag:$0x5], $0x80, s26, s20, $0xb8;
	[tilespmem:$0x1C880] =	vst v63  }
0xc5: {  	_ =	swait.ge [sflag:s18], $0x2800  }
0xc6: {  	[sflag:s18] =	ssyncset.done $0x0  }
0xc7: {  	s26 =	simm.s32 $0x5F0;
	[sflag:s18] =	ssyncadd.s32 $0xFFFFD800  }
0xc8: {  	[tilespmem:s22], [sflag:$0x2] =	stream.indirect.gather [hbm4b:s6+s20], $0x80, s26, s20, $0xb8;
	[tilespmem:$0x1C880] =	vst v63  }
0xc9: {  	_ =	swait.ge [sflag:s31], $0x2800  }
0xca: {  	[sflag:s31] =	ssyncset.done $0x0  }
0xcb: {  	s26 =	simm.s32 $0x1080;
	[sflag:s31] =	ssyncadd.s32 $0xFFFFD800  }
0xcc: {  	[spmem:s1] =	stream.indirect.scatter.add.f32 [tilespmem:s24], [sflag:$0x5], $0x80, s26, s20, $0xb8;
	[tilespmem:$0x1C880] =	vst v63  }
0xcd: {  	_ =	swait.ge [sflag:s18], $0x2800  }
0xce: {  	[sflag:s18] =	ssyncset.done $0x0  }
0xcf: {  	[sflag:s18] =	ssyncadd.s32 $0xFFFFD800  }
0xd0: {  	[tilespmem:s24], [sflag:$0x3] =	stream.indirect.gather [hbm4b:s6+s20], $0x80, s30, s20, $0xb8;
	[tilespmem:$0x1C880] =	vst v63  }
0xd1: {  	_ =	swait.ge [sflag:s25], $0x2800  }
0xd2: {  	[sflag:s25] =	ssyncset.done $0x0  }
0xd3: {  	[sflag:s25] =	ssyncadd.s32 $0xFFFFD800  }
0xd4: {  	[spmem:s1] =	stream.indirect.scatter.add.f32 [tilespmem:s21], [sflag:$0x5], $0x80, s0, s20, $0xb8;
	[tilespmem:$0x1C880] =	vst v63  }
0xd5: {  	_ =	swait.ge [sflag:s18], $0x2800  }
0xd6: {  	[sflag:s18] =	ssyncset.done $0x0  }
0xd7: {  	[sflag:s18] =	ssyncadd.s32 $0xFFFFD800  }
0xd8: {  	[tilespmem:s21], [sflag:$0x1] =	stream.indirect.gather [hbm4b:s6+s20], $0x80, s8, s20, $0xb8;
	[tilespmem:$0x1C880] =	vst v63  }
0xd9: {  	_ =	swait.ge [sflag:s28], $0x2800  }
0xda: {  	[sflag:s28] =	ssyncset.done $0x0  }
0xdb: {  	[sflag:s28] =	ssyncadd.s32 $0xFFFFD800  }
0xdc: {  	[spmem:s1] =	stream.indirect.scatter.add.f32 [tilespmem:s22], [sflag:$0x5], $0x80, s10, s20, $0xb8;
	[tilespmem:$0x1C880] =	vst v63  }
0xdd: {  	_ =	swait.ge [sflag:s18], $0x2800  }
0xde: {  	[sflag:s18] =	ssyncset.done $0x0  }
0xdf: {  	[sflag:s18] =	ssyncadd.s32 $0xFFFFD800  }
0xe0: {  	[tilespmem:s22], [sflag:$0x2] =	stream.indirect.gather [hbm4b:s6+s20], $0x80, s7, s20, $0xb8;
	[tilespmem:$0x1C880] =	vst v63  }
0xe1: {  	_ =	swait.ge [sflag:s31], $0x2800  }
0xe2: {  	[sflag:s31] =	ssyncset.done $0x0  }
0xe3: {  	[sflag:s31] =	ssyncadd.s32 $0xFFFFD800  }
0xe4: {  	[spmem:s1] =	stream.indirect.scatter.add.f32 [tilespmem:s24], [sflag:$0x5], $0x80, s13, s20, $0xb8;
	[tilespmem:$0x1C880] =	vst v63  }
0xe5: {  	_ =	swait.ge [sflag:s18], $0x2800  }
0xe6: {  	[sflag:s18] =	ssyncset.done $0x0  }
0xe7: {  	[sflag:s18] =	ssyncadd.s32 $0xFFFFD800  }
0xe8: {  	[tilespmem:s24], [sflag:$0x3] =	stream.indirect.gather [hbm4b:s6+s20], $0x80, s14, s20, $0xb8;
	[tilespmem:$0x1C880] =	vst v63  }
0xe9: {  	_ =	swait.ge [sflag:s25], $0x2800  }
0xea: {  	[sflag:s25] =	ssyncset.done $0x0  }
0xeb: {  	[sflag:s25] =	ssyncadd.s32 $0xFFFFD800  }
0xec: {  	[spmem:s1] =	stream.indirect.scatter.add.f32 [tilespmem:s21], [sflag:$0x5], $0x80, s15, s20, $0xb8;
	[tilespmem:$0x1C880] =	vst v63  }
0xed: {  	_ =	swait.ge [sflag:s18], $0x2800  }
0xee: {  	[sflag:s18] =	ssyncset.done $0x0  }
0xef: {  	[sflag:s18] =	ssyncadd.s32 $0xFFFFD800  }
0xf0: {  	[tilespmem:s21], [sflag:$0x1] =	stream.indirect.gather [hbm4b:s6+s20], $0x80, s9, s20, $0xb8;
	[tilespmem:$0x1C880] =	vst v63  }
0xf1: {  	_ =	swait.ge [sflag:s28], $0x2800  }
0xf2: {  	[sflag:s28] =	ssyncset.done $0x0  }
0xf3: {  	[sflag:s28] =	ssyncadd.s32 $0xFFFFD800  }
0xf4: {  	[spmem:s1] =	stream.indirect.scatter.add.f32 [tilespmem:s22], [sflag:$0x5], $0x80, s16, s20, $0xb8;
	[tilespmem:$0x1C880] =	vst v63  }
0xf5: {  	_ =	swait.ge [sflag:s18], $0x2800  }
0xf6: {  	[sflag:s18] =	ssyncset.done $0x0  }
0xf7: {  	[sflag:s18] =	ssyncadd.s32 $0xFFFFD800  }
0xf8: {  	_ =	swait.ge [sflag:s31], $0x2800  }
0xf9: {  	[sflag:s31] =	ssyncset.done $0x0  }
0xfa: {  	[sflag:s31] =	ssyncadd.s32 $0xFFFFD800  }
0xfb: {  	[spmem:s1] =	stream.indirect.scatter.add.f32 [tilespmem:s24], [sflag:$0x5], $0x80, s17, s20, $0xb8;
	[tilespmem:$0x1C880] =	vst v63  }
0xfc: {  	_ =	swait.ge [sflag:s18], $0x2800  }
0xfd: {  	[sflag:s18] =	ssyncset.done $0x0  }
0xfe: {  	[sflag:s18] =	ssyncadd.s32 $0xFFFFD800  }
0xff: {  	s4 =	sadd.s32 $0x1, s4;
	_ =	swait.ge [sflag:s25], $0x2800  }
0x100: {  	p1 =	sne.s32 s4, $0xA;
	[sflag:s25] =	ssyncset.done $0x0  }
.Ltmp1:
0x101: {  	[sflag:s25] =	ssyncadd.s32 $0xFFFFD800;
	(pc) =	sbr.rel @p1 .LBB2_2-.Ltmp1, $4  }
0x102: {  	[spmem:s1] =	stream.indirect.scatter.add.f32 [tilespmem:s21], [sflag:$0x5], $0x80, s2, s20, $0xb8;
	[tilespmem:$0x1C880] =	vst v63  }
0x103: {  	_ =	swait.ge [sflag:s18], $0x2800  }
0x104: {  	[sflag:s18] =	ssyncset.done $0x0  }
0x105: {  	[sflag:s18] =	ssyncadd.s32 $0xFFFFD800  }
0x106: {  	[bflag:$0x0] =	sbarrier.arrive $0xFFFF  }
0x107: {  	s4 =	rddreg [dreg:$0x4]  }
0x108: {  	s23 =	rddreg [dreg:$0x8]  }
0x109: {  	s26 =	rddreg [dreg:$0xb];
	s4 =	sor.u32 $0x1C05, s4  }
0x10a: {  	[hbm:s23], [sflag:s4] =	dma.local [spmem:s26], $0x2700  }
0x10b: {  	_ =	swait.ge [sflag:s18], $0x2700  }
0x10c: {  	[sflag:s18] =	ssyncset.done $0x0;
	s23 =	rddreg [dreg:$0x9]  }
0x10d: {  	s29 =	rddreg [dreg:$0xc];
	[sflag:s18] =	ssyncadd.s32 $0xFFFFD900  }
0x10e: {  	[hbm:s23], [sflag:s4] =	dma.local @!p0 [spmem:s29], $0x100  }
0x10f: {  	s4 =	simm.s32 @!p0 $0x5  }
0x110: {  	_ =	swait.ge @!p0 [sflag:s4], $0x100  }
0x111: {  	s30 =	rddreg [dreg:$0xd]  }
0x112: {  	s23 =	rddreg [dreg:$0xa];
	s30 =	sadd.s32 $0x1, s30  }
0x113: {  	p1 =	sne.s32 s30, s23  }
.Ltmp2:
0x114: {  	_ = 	snop;
	(pc) =	sbr.rel @p1 .LBB2_1-.Ltmp2, $3  }
0x115: {  	_ =	sdelay $0x1  }
0x116: {  	[sflag:s4] =	ssyncset.done @!p0 $0x0  }
0x117: {  	[sflag:s4] =	ssyncadd.s32 @!p0 $0xFFFFFF00;
	[dreg:$0xd] =	wrdreg s30;
	s30 =	simm.s32 $0x640  }
0x118: {  	_ =	sfence.sel $0x180000  }
0x119: {  	[bflag:$0x0] =	sbarrier.arrive $0xFFFF  }
0x11a: {  	_ =	strace $0x9000004D  }
0x11b: {  	[bflag:$0x2] =	sbarrier.arrive $0xFFFF  }
0x11c: {  	s0 =	rddreg [dreg:$0x3]  }
0x11d: {  	s0 =	sadd.s32 @!p0 $0x100000, s0  }
0x11e: {  	[sflag:s0] =	ssyncadd.tile.s32 @!p0 $0x1;
	_ =	shalt  }
.Lfunc_end2:
_tile_overlayer_lowered:
.L_overlay_start_2:
0x11f: {  	(tag) =	ssettag $0x2  }
0x120: {  	s0 =	rddreg [dreg:$0x0];
	s2 =	stileid.u32  }
0x121: {  	s1 =	rddreg [dreg:$0x1];
	p0 =	sne.s32 s2, $0x0  }
0x122: {  	s3 =	rddreg [dreg:$0x2];
	[bflag:$0x3] =	sbarrier.arrive $0xFFFF;
	s2 =	simm.s32 @!p0 $0x1C05  }
0x123: {  	[timem:s3], [sflag:s2] =	dma.local @!p0 [hbm:s0], s1  }
0x124: {  	s0 =	simm.s32 @!p0 $0x5  }
0x125: {  	_ =	swait.ge @!p0 [sflag:s0], s1  }
0x126: {  	s1 =	ssub.s32 @!p0 $0x0, s1;
	[sflag:s0] =	ssyncset.done @!p0 $0x0  }
0x127: {  	[sflag:s0] =	ssyncadd.s32 @!p0 s1  }
0x128: {  	[bflag:$0x3] =	sbarrier.arrive $0xFFFF  }
0x129: {  	_ =	shalt  }

// kernel: kernel.8.cloned.1.call-start
scs
__scs_entry_jumppad:
0x0: {  	(pc) =	sbr.rel $0x88, $3  }
0x1: {  	(tag) =	ssettag $0x0;
	lr =	simm.s32 $0x1  }
0x2: {  	[smem:$0x3F8E] =	sst lr;
	_ =	strace $0xD0000000  }
0x3: {  	_ = 	snop  }
0x4: {  	_ = 	snop  }
0x5: {  	_ = 	snop  }
0x6: {  	_ = 	snop  }
0x7: {  	_ = 	snop  }
__scs_overlays_trampoline_lowered:
0x8: {  	[smem:$0x3F9D] =	sst s0  }
0x9: {  	[smem:$0x3F9E] =	sst s1  }
0xa: {  	[smem:$0x3F9F] =	sst s2  }
0xb: {  	[smem:$0x3FA0] =	sst s3  }
0xc: {  	[smem:$0x3FA1] =	sst s4  }
0xd: {  	[smem:$0x3FA2] =	sst s5  }
0xe: {  	[smem:$0x3FA3] =	sst s6  }
0xf: {  	[smem:$0x3FA4] =	sst s7  }
0x10: {  	[smem:$0x3FA5] =	sst s8  }
0x11: {  	[smem:$0x3FA6] =	sst s9;
	s0 =	simm.s32 @!p0 $0x0  }
0x12: {  	s1 =	sld [smem:$0x3F8C];
	s0 =	simm.s32 @p0 $0x1  }
0x13: {  	[smem:$0x3FA7] =	sst s0;
	s0 =	simm.s32 @!p1 $0x0  }
0x14: {  	s2 =	sld [smem:$0x3F8B];
	s0 =	simm.s32 @p1 $0x1  }
0x15: {  	[smem:$0x3FA8] =	sst s0;
	s0 =	simm.s32 @!p2 $0x0  }
0x16: {  	s3 =	sld [smem:$0x3FDB];
	s0 =	simm.s32 @p2 $0x1  }
0x17: {  	s4 =	simm.s32 $0x1BF5;
	[smem:$0x3FAA] =	sst s0  }
0x18: {  	s0 =	sld [smem:$0x3F8D];
	_ =	swait.ge [sflag:s4], $0x0  }
0x19: {  	s7 =	sld [smem:$0x3F8E]  }
0x1a: {  	s8 =	sadd.s32 $0xFFFFE003, lr  }
0x1b: {  	s9 =	sadd.s32 $0xFFFFFEF7, lr;
	s5 =	simm.s32 $0xFFFFFFFF;
	p2 =	slt.u32 s8, $0xFFFFF086  }
0x1c: {  	p1 =	slt.u32 s9, $0xF7A;
	s5 =	simm.s32 @!p2 $0x0  }
0x1d: {  	s5 =	simm.s32 @p1 $0x1;
	p0 =	seq.s32 s7, s2  }
0x1e: {  	s7 =	smul.u32 @!p0 $0xF7A, s2;
	p2 =	seq.s32 @!p0 s5, $0x0  }
0x1f: {  	s9 =	smul.u32 $0xF7A, s1;
	s8 =	simm.s32 @!p0 $0x1BF5;
	p2 =	por !p2, p0  }
0x20: {  	[sflag:s8] =	ssyncset.s32 @!p0 $0xFFFFF086;
	s6 =	sadd.s32 @!p0 s3, s7;
	s7 =	simm.s32 @!p0 $0x108  }
0x21: {  	s3 =	sadd.s32 s3, s9;
	s6 =	sadd.s32 @!p0 $0x88, s6;
	s7 =	simm.s32 @p2 $0x1082  }
0x22: {  	[simem:s7], [sflag:s8] =	dma.local @!p0 [hbm:s6], $0xF7A  }
0x23: {  	s9 =	sor.u32 $0xD0000000, s2;
	s6 =	simm.s32 $0x108;
	_ =	swait.ge @!p0 [sflag:s8], $0x0  }
0x24: {  	s3 =	sadd.s32 $0x88, s3;
	s6 =	simm.s32 @!p1 $0x1082;
	[sflag:s4] =	ssyncset.s32 $0xFFFFF086  }
0x25: {  	[simem:s6], [sflag:s4] =	dma.local [hbm:s3], $0xF7A  }
0x26: {  	[smem:$0x3F8E] =	sst s1;
	(tag) =	ssettag s2;
	_ =	strace s9  }
0x27: {  	s1 =	sld [smem:$0x3F9E]  }
0x28: {  	s2 =	sld [smem:$0x3F9F]  }
0x29: {  	s4 =	sld [smem:$0x3FA1]  }
0x2a: {  	p0 =	seq.s32 s5, $0x0;
	s5 =	sld [smem:$0x3FA2]  }
0x2b: {  	s6 =	sld [smem:$0x3FA3]  }
0x2c: {  	s7 =	sld [smem:$0x3FA4]  }
0x2d: {  	s3 =	simm.s32 $0x108;
	s8 =	sld [smem:$0x3FA5]  }
0x2e: {  	s3 =	simm.s32 @!p0 $0x1082;
	s9 =	sld [smem:$0x3FA6]  }
0x2f: {  	lr =	sadd.s32 s0, s3;
	s0 =	sld [smem:$0x3F9D]  }
0x30: {  	s3 =	sld [smem:$0x3FA0]  }
0x31: {  	[smem:$0x3FA9] =	sst s10  }
0x32: {  	s10 =	sld [smem:$0x3FA7];
	_ =	sdelay $0x3  }
0x33: {  	p0 =	seq.s32 s10, $0x1;
	s10 =	sld [smem:$0x3FA9];
	_ =	sdelay $0x3  }
0x34: {  	[smem:$0x3FA9] =	sst s10  }
0x35: {  	s10 =	sld [smem:$0x3FA8];
	_ =	sdelay $0x3  }
0x36: {  	p1 =	seq.s32 s10, $0x1;
	s10 =	sld [smem:$0x3FA9];
	_ =	sdelay $0x3  }
0x37: {  	[smem:$0x3FA9] =	sst s10  }
0x38: {  	s10 =	sld [smem:$0x3FAA]  }
0x39: {  	_ = 	snop;
	(pc) =	sbr.ind lr, $3  }
0x3a: {  	_ = 	snop  }
0x3b: {  	_ = 	snop  }
0x3c: {  	p2 =	seq.s32 s10, $0x1;
	s10 =	sld [smem:$0x3FA9]  }
0x3d: {  	_ =	shalt  }
0x3e: {  	_ =	shalt  }
0x3f: {  	_ =	shalt  }
0x40: {  	_ =	shalt  }
0x41: {  	_ =	shalt  }
0x42: {  	_ =	shalt  }
0x43: {  	_ =	shalt  }
0x44: {  	_ =	shalt  }
0x45: {  	_ =	shalt  }
0x46: {  	_ =	shalt  }
0x47: {  	_ =	shalt  }
0x48: {  	_ =	shalt  }
0x49: {  	_ =	shalt  }
0x4a: {  	_ =	shalt  }
0x4b: {  	_ =	shalt  }
0x4c: {  	_ =	shalt  }
0x4d: {  	_ =	shalt  }
0x4e: {  	_ =	shalt  }
0x4f: {  	_ =	shalt  }
0x50: {  	_ =	shalt  }
0x51: {  	_ =	shalt  }
0x52: {  	_ =	shalt  }
0x53: {  	_ =	shalt  }
0x54: {  	_ =	shalt  }
0x55: {  	_ =	shalt  }
0x56: {  	_ =	shalt  }
0x57: {  	_ =	shalt  }
0x58: {  	_ =	shalt  }
0x59: {  	_ =	shalt  }
0x5a: {  	_ =	shalt  }
0x5b: {  	_ =	shalt  }
0x5c: {  	_ =	shalt  }
0x5d: {  	_ =	shalt  }
0x5e: {  	_ =	shalt  }
0x5f: {  	_ =	shalt  }
0x60: {  	_ =	shalt  }
0x61: {  	_ =	shalt  }
0x62: {  	_ =	shalt  }
0x63: {  	_ =	shalt  }
0x64: {  	_ =	shalt  }
0x65: {  	_ =	shalt  }
0x66: {  	_ =	shalt  }
0x67: {  	_ =	shalt  }
0x68: {  	_ =	shalt  }
0x69: {  	_ =	shalt  }
0x6a: {  	_ =	shalt  }
0x6b: {  	_ =	shalt  }
0x6c: {  	_ =	shalt  }
0x6d: {  	_ =	shalt  }
0x6e: {  	_ =	shalt  }
0x6f: {  	_ =	shalt  }
0x70: {  	_ =	shalt  }
0x71: {  	_ =	shalt  }
0x72: {  	_ =	shalt  }
0x73: {  	_ =	shalt  }
0x74: {  	_ =	shalt  }
0x75: {  	_ =	shalt  }
0x76: {  	_ =	shalt  }
0x77: {  	_ =	shalt  }
0x78: {  	_ =	shalt  }
0x79: {  	_ =	shalt  }
0x7a: {  	_ =	shalt  }
0x7b: {  	_ =	shalt  }
0x7c: {  	_ =	shalt  }
0x7d: {  	_ =	shalt  }
0x7e: {  	_ =	shalt  }
0x7f: {  	_ =	shalt  }
0x80: {  	_ =	shalt  }
0x81: {  	_ =	shalt  }
0x82: {  	_ =	shalt  }
0x83: {  	_ =	shalt  }
0x84: {  	_ =	shalt  }
0x85: {  	_ =	shalt  }
0x86: {  	_ =	shalt  }
0x87: {  	_ =	shalt  }
.Lfunc_end0:
.L_simem_size_0:
called_computation_lowered:
.L_overlay_start_0:
0x88: {  	s2 =	sld [smem:$0x3FD9]  }
0x89: {  	s3 =	sld [smem:$0x3FFE];
	_ =	sdelay $0x1  }
0x8a: {  	s1 =	srdreg.scid  }
0x8b: {  	s0 =	sand.u32 $0x1, s1  }
0x8c: {  	s15 =	sshll.u32 s0, $0xA;
	s2 =	sadd.s32 s3, s2  }
0x8d: {  	s2 =	sadd.s32 s2, s15  }
0x8e: {  	[smem:$0x3FB5] =	sst s2  }
0x8f: {  	_ = 	snop  }
0x90: {  	s2 =	sld [smem:$0x3FD0];
	_ =	sdelay $0x2  }
0x91: {  	s16 =	simm.s32 $0xA;
	s4 =	simm.s32 $0x10  }
0x92: {  	[smem:s4], [sflag:s16] =	dma.local [hbm:s2], $0x1  }
0x93: {  	_ =	swait.eq [sflag:s16], $0x1  }
0x94: {  	[sflag:s16] =	ssyncset.done $0x0  }
0x95: {  	s17 =	sld [smem:$0x10];
	[sflag:s16] =	ssyncadd.s32 $0xFFFFFFFF  }
0x96: {  	s18 =	sld [smem:$0x11];
	(tm) =	ssettm $0x1  }
0x97: {  	s19 =	sld [smem:$0x3FFB];
	_ =	sdelay $0x3  }
0x98: {  	_ =	strace s19  }
0x99: {  	s4 =	sld [smem:$0x3FFC];
	_ =	sdelay $0x3  }
0x9a: {  	_ =	strace s4  }
0x9b: {  	s4 =	sld [smem:$0x3FFD];
	_ =	sdelay $0x3  }
0x9c: {  	_ =	strace s4  }
0x9d: {  	_ =	strace $0x8FFFFFFF  }
0x9e: {  	s20 =	sld [smem:$0x3FDB];
	_ =	sdelay $0x1  }
0x9f: {  	s5 =	simm.s32 $_scs_section_size  }
0xa0: {  	s6 =	simm.s32 $_size__tile_overlayer_lowered;
	s7 =	simm.s32 $_tile_overlayer_lowered  }
0xa1: {  	s23 =	simm.s32 $0x1BFF;
	s22 =	sshll.u32 s7, $0x1;
	s4 =	sadd.s32 s5, s20  }
0xa2: {  	s8 =	simm.s32 $0x0;
	s21 =	sshll.u32 s6, $0x1;
	s6 =	sadd.s32 s22, s4  }
0xa3: {  	[timem:s8], [sflag:s23] =	dma.local [hbm:s6], s21  }
0xa4: {  	_ =	swait.ge [sflag:s23], s21  }
0xa5: {  	s5 =	ssub.s32 $0x0, s21;
	[sflag:s23] =	ssyncset.done $0x0  }
0xa6: {  	[sflag:s23] =	ssyncadd.s32 s5;
	_ =	sdelay $0x1  }
0xa7: {  	s24 =	simm.s32 $0x1B8B  }
0xa8: {  	_ =	swait.ge [sflag:s24], $0x1  }
0xa9: {  	[sflag:s24] =	ssyncset.done $0x0  }
0xaa: {  	s25 =	simm.s32 $0x1B8E;
	[sflag:s24] =	ssyncadd.s32 $0xFFFFFFFF  }
0xab: {  	s26 =	simm.s32 $execute0_lowered;
	[smem:$0x3FD2] =	sst s25  }
0xac: {  	s5 =	sshll.u32 s26, $0x1;
	_ =	strace $0x80000046;
	[dreg:$0x1] =	wrdreg $0xFFFFFFFF  }
0xad: {  	s28 =	simm.s32 $_size_execute0_lowered;
	s4 =	sadd.s32 s4, s5;
	[dreg:$0x0] =	wrdreg $0x0  }
0xae: {  	s5 =	sshll.u32 s28, $0x1;
	[dreg:$0x2] =	wrdreg s4  }
0xaf: {  	[dreg:$0x3] =	wrdreg s5  }
0xb0: {  	[dreg:$0x4] =	wrdreg $0xC0  }
0xb1: {  	_ =	task [dreg:s8], $0x5FFFF  }
0xb2: {  	[dreg:$0x1] =	wrdreg $0xFFFFFFFF  }
0xb3: {  	[dreg:$0x0] =	wrdreg $0x60  }
0xb4: {  	[dreg:$0x2] =	wrdreg s17  }
0xb5: {  	[dreg:$0x3] =	wrdreg s18  }
0xb6: {  	[dreg:$0x4] =	wrdreg $0x9  }
0xb7: {  	_ =	task.clear_ibuf [dreg:s8], $0x5FFFF;
	_ =	strace $0x90000046  }
0xb8: {  	s29 =	simm.s32 $0x9;
	_ =	strace $0x80000048  }
0xb9: {  	_ =	swait.ge [sflag:s29], $0x1  }
0xba: {  	[sflag:s29] =	ssyncadd.s32 $0xFFFFFFFF  }
0xbb: {  	_ =	strace $0x90000048  }
0xbc: {  	_ =	sfence  }
0xbd: {  	s30 =	sld [smem:$0x0];
	_ =	sdelay $0x2  }
0xbe: {  	s31 =	sshll.u32 s1, $0xD;
	s1 =	sshrl.u32 s1, $0x2  }
0xbf: {  	s3 =	sand.u32 $0x4000, s31;
	s1 =	sadd.s32 s1, s30  }
0xc0: {  	s0 =	sor.u32 s3, s0;
	s1 =	sshll.u32 s1, $0x11  }
0xc1: {  	s0 =	sor.u32 s1, s0  }
0xc2: {  	s0 =	sadd.s32 $0x8F2B, s0  }
0xc3: {  	[sflag:s0] =	ssyncadd.remote.s32 $0x1  }
0xc4: {  	_ =	sfence.sel $0xFFFF  }
0xc5: {  	[dreg:$0x0] =	wrdreg $0xFFFFFFFF;
	(pc) =	sbr.abs _section_cstart, $3  }
0xc6: {  	[dreg:$0x1] =	wrdreg $0xFFFFFFFF  }
0xc7: {  	_ =	task.clear_ibuf [dreg:s8], $0x2FFFF;
	_ =	strace $0x9FFFFFFF  }
0xc8: {  	(tm) =	ssettm $0x7FFFFFFF  }
0xc9: {  	_ =	shalt  }
tec
execute0_lowered:
.L_overlay_start_1:
0x0: {  	(tag) =	ssettag $0x1  }
0x1: {  	s0 =	srdreg.scid  }
0x2: {  	s3 =	sand.u32 $0x1, s0  }
0x3: {  	s4 =	rddreg [dreg:$0x0];
	s0 =	stileid.u32;
	s1 =	sshll.u32 s3, $0x4  }
0x4: {  	s5 =	rddreg [dreg:$0x1];
	s2 =	simm.s32 $0x0;
	s6 =	sor.u32 s0, s1  }
0x5: {  	s9 =	simm.s32 $0x400;
	s10 =	simm.s32 $0x0;
	s7 =	sshrl.u32 s6, $0x3  }
0x6: {  	[smem:$0x7FF] =	sst s2;
	s8 =	sshll.u32 s0, $0x7;
	s7 =	smul.u32 $0x13C00, s7  }
0x7: {  	s3 =	ssub.s32 $0x2, s3;
	s1 =	rddreg [dreg:$0x2];
	s8 =	sand.u32 $0x380, s8  }
0x8: {  	s31 =	sshrl.u32 s3, $0x1;
	s6 =	smul.u32 $0x4E2, s6;
	s7 =	sor.u32 s8, s7  }
0x9: {  	_ =	strace $0x80000047;
	s8 =	ssub.s32 s3, s31;
	s7 =	sshrl.u32 s7, $0x3  }
0xa: {  	s3 =	sadd.s32 s4, s6;
	s6 =	simm.s32 $0x1;
	s4 =	sadd.s32 s5, s7  }
0xb: {  	v0 =	vimm.f32 $0.0e+00;
	v1 =	vimm.f32 $1.000000000e+00;
	s5 =	smax.u32 s8, $0x1;
	s7 =	simm.s32 $0x2780;
	s8 =	simm.s32 $0x80  }
.LBB2_1:
0xc: {  	[tilespmem:s2], [sflag:$0x1] =	stream.linear.gather [hbm4b:s3+s2], $0x2710, $0x38;
	[tilespmem:$0x4F00] =	vst v63  }
0xd: {  	_ =	swait.ge [sflag:s6], $0x2710  }
0xe: {  	[sflag:s6] =	ssyncset.done $0x0  }
0xf: {  	s12 =	simm.s32 $0x100;
	s11 =	simm.s32 $0x0;
	[sflag:s6] =	ssyncadd.s32 $0xFFFFD8F0  }
.LBB2_2:
0x10: {  	p0 =	sne.s32 s12, $0x9B00;
	[tilespmem:s11+$0x27B0] =	vst v0;
	s13 =	smov.u32 s12;
	s12 =	sadd.s32 $0x100, s12  }
.Ltmp0:
0x11: {  	[tilespmem:s11+$0x27A0] =	vst v0;
	(pc) =	sbr.rel @p0 .LBB2_2-.Ltmp0, $3  }
0x12: {  	[tilespmem:s11+$0x2780] =	vst v0  }
0x13: {  	[tilespmem:s11+$0x2790] =	vst v0;
	_ =	sdelay $0x1  }
0x14: {  	s11 =	sshra.s32 s13, $0x2  }
0x15: {  	[tilespmem:s11+$0x27B0] =	vst v0  }
0x16: {  	[tilespmem:s11+$0x27A0] =	vst v0  }
0x17: {  	[tilespmem:s11+$0x2780] =	vst v0  }
0x18: {  	[tilespmem:s11+$0x2790] =	vst v0  }
0x19: {  	s11 =	simm.s32 $0x0;
	[tilespmem:$0x4E80] =	vst v0  }
.LBB2_4:
0x1a: {  	s12 =	sshra.s32 s11, $0x2  }
0x1b: {  	v2 =	vld [tilespmem:s12+$0x0];
	_ =	sdelay $0x7  }
0x1c: {  	[tilespmem:v2+s7+$0x0] =	vst.idx.add.f32.msk $0xffff, v1  }
0x1d: {  	v2 =	vld [tilespmem:s12+$0x10];
	_ =	sdelay $0x7  }
0x1e: {  	[tilespmem:v2+s7+$0x0] =	vst.idx.add.f32.msk $0xffff, v1  }
0x1f: {  	v2 =	vld [tilespmem:s12+$0x20];
	_ =	sdelay $0x7  }
0x20: {  	[tilespmem:v2+s7+$0x0] =	vst.idx.add.f32.msk $0xffff, v1  }
0x21: {  	v2 =	vld [tilespmem:s12+$0x30];
	_ =	sdelay $0x2  }
0x22: {  	p0 =	sne.s32 s11, $0x9B00  }
.Ltmp1:
0x23: {  	_ = 	snop;
	(pc) =	sbr.rel @p0 .LBB2_4-.Ltmp1, $2  }
0x24: {  	_ =	sdelay $0x2  }
0x25: {  	s11 =	sadd.s32 $0x100, s11;
	[tilespmem:v2+s7+$0x0] =	vst.idx.add.f32.msk $0xffff, v1  }
0x26: {  	v2 =	vld [tilespmem:$0x2700];
	_ =	sdelay $0x5  }
0x27: {  	s10 =	sadd.s32 $0x1, s10  }
0x28: {  	p0 =	sne.s32 s10, s5  }
.Ltmp2:
0x29: {  	[tilespmem:v2+s7+$0x0] =	vst.idx.add.f32.msk $0xffff, v1;
	(pc) =	sbr.rel @p0 .LBB2_1-.Ltmp2, $4  }
0x2a: {  	[hbm4b:s4+s8] =	stream.strided.scatter [tilespmem:s7], [sflag:$0x1], $0x2780, s9, s8, $0x38;
	[tilespmem:$0x4F00] =	vst v63  }
0x2b: {  	_ =	swait.ge [sflag:s6], $0x2780  }
0x2c: {  	[sflag:s6] =	ssyncset.done $0x0  }
0x2d: {  	[sflag:s6] =	ssyncadd.s32 $0xFFFFD880  }
0x2e: {  	_ =	sfence.sel $0x180000  }
0x2f: {  	[bflag:$0x0] =	sbarrier.arrive $0xFFFF  }
0x30: {  	p0 =	sne.s32 s0, $0x0;
	_ =	strace $0x90000047  }
0x31: {  	s0 =	sadd.s32 @!p0 $0x100000, s1;
	[bflag:$0x2] =	sbarrier.arrive $0xFFFF  }
0x32: {  	[sflag:s0] =	ssyncadd.tile.s32 @!p0 $0x1;
	_ =	shalt  }
.Lfunc_end2:
_tile_overlayer_lowered:
.L_overlay_start_2:
0x33: {  	(tag) =	ssettag $0x2  }
0x34: {  	s0 =	rddreg [dreg:$0x0];
	s2 =	stileid.u32  }
0x35: {  	s1 =	rddreg [dreg:$0x1];
	p0 =	sne.s32 s2, $0x0  }
0x36: {  	s3 =	rddreg [dreg:$0x2];
	[bflag:$0x3] =	sbarrier.arrive $0xFFFF;
	s2 =	simm.s32 @!p0 $0x1C01  }
0x37: {  	[timem:s3], [sflag:s2] =	dma.local @!p0 [hbm:s0], s1  }
0x38: {  	s0 =	simm.s32 @!p0 $0x1  }
0x39: {  	_ =	swait.ge @!p0 [sflag:s0], s1  }
0x3a: {  	s1 =	ssub.s32 @!p0 $0x0, s1;
	[sflag:s0] =	ssyncset.done @!p0 $0x0  }
0x3b: {  	[sflag:s0] =	ssyncadd.s32 @!p0 s1  }
0x3c: {  	[bflag:$0x3] =	sbarrier.arrive $0xFFFF  }
0x3d: {  	_ =	shalt  }

</sc_bundles>
